<compile_context>
chip_gen: v7x
topology: tpu7x:2x2x1
jax: 0.10.2.dev20260603
libtpu: 0.0.44.dev20260713+nightly
codegen_flags: <defaults>
</compile_context>

<pallas_src>
import functools

import jax
import jax.numpy as jnp
from jax import lax
from jax.experimental import pallas as pl
from jax.experimental.pallas import tpu as pltpu
from jax.experimental.pallas import tpu_sc as plsc

B, H, W = 16, 512, 512
N = H * W
HALF = N // 2
L = 16
NC, NS = 2, 16
NW = NC * NS
NBINS = 1024
CHUNK = 8192
NCHUNK = HALF // CHUNK
NGRP = NBINS // L
UNROLL = 4
EXROW = 2 * NBINS + 128
POS_T = 0.1

_mesh = plsc.VectorSubcoreMesh(
    core_axis_name="c", subcore_axis_name="s", num_cores=NC, num_subcores=NS
)


def _suffix_incl(x, carry):
    sfx = jnp.flip(jnp.cumsum(jnp.flip(x, 0)), 0) + carry
    new_carry = carry + jnp.broadcast_to(jnp.sum(x), (L,))
    return sfx, new_carry


@functools.partial(
    pl.kernel,
    out_type=jax.ShapeDtypeStruct((NW, L), jnp.float32),
    mesh=_mesh,
    compiler_params=pltpu.CompilerParams(needs_layout_passes=False),
    scratch_types=[
        pltpu.VMEM((CHUNK,), jnp.float32),
        pltpu.VMEM((CHUNK,), jnp.float32),
        pltpu.VMEM((CHUNK,), jnp.float32),
        pltpu.VMEM((CHUNK,), jnp.float32),
        pltpu.VMEM((CHUNK,), jnp.float32),
        pltpu.VMEM((CHUNK,), jnp.float32),
        pltpu.VMEM((CHUNK,), jnp.float32),
        pltpu.VMEM((CHUNK,), jnp.float32),
        pltpu.VMEM((CHUNK,), jnp.float32),
        pltpu.VMEM((CHUNK,), jnp.float32),
        pltpu.VMEM((L * NBINS,), jnp.float32),
        pltpu.VMEM((L * NBINS,), jnp.float32),
        pltpu.VMEM((EXROW,), jnp.float32),
        pltpu.VMEM((EXROW,), jnp.float32),
        pltpu.VMEM((EXROW,), jnp.float32),
        pltpu.VMEM((L,), jnp.float32),
        pltpu.VMEM_SHARED((NS, EXROW), jnp.float32),
        pltpu.SemaphoreType.DMA,
        pltpu.SemaphoreType.DMA,
    ],
)
def _sc_loss(gh, gah, pg, pga, mk, out,
             glA, gaA, pgA, paA, mA, glB, gaB, pgB, paB, mB,
             hcg_v, hca_v, mc_v, mh0_v, mh1_v, res_v,
             hist_sh, sem_a, sem_b):
    cid = lax.axis_index("c")
    sid = lax.axis_index("s")
    img = cid * 8 + sid // 2
    half = sid % 2
    base = img * N + half * HALF
    pair0 = (sid // 2) * 2
    lane_iota = lax.iota(jnp.int32, L)
    lane_f = lane_iota.astype(jnp.float32)
    lane_off = lane_iota * NBINS
    zeros = jnp.zeros((L,), jnp.float32)
    ones = jnp.ones((L,), jnp.float32)

    @plsc.parallel_loop(0, (L * NBINS) // (UNROLL * L))
    def _(i):
        for j in range(UNROLL):
            o = i * (UNROLL * L) + j * L
            hcg_v[pl.ds(o, L)] = zeros
            hca_v[pl.ds(o, L)] = zeros

    def start(off, bufs, sem):
        for src, dst in zip((gh, gah, pg, pga, mk), bufs):
            pltpu.async_copy(src.at[pl.ds(off, CHUNK)], dst, sem)

    def wait5(bufs, sem):
        src = gh.at[pl.ds(0, CHUNK)]
        for dst in bufs:
            pltpu.make_async_copy(src, dst, sem).wait()

    bufsA = (glA, gaA, pgA, paA, mA)
    bufsB = (glB, gaB, pgB, paB, mB)

    def process(bufs, tots):
        gl_v, ga_v, pg_v, pa_v, m_v = bufs

        def inner(i, accs):
            tsg, nsg, tsa, nsa = accs
            tsg, nsg, tsa, nsa = list(tsg), list(nsg), list(tsa), list(nsa)
            for j in range(UNROLL):
                o = i * (UNROLL * L) + j * L
                lg = gl_v[pl.ds(o, L)]
                la = ga_v[pl.ds(o, L)]
                prg = pg_v[pl.ds(o, L)]
                pra = pa_v[pl.ds(o, L)]
                mm = m_v[pl.ds(o, L)]
                dg = prg - lg
                vg = dg * dg * mm
                da = pra - la
                va = da * da * mm
                negg = lg < POS_T
                nega = la < POS_T
                bng = jnp.minimum((vg * NBINS).astype(jnp.int32), NBINS - 1)
                bna = jnp.minimum((va * NBINS).astype(jnp.int32), NBINS - 1)
                plsc.addupdate_scatter(hcg_v, [lane_off + bng], ones, mask=negg)
                plsc.addupdate_scatter(hca_v, [lane_off + bna], ones, mask=nega)
                tsg[j] = tsg[j] + vg
                nsg[j] = nsg[j] + jnp.where(negg, vg, zeros)
                tsa[j] = tsa[j] + va
                nsa[j] = nsa[j] + jnp.where(nega, va, zeros)
            return (tuple(tsg), tuple(nsg), tuple(tsa), tuple(nsa))

        return plsc.parallel_loop(0, CHUNK // (UNROLL * L), carry=tots)(inner)

    start(base, bufsA, sem_a)

    def pair_body(pi, tots):
        off = base + pi * (2 * CHUNK)
        wait5(bufsA, sem_a)
        start(off + CHUNK, bufsB, sem_b)
        tots = process(bufsA, tots)
        wait5(bufsB, sem_b)

        @pl.when(pi < NCHUNK // 2 - 1)
        def _():
            start(off + 2 * CHUNK, bufsA, sem_a)

        return process(bufsB, tots)

    z4 = tuple(zeros for _ in range(UNROLL))
    tsg, nsg, tsa, nsa = lax.fori_loop(0, NCHUNK // 2, pair_body,
                                       (z4, z4, z4, z4))

    def _fold(parts):
        r = parts[0]
        for a in parts[1:]:
            r = r + a
        return jnp.broadcast_to(jnp.sum(r), (L,))

    SOFF = 2 * NBINS
    mc_v[pl.ds(SOFF + 0 * L, L)] = _fold(tsg)
    mc_v[pl.ds(SOFF + 1 * L, L)] = _fold(nsg)
    mc_v[pl.ds(SOFF + 2 * L, L)] = _fold(tsa)
    mc_v[pl.ds(SOFF + 3 * L, L)] = _fold(nsa)

    @plsc.parallel_loop(0, NGRP)
    def _(g):
        cg = zeros
        ca = zeros
        for l in range(L):
            o = l * NBINS + g * L
            cg = cg + hcg_v[pl.ds(o, L)]
            ca = ca + hca_v[pl.ds(o, L)]
        mc_v[pl.ds(g * L, L)] = cg
        mc_v[pl.ds(NBINS + g * L, L)] = ca

    pltpu.sync_copy(mc_v, hist_sh.at[sid])
    plsc.subcore_barrier()
    pltpu.sync_copy(hist_sh.at[pair0], mh0_v)
    pltpu.sync_copy(hist_sh.at[pair0 + 1], mh1_v)

    def finish(loss):
        hoff = loss * NBINS
        so = 2 * NBINS + 2 * loss * L
        tot = mh0_v[pl.ds(so, L)] + mh1_v[pl.ds(so, L)]
        neg_sum = mh0_v[pl.ds(so + L, L)] + mh1_v[pl.ds(so + L, L)]

        def cnt_body(g, acc):
            o = hoff + g * L
            return acc + mh0_v[pl.ds(o, L)] + mh1_v[pl.ds(o, L)]

        pre_cc = lax.fori_loop(0, NGRP, cnt_body, zeros)
        neg_n = jnp.broadcast_to(jnp.sum(pre_cc), (L,))
        pos_n = float(N) - neg_n
        k_v = jnp.clip(3.0 * pos_n, 1.0, float(N))
        k500_v = jnp.full((L,), 500.0, jnp.float32)

        def walk_body(j, carry):
            cc, cs, acc_k, acc_500 = carry
            g = (NGRP - 1) - j
            o = hoff + g * L
            c = mh0_v[pl.ds(o, L)] + mh1_v[pl.ds(o, L)]
            centers = (jnp.float32(g * L) + lane_f + 0.5) * (1.0 / NBINS)
            s = c * centers
            C, cc = _suffix_incl(c, cc)
            S, cs = _suffix_incl(s, cs)

            def pick(kk):
                m = jnp.logical_and(C >= kk, (C - c) < kk)
                return jnp.where(m, S - (C - kk) * centers, zeros)

            return (cc, cs, acc_k + pick(k_v), acc_500 + pick(k500_v))

        _, _, acc_k, acc_500 = lax.fori_loop(
            0, NGRP, walk_body, (zeros, zeros, zeros, zeros)
        )
        topk_mean = jnp.broadcast_to(jnp.sum(acc_k), (L,)) / k_v
        top500_mean = jnp.broadcast_to(jnp.sum(acc_500), (L,)) / k500_v

        posi = (tot - neg_sum) / jnp.maximum(pos_n, ones)
        nega_mean = neg_sum / jnp.maximum(neg_n, ones)
        nega = jnp.where(neg_n < 3.0 * pos_n, nega_mean, topk_mean)
        res = jnp.where(pos_n > 0.0, posi + nega, top500_mean)

        res_v[...] = res
        pltpu.sync_copy(res_v, out.at[loss * B + img])

    @pl.when(half == 0)
    def _():
        finish(0)

    @pl.when(half == 1)
    def _():
        finish(1)


def kernel(gh_label, gah_label, p_gh, p_gah, mask):
    flat = lambda x: x.reshape(B * N)
    out = _sc_loss(flat(gh_label), flat(gah_label), flat(p_gh), flat(p_gah),
                   flat(mask))
    return jnp.sum(out[:, 0]) / B

# --- scband reference (transcript-rebuilt; emitter-appended) ---
"""Pipeline reference for scband-saliency-loss-14740327760077 (READ-ONLY COPY).

The authoritative reference and input builder live on the scoring server;
editing this copy changes nothing except your own understanding.
"""

import jax, jax.numpy as jnp
import numpy as np

B, H, W = 16, 512, 512


def setup_inputs(seed: int = 0) -> dict:
    key = jax.random.key(seed)
    k1, k2, k3, k4, k5 = jax.random.split(key, 5)
    # labels scaled to [0, 0.12) so that ~17% of pixels exceed the 0.1
    # positive threshold, exercising the hard-negative top-k branch
    gh_label = jax.random.uniform(k1, (B, H, W), dtype=jnp.float32) * 0.12
    gah_label = jax.random.uniform(k2, (B, H, W), dtype=jnp.float32) * 0.12
    p_gh = jax.random.uniform(k3, (B, H, W), dtype=jnp.float32)
    p_gah = jax.random.uniform(k4, (B, H, W), dtype=jnp.float32)
    mask = jax.random.uniform(k5, (B, H, W), dtype=jnp.float32)
    return {"gh_label": gh_label, "gah_label": gah_label, "p_gh": p_gh,
            "p_gah": p_gah, "mask": mask}


def _single_image_loss(pre_loss, loss_label):
    b = pre_loss.shape[0]
    pre = pre_loss.reshape(b, -1)
    lbl = loss_label.reshape(b, -1)
    n = pre.shape[1]

    def per_image(pre_i, lbl_i):
        pos_mask = lbl_i >= 0.1
        pos_n = jnp.sum(pos_mask)
        neg_mask = jnp.logical_not(pos_mask)
        neg_n = n - pos_n
        # mean over positive pixels
        posi_loss = jnp.sum(jnp.where(pos_mask, pre_i, 0.0)) / jnp.maximum(pos_n, 1)
        # mean over ALL negative pixels (used when neg_n < 3*pos_n)
        nega_mean = jnp.sum(jnp.where(neg_mask, pre_i, 0.0)) / jnp.maximum(neg_n, 1)
        # top-(3*pos_n) over negative pixels, via descending sort + cumsum
        neg_sorted = jnp.sort(jnp.where(neg_mask, pre_i, -jnp.inf))[::-1]
        csum = jnp.cumsum(jnp.where(jnp.isfinite(neg_sorted), neg_sorted, 0.0))
        k = jnp.clip(3 * pos_n, 1, n)
        topk_mean = csum[k - 1] / k
        nega_loss = jnp.where(neg_n < 3 * pos_n, nega_mean, topk_mean)
        # fallback when no positive pixels: mean of top-500 of pre_loss
        top500 = jax.lax.top_k(pre_i, 500)[0]
        top500_mean = jnp.mean(top500)
        return jnp.where(pos_n > 0, posi_loss + nega_loss, top500_mean)

    contribs = jax.vmap(per_image)(pre, lbl)
    return jnp.sum(contribs)


def reference(gh_label, gah_label, p_gh, p_gah, mask):
    loss1 = (p_gh - gh_label) ** 2
    loss2 = (p_gah - gah_label) ** 2
    loss_g = loss1 * mask
    loss_a = loss2 * mask
    char_loss = _single_image_loss(loss_g, gh_label)
    affi_loss = _single_image_loss(loss_a, gah_label)
    return char_loss / loss_g.shape[0] + affi_loss / loss_a.shape[0]

if __name__ == "__main__":
    import jax
    _d = setup_inputs()
    print(jax.jit(kernel)(*tuple(_d.values())))

</pallas_src>

<mosaic_0001>
#map = affine_map<(d0, d1) -> (0)>
#map1 = affine_map<(d0, d1) -> (0, 0)>
module attributes {stable_mosaic.version = 14 : i64} {
  func.func @_sc_loss(%arg0: i32, %arg1: i32, %arg2: memref<4194304xf32, #tpu.memory_space<hbm>>, %arg3: memref<4194304xf32, #tpu.memory_space<hbm>>, %arg4: memref<4194304xf32, #tpu.memory_space<hbm>>, %arg5: memref<4194304xf32, #tpu.memory_space<hbm>>, %arg6: memref<4194304xf32, #tpu.memory_space<hbm>>, %arg7: memref<32x16xf32, #tpu.memory_space<hbm>>, %arg8: memref<8192xf32, #tpu.memory_space<vmem>>, %arg9: memref<8192xf32, #tpu.memory_space<vmem>>, %arg10: memref<8192xf32, #tpu.memory_space<vmem>>, %arg11: memref<8192xf32, #tpu.memory_space<vmem>>, %arg12: memref<8192xf32, #tpu.memory_space<vmem>>, %arg13: memref<8192xf32, #tpu.memory_space<vmem>>, %arg14: memref<8192xf32, #tpu.memory_space<vmem>>, %arg15: memref<8192xf32, #tpu.memory_space<vmem>>, %arg16: memref<8192xf32, #tpu.memory_space<vmem>>, %arg17: memref<8192xf32, #tpu.memory_space<vmem>>, %arg18: memref<16384xf32, #tpu.memory_space<vmem>>, %arg19: memref<16384xf32, #tpu.memory_space<vmem>>, %arg20: memref<2176xf32, #tpu.memory_space<vmem>>, %arg21: memref<2176xf32, #tpu.memory_space<vmem>>, %arg22: memref<2176xf32, #tpu.memory_space<vmem>>, %arg23: memref<16xf32, #tpu.memory_space<vmem>>, %arg24: memref<16x2176xf32, #tpu.memory_space<vmem_shared>>, %arg25: memref<!tpu.dma_semaphore, #tpu.memory_space<semaphore_mem>>, %arg26: memref<!tpu.dma_semaphore, #tpu.memory_space<semaphore_mem>>) attributes {dimension_semantics = [#tpu.dimension_semantics<core_parallel>, #tpu.dimension_semantics<subcore_parallel>], iteration_bounds = array<i64: 2, 16>, scalar_prefetch = 0 : i64, scratch_operands = 19 : i64, tpu.core_type = #tpu.core_type<sc_vector_subcore>, window_params = [{transform_indices = #map}, {transform_indices = #map}, {transform_indices = #map}, {transform_indices = #map}, {transform_indices = #map}, {transform_indices = #map1}]} {
    %mul3A = arith.constant 8 : i32
    %mul3A_0 = arith.muli %arg0, %mul3A : i32
    %jit3A = arith.constant 2 : i32
    %div3A = arith.divsi %arg1, %jit3A : i32
    %sign3A = arith.constant 0 : i32
    %sign3A_1 = arith.cmpi sgt, %arg1, %sign3A : i32
    %sign3A_2 = arith.extui %sign3A_1 : i1 to i32
    %sign3A_3 = arith.constant 0 : i32
    %sign3A_4 = arith.cmpi slt, %arg1, %sign3A_3 : i32
    %sign3A_5 = arith.extui %sign3A_4 : i1 to i32
    %sign3A_6 = arith.subi %sign3A_2, %sign3A_5 : i32
    %sign3A_7 = arith.constant 0 : i32
    %sign3A_8 = arith.cmpi sgt, %jit3A, %sign3A_7 : i32
    %sign3A_9 = arith.extui %sign3A_8 : i1 to i32
    %sign3A_10 = arith.constant 0 : i32
    %sign3A_11 = arith.cmpi slt, %jit3A, %sign3A_10 : i32
    %sign3A_12 = arith.extui %sign3A_11 : i1 to i32
    %sign3A_13 = arith.subi %sign3A_9, %sign3A_12 : i32
    %ne3A = arith.cmpi ne, %sign3A_6, %sign3A_13 : i32
    %rem3A = arith.remsi %arg1, %jit3A : i32
    %ne3A_14 = arith.constant 0 : i32
    %ne3A_15 = arith.cmpi ne, %rem3A, %ne3A_14 : i32
    %and3A = arith.andi %ne3A, %ne3A_15 : i1
    %sub3A = arith.constant 1 : i32
    %sub3A_16 = arith.subi %div3A, %sub3A : i32
    %select_n3A = arith.select %and3A, %sub3A_16, %div3A : i32
    %add3A = arith.addi %mul3A_0, %select_n3A : i32
    %jit3A_17 = arith.constant 2 : i32
    %eq3A = arith.constant 0 : i32
    %eq3A_18 = arith.cmpi eq, %jit3A_17, %eq3A : i32
    %jit3A_19 = arith.constant 1 : i32
    %select_n3A_20 = arith.select %eq3A_18, %jit3A_19, %jit3A_17 : i32
    %rem3A_21 = arith.remsi %arg1, %select_n3A_20 : i32
    %ne3A_22 = arith.constant 0 : i32
    %ne3A_23 = arith.cmpi ne, %rem3A_21, %ne3A_22 : i32
    %lt3A = arith.constant 0 : i32
    %lt3A_24 = arith.cmpi slt, %rem3A_21, %lt3A : i32
    %lt3A_25 = arith.constant 0 : i32
    %lt3A_26 = arith.cmpi slt, %select_n3A_20, %lt3A_25 : i32
    %ne3A_27 = arith.xori %lt3A_24, %lt3A_26 : i1
    %and3A_28 = arith.andi %ne3A_27, %ne3A_23 : i1
    %add3A_29 = arith.addi %rem3A_21, %select_n3A_20 : i32
    %select_n3A_30 = arith.select %and3A_28, %add3A_29, %rem3A_21 : i32
    %mul3A_31 = arith.constant 262144 : i32
    %mul3A_32 = arith.muli %add3A, %mul3A_31 : i32
    %mul3A_33 = arith.constant 131072 : i32
    %mul3A_34 = arith.muli %select_n3A_30, %mul3A_33 : i32
    %add3A_35 = arith.addi %mul3A_32, %mul3A_34 : i32
    %jit3A_36 = arith.constant 2 : i32
    %div3A_37 = arith.divsi %arg1, %jit3A_36 : i32
    %sign3A_38 = arith.constant 0 : i32
    %sign3A_39 = arith.cmpi sgt, %arg1, %sign3A_38 : i32
    %sign3A_40 = arith.extui %sign3A_39 : i1 to i32
    %sign3A_41 = arith.constant 0 : i32
    %sign3A_42 = arith.cmpi slt, %arg1, %sign3A_41 : i32
    %sign3A_43 = arith.extui %sign3A_42 : i1 to i32
    %sign3A_44 = arith.subi %sign3A_40, %sign3A_43 : i32
    %sign3A_45 = arith.constant 0 : i32
    %sign3A_46 = arith.cmpi sgt, %jit3A_36, %sign3A_45 : i32
    %sign3A_47 = arith.extui %sign3A_46 : i1 to i32
    %sign3A_48 = arith.constant 0 : i32
    %sign3A_49 = arith.cmpi slt, %jit3A_36, %sign3A_48 : i32
    %sign3A_50 = arith.extui %sign3A_49 : i1 to i32
    %sign3A_51 = arith.subi %sign3A_47, %sign3A_50 : i32
    %ne3A_52 = arith.cmpi ne, %sign3A_44, %sign3A_51 : i32
    %rem3A_53 = arith.remsi %arg1, %jit3A_36 : i32
    %ne3A_54 = arith.constant 0 : i32
    %ne3A_55 = arith.cmpi ne, %rem3A_53, %ne3A_54 : i32
    %and3A_56 = arith.andi %ne3A_52, %ne3A_55 : i1
    %sub3A_57 = arith.constant 1 : i32
    %sub3A_58 = arith.subi %div3A_37, %sub3A_57 : i32
    %select_n3A_59 = arith.select %and3A_56, %sub3A_58, %div3A_37 : i32
    %mul3A_60 = arith.constant 2 : i32
    %mul3A_61 = arith.muli %select_n3A_59, %mul3A_60 : i32
    %iota3A = tpu.iota {dimensions = array<i32: 0>} : vector<16xi32>
    %convert_element_type3A = arith.sitofp %iota3A : vector<16xi32> to vector<16xf32>
    %mul3A_62 = arith.constant 1024 : i32
    %mul3A_63 = vector.broadcast %mul3A_62 : i32 to vector<16xi32>
    %mul3A_64 = arith.muli %iota3A, %mul3A_63 : vector<16xi32>
    %broadcast_in_dim3A = arith.constant 0.000000e+00 : f32
    %broadcast_in_dim3A_65 = vector.broadcast %broadcast_in_dim3A : f32 to vector<16xf32>
    %broadcast_in_dim3A_66 = arith.constant 1.000000e+00 : f32
    %broadcast_in_dim3A_67 = vector.broadcast %broadcast_in_dim3A_66 : f32 to vector<16xf32>
    %parallel_loop3A = arith.constant 0 : i32
    %parallel_loop3A_68 = arith.constant 256 : i32
    %parallel_loop3A_69 = arith.constant 1 : i32
    scf.for %parallel_loop3A_136 = %parallel_loop3A to %parallel_loop3A_68 step %parallel_loop3A_69  : i32 {
      %parallel_loop3A_137 = arith.constant 64 : i32
      %parallel_loop3A_138 = arith.muli %parallel_loop3A_136, %parallel_loop3A_137 : i32
      %parallel_loop3A_139 = arith.constant 0 : i32
      %parallel_loop3A_140 = arith.addi %parallel_loop3A_138, %parallel_loop3A_139 : i32
      %parallel_loop3A_141 = arith.index_cast %parallel_loop3A_140 : i32 to index
      %parallel_loop3A_142 = tpu.vector_load %arg18[%parallel_loop3A_141] {strides = array<i32>} : memref<16384xf32, #tpu.memory_space<vmem>>, vector<16xf32>,
      tpu.vector_store %arg18[%parallel_loop3A_141], %broadcast_in_dim3A_65 {strides = array<i32>} : memref<16384xf32, #tpu.memory_space<vmem>>, vector<16xf32>,
      %parallel_loop3A_143 = arith.index_cast %parallel_loop3A_140 : i32 to index
      %parallel_loop3A_144 = tpu.vector_load %arg19[%parallel_loop3A_143] {strides = array<i32>} : memref<16384xf32, #tpu.memory_space<vmem>>, vector<16xf32>,
      tpu.vector_store %arg19[%parallel_loop3A_143], %broadcast_in_dim3A_65 {strides = array<i32>} : memref<16384xf32, #tpu.memory_space<vmem>>, vector<16xf32>,
      %parallel_loop3A_145 = arith.constant 64 : i32
      %parallel_loop3A_146 = arith.muli %parallel_loop3A_136, %parallel_loop3A_145 : i32
      %parallel_loop3A_147 = arith.constant 16 : i32
      %parallel_loop3A_148 = arith.addi %parallel_loop3A_146, %parallel_loop3A_147 : i32
      %parallel_loop3A_149 = arith.index_cast %parallel_loop3A_148 : i32 to index
      %parallel_loop3A_150 = tpu.vector_load %arg18[%parallel_loop3A_149] {strides = array<i32>} : memref<16384xf32, #tpu.memory_space<vmem>>, vector<16xf32>,
      tpu.vector_store %arg18[%parallel_loop3A_149], %broadcast_in_dim3A_65 {strides = array<i32>} : memref<16384xf32, #tpu.memory_space<vmem>>, vector<16xf32>,
      %parallel_loop3A_151 = arith.index_cast %parallel_loop3A_148 : i32 to index
      %parallel_loop3A_152 = tpu.vector_load %arg19[%parallel_loop3A_151] {strides = array<i32>} : memref<16384xf32, #tpu.memory_space<vmem>>, vector<16xf32>,
      tpu.vector_store %arg19[%parallel_loop3A_151], %broadcast_in_dim3A_65 {strides = array<i32>} : memref<16384xf32, #tpu.memory_space<vmem>>, vector<16xf32>,
      %parallel_loop3A_153 = arith.constant 64 : i32
      %parallel_loop3A_154 = arith.muli %parallel_loop3A_136, %parallel_loop3A_153 : i32
      %parallel_loop3A_155 = arith.constant 32 : i32
      %parallel_loop3A_156 = arith.addi %parallel_loop3A_154, %parallel_loop3A_155 : i32
      %parallel_loop3A_157 = arith.index_cast %parallel_loop3A_156 : i32 to index
      %parallel_loop3A_158 = tpu.vector_load %arg18[%parallel_loop3A_157] {strides = array<i32>} : memref<16384xf32, #tpu.memory_space<vmem>>, vector<16xf32>,
      tpu.vector_store %arg18[%parallel_loop3A_157], %broadcast_in_dim3A_65 {strides = array<i32>} : memref<16384xf32, #tpu.memory_space<vmem>>, vector<16xf32>,
      %parallel_loop3A_159 = arith.index_cast %parallel_loop3A_156 : i32 to index
      %parallel_loop3A_160 = tpu.vector_load %arg19[%parallel_loop3A_159] {strides = array<i32>} : memref<16384xf32, #tpu.memory_space<vmem>>, vector<16xf32>,
      tpu.vector_store %arg19[%parallel_loop3A_159], %broadcast_in_dim3A_65 {strides = array<i32>} : memref<16384xf32, #tpu.memory_space<vmem>>, vector<16xf32>,
      %parallel_loop3A_161 = arith.constant 64 : i32
      %parallel_loop3A_162 = arith.muli %parallel_loop3A_136, %parallel_loop3A_161 : i32
      %parallel_loop3A_163 = arith.constant 48 : i32
      %parallel_loop3A_164 = arith.addi %parallel_loop3A_162, %parallel_loop3A_163 : i32
      %parallel_loop3A_165 = arith.index_cast %parallel_loop3A_164 : i32 to index
      %parallel_loop3A_166 = tpu.vector_load %arg18[%parallel_loop3A_165] {strides = array<i32>} : memref<16384xf32, #tpu.memory_space<vmem>>, vector<16xf32>,
      tpu.vector_store %arg18[%parallel_loop3A_165], %broadcast_in_dim3A_65 {strides = array<i32>} : memref<16384xf32, #tpu.memory_space<vmem>>, vector<16xf32>,
      %parallel_loop3A_167 = arith.index_cast %parallel_loop3A_164 : i32 to index
      %parallel_loop3A_168 = tpu.vector_load %arg19[%parallel_loop3A_167] {strides = array<i32>} : memref<16384xf32, #tpu.memory_space<vmem>>, vector<16xf32>,
      tpu.vector_store %arg19[%parallel_loop3A_167], %broadcast_in_dim3A_65 {strides = array<i32>} : memref<16384xf32, #tpu.memory_space<vmem>>, vector<16xf32>,
    } {sc.loop_unroll_factor = 1 : i64, sc.parallel_access}
    %dma_start3A = tpu.memref_slice %arg2[%add3A_35] : memref<4194304xf32, #tpu.memory_space<hbm>> -> memref<8192xf32, #tpu.memory_space<hbm>>
    %dma_start3A_70 = tpu.memref_slice %arg2[%add3A_35] : memref<4194304xf32, #tpu.memory_space<hbm>> -> memref<8192xf32, #tpu.memory_space<hbm>>
    tpu.enqueue_dma source(%dma_start3A_70 : memref<8192xf32, #tpu.memory_space<hbm>>) target(%arg8 : memref<8192xf32, #tpu.memory_space<vmem>>) target_semaphore(%arg25 : memref<!tpu.dma_semaphore, #tpu.memory_space<semaphore_mem>>)
    %dma_start3A_71 = tpu.memref_slice %arg3[%add3A_35] : memref<4194304xf32, #tpu.memory_space<hbm>> -> memref<8192xf32, #tpu.memory_space<hbm>>
    %dma_start3A_72 = tpu.memref_slice %arg3[%add3A_35] : memref<4194304xf32, #tpu.memory_space<hbm>> -> memref<8192xf32, #tpu.memory_space<hbm>>
    tpu.enqueue_dma source(%dma_start3A_72 : memref<8192xf32, #tpu.memory_space<hbm>>) target(%arg9 : memref<8192xf32, #tpu.memory_space<vmem>>) target_semaphore(%arg25 : memref<!tpu.dma_semaphore, #tpu.memory_space<semaphore_mem>>)
    %dma_start3A_73 = tpu.memref_slice %arg4[%add3A_35] : memref<4194304xf32, #tpu.memory_space<hbm>> -> memref<8192xf32, #tpu.memory_space<hbm>>
    %dma_start3A_74 = tpu.memref_slice %arg4[%add3A_35] : memref<4194304xf32, #tpu.memory_space<hbm>> -> memref<8192xf32, #tpu.memory_space<hbm>>
    tpu.enqueue_dma source(%dma_start3A_74 : memref<8192xf32, #tpu.memory_space<hbm>>) target(%arg10 : memref<8192xf32, #tpu.memory_space<vmem>>) target_semaphore(%arg25 : memref<!tpu.dma_semaphore, #tpu.memory_space<semaphore_mem>>)
    %dma_start3A_75 = tpu.memref_slice %arg5[%add3A_35] : memref<4194304xf32, #tpu.memory_space<hbm>> -> memref<8192xf32, #tpu.memory_space<hbm>>
    %dma_start3A_76 = tpu.memref_slice %arg5[%add3A_35] : memref<4194304xf32, #tpu.memory_space<hbm>> -> memref<8192xf32, #tpu.memory_space<hbm>>
    tpu.enqueue_dma source(%dma_start3A_76 : memref<8192xf32, #tpu.memory_space<hbm>>) target(%arg11 : memref<8192xf32, #tpu.memory_space<vmem>>) target_semaphore(%arg25 : memref<!tpu.dma_semaphore, #tpu.memory_space<semaphore_mem>>)
    %dma_start3A_77 = tpu.memref_slice %arg6[%add3A_35] : memref<4194304xf32, #tpu.memory_space<hbm>> -> memref<8192xf32, #tpu.memory_space<hbm>>
    %dma_start3A_78 = tpu.memref_slice %arg6[%add3A_35] : memref<4194304xf32, #tpu.memory_space<hbm>> -> memref<8192xf32, #tpu.memory_space<hbm>>
    tpu.enqueue_dma source(%dma_start3A_78 : memref<8192xf32, #tpu.memory_space<hbm>>) target(%arg12 : memref<8192xf32, #tpu.memory_space<vmem>>) target_semaphore(%arg25 : memref<!tpu.dma_semaphore, #tpu.memory_space<semaphore_mem>>)
    %scan3A = arith.constant 0 : i32
    %scan3A_79 = arith.constant 8 : i32
    %scan3A_80 = arith.addi %scan3A, %scan3A_79 : i32
    %scan3A_81 = arith.constant 1 : i32
    %scan3A_82:16 = scf.for %scan3A_136 = %scan3A to %scan3A_80 step %scan3A_81 iter_args(%scan3A_137 = %broadcast_in_dim3A_65, %scan3A_138 = %broadcast_in_dim3A_65, %scan3A_139 = %broadcast_in_dim3A_65, %scan3A_140 = %broadcast_in_dim3A_65, %scan3A_141 = %broadcast_in_dim3A_65, %scan3A_142 = %broadcast_in_dim3A_65, %scan3A_143 = %broadcast_in_dim3A_65, %scan3A_144 = %broadcast_in_dim3A_65, %scan3A_145 = %broadcast_in_dim3A_65, %scan3A_146 = %broadcast_in_dim3A_65, %scan3A_147 = %broadcast_in_dim3A_65, %scan3A_148 = %broadcast_in_dim3A_65, %scan3A_149 = %broadcast_in_dim3A_65, %scan3A_150 = %broadcast_in_dim3A_65, %scan3A_151 = %broadcast_in_dim3A_65, %scan3A_152 = %broadcast_in_dim3A_65) -> (vector<16xf32>, vector<16xf32>, vector<16xf32>, vector<16xf32>, vector<16xf32>, vector<16xf32>, vector<16xf32>, vector<16xf32>, vector<16xf32>, vector<16xf32>, vector<16xf32>, vector<16xf32>, vector<16xf32>, vector<16xf32>, vector<16xf32>, vector<16xf32>)  : i32 {
      %mul3A_153 = arith.constant 16384 : i32
      %mul3A_154 = arith.muli %scan3A_136, %mul3A_153 : i32
      %add3A_155 = arith.addi %add3A_35, %mul3A_154 : i32
      %dma_wait3A = arith.constant 0 : i32
      %dma_wait3A_156 = tpu.memref_slice %arg2[%dma_wait3A] : memref<4194304xf32, #tpu.memory_space<hbm>> -> memref<8192xf32, #tpu.memory_space<hbm>>
      %dma_wait3A_157 = arith.constant 0 : i32
      %dma_wait3A_158 = tpu.memref_slice %arg2[%dma_wait3A_157] : memref<4194304xf32, #tpu.memory_space<hbm>> -> memref<8192xf32, #tpu.memory_space<hbm>>
      tpu.wait_dma2 semaphore(%arg25 : memref<!tpu.dma_semaphore, #tpu.memory_space<semaphore_mem>>) src(%dma_wait3A_158 : memref<8192xf32, #tpu.memory_space<hbm>>) dst(%arg8 : memref<8192xf32, #tpu.memory_space<vmem>>)
      %dma_wait3A_159 = arith.constant 0 : i32
      %dma_wait3A_160 = tpu.memref_slice %arg2[%dma_wait3A_159] : memref<4194304xf32, #tpu.memory_space<hbm>> -> memref<8192xf32, #tpu.memory_space<hbm>>
      %dma_wait3A_161 = arith.constant 0 : i32
      %dma_wait3A_162 = tpu.memref_slice %arg2[%dma_wait3A_161] : memref<4194304xf32, #tpu.memory_space<hbm>> -> memref<8192xf32, #tpu.memory_space<hbm>>
      tpu.wait_dma2 semaphore(%arg25 : memref<!tpu.dma_semaphore, #tpu.memory_space<semaphore_mem>>) src(%dma_wait3A_162 : memref<8192xf32, #tpu.memory_space<hbm>>) dst(%arg9 : memref<8192xf32, #tpu.memory_space<vmem>>)
      %dma_wait3A_163 = arith.constant 0 : i32
      %dma_wait3A_164 = tpu.memref_slice %arg2[%dma_wait3A_163] : memref<4194304xf32, #tpu.memory_space<hbm>> -> memref<8192xf32, #tpu.memory_space<hbm>>
      %dma_wait3A_165 = arith.constant 0 : i32
      %dma_wait3A_166 = tpu.memref_slice %arg2[%dma_wait3A_165] : memref<4194304xf32, #tpu.memory_space<hbm>> -> memref<8192xf32, #tpu.memory_space<hbm>>
      tpu.wait_dma2 semaphore(%arg25 : memref<!tpu.dma_semaphore, #tpu.memory_space<semaphore_mem>>) src(%dma_wait3A_166 : memref<8192xf32, #tpu.memory_space<hbm>>) dst(%arg10 : memref<8192xf32, #tpu.memory_space<vmem>>)
      %dma_wait3A_167 = arith.constant 0 : i32
      %dma_wait3A_168 = tpu.memref_slice %arg2[%dma_wait3A_167] : memref<4194304xf32, #tpu.memory_space<hbm>> -> memref<8192xf32, #tpu.memory_space<hbm>>
      %dma_wait3A_169 = arith.constant 0 : i32
      %dma_wait3A_170 = tpu.memref_slice %arg2[%dma_wait3A_169] : memref<4194304xf32, #tpu.memory_space<hbm>> -> memref<8192xf32, #tpu.memory_space<hbm>>
      tpu.wait_dma2 semaphore(%arg25 : memref<!tpu.dma_semaphore, #tpu.memory_space<semaphore_mem>>) src(%dma_wait3A_170 : memref<8192xf32, #tpu.memory_space<hbm>>) dst(%arg11 : memref<8192xf32, #tpu.memory_space<vmem>>)
      %dma_wait3A_171 = arith.constant 0 : i32
      %dma_wait3A_172 = tpu.memref_slice %arg2[%dma_wait3A_171] : memref<4194304xf32, #tpu.memory_space<hbm>> -> memref<8192xf32, #tpu.memory_space<hbm>>
      %dma_wait3A_173 = arith.constant 0 : i32
      %dma_wait3A_174 = tpu.memref_slice %arg2[%dma_wait3A_173] : memref<4194304xf32, #tpu.memory_space<hbm>> -> memref<8192xf32, #tpu.memory_space<hbm>>
      tpu.wait_dma2 semaphore(%arg25 : memref<!tpu.dma_semaphore, #tpu.memory_space<semaphore_mem>>) src(%dma_wait3A_174 : memref<8192xf32, #tpu.memory_space<hbm>>) dst(%arg12 : memref<8192xf32, #tpu.memory_space<vmem>>)
      %add3A_175 = arith.constant 8192 : i32
      %add3A_176 = arith.addi %add3A_155, %add3A_175 : i32
      %dma_start3A_177 = tpu.memref_slice %arg2[%add3A_176] : memref<4194304xf32, #tpu.memory_space<hbm>> -> memref<8192xf32, #tpu.memory_space<hbm>>
      %dma_start3A_178 = tpu.memref_slice %arg2[%add3A_176] : memref<4194304xf32, #tpu.memory_space<hbm>> -> memref<8192xf32, #tpu.memory_space<hbm>>
      tpu.enqueue_dma source(%dma_start3A_178 : memref<8192xf32, #tpu.memory_space<hbm>>) target(%arg13 : memref<8192xf32, #tpu.memory_space<vmem>>) target_semaphore(%arg26 : memref<!tpu.dma_semaphore, #tpu.memory_space<semaphore_mem>>)
      %dma_start3A_179 = tpu.memref_slice %arg3[%add3A_176] : memref<4194304xf32, #tpu.memory_space<hbm>> -> memref<8192xf32, #tpu.memory_space<hbm>>
      %dma_start3A_180 = tpu.memref_slice %arg3[%add3A_176] : memref<4194304xf32, #tpu.memory_space<hbm>> -> memref<8192xf32, #tpu.memory_space<hbm>>
      tpu.enqueue_dma source(%dma_start3A_180 : memref<8192xf32, #tpu.memory_space<hbm>>) target(%arg14 : memref<8192xf32, #tpu.memory_space<vmem>>) target_semaphore(%arg26 : memref<!tpu.dma_semaphore, #tpu.memory_space<semaphore_mem>>)
      %dma_start3A_181 = tpu.memref_slice %arg4[%add3A_176] : memref<4194304xf32, #tpu.memory_space<hbm>> -> memref<8192xf32, #tpu.memory_space<hbm>>
      %dma_start3A_182 = tpu.memref_slice %arg4[%add3A_176] : memref<4194304xf32, #tpu.memory_space<hbm>> -> memref<8192xf32, #tpu.memory_space<hbm>>
      tpu.enqueue_dma source(%dma_start3A_182 : memref<8192xf32, #tpu.memory_space<hbm>>) target(%arg15 : memref<8192xf32, #tpu.memory_space<vmem>>) target_semaphore(%arg26 : memref<!tpu.dma_semaphore, #tpu.memory_space<semaphore_mem>>)
      %dma_start3A_183 = tpu.memref_slice %arg5[%add3A_176] : memref<4194304xf32, #tpu.memory_space<hbm>> -> memref<8192xf32, #tpu.memory_space<hbm>>
      %dma_start3A_184 = tpu.memref_slice %arg5[%add3A_176] : memref<4194304xf32, #tpu.memory_space<hbm>> -> memref<8192xf32, #tpu.memory_space<hbm>>
      tpu.enqueue_dma source(%dma_start3A_184 : memref<8192xf32, #tpu.memory_space<hbm>>) target(%arg16 : memref<8192xf32, #tpu.memory_space<vmem>>) target_semaphore(%arg26 : memref<!tpu.dma_semaphore, #tpu.memory_space<semaphore_mem>>)
      %dma_start3A_185 = tpu.memref_slice %arg6[%add3A_176] : memref<4194304xf32, #tpu.memory_space<hbm>> -> memref<8192xf32, #tpu.memory_space<hbm>>
      %dma_start3A_186 = tpu.memref_slice %arg6[%add3A_176] : memref<4194304xf32, #tpu.memory_space<hbm>> -> memref<8192xf32, #tpu.memory_space<hbm>>
      tpu.enqueue_dma source(%dma_start3A_186 : memref<8192xf32, #tpu.memory_space<hbm>>) target(%arg17 : memref<8192xf32, #tpu.memory_space<vmem>>) target_semaphore(%arg26 : memref<!tpu.dma_semaphore, #tpu.memory_space<semaphore_mem>>)
      %parallel_loop3A_187 = arith.constant 0 : i32
      %parallel_loop3A_188 = arith.constant 128 : i32
      %parallel_loop3A_189 = arith.constant 1 : i32
      %parallel_loop3A_190:16 = scf.for %parallel_loop3A_220 = %parallel_loop3A_187 to %parallel_loop3A_188 step %parallel_loop3A_189 iter_args(%parallel_loop3A_221 = %scan3A_137, %parallel_loop3A_222 = %scan3A_138, %parallel_loop3A_223 = %scan3A_139, %parallel_loop3A_224 = %scan3A_140, %parallel_loop3A_225 = %scan3A_141, %parallel_loop3A_226 = %scan3A_142, %parallel_loop3A_227 = %scan3A_143, %parallel_loop3A_228 = %scan3A_144, %parallel_loop3A_229 = %scan3A_145, %parallel_loop3A_230 = %scan3A_146, %parallel_loop3A_231 = %scan3A_147, %parallel_loop3A_232 = %scan3A_148, %parallel_loop3A_233 = %scan3A_149, %parallel_loop3A_234 = %scan3A_150, %parallel_loop3A_235 = %scan3A_151, %parallel_loop3A_236 = %scan3A_152) -> (vector<16xf32>, vector<16xf32>, vector<16xf32>, vector<16xf32>, vector<16xf32>, vector<16xf32>, vector<16xf32>, vector<16xf32>, vector<16xf32>, vector<16xf32>, vector<16xf32>, vector<16xf32>, vector<16xf32>, vector<16xf32>, vector<16xf32>, vector<16xf32>)  : i32 {
        %parallel_loop3A_237 = arith.constant 64 : i32
        %parallel_loop3A_238 = arith.muli %parallel_loop3A_220, %parallel_loop3A_237 : i32
        %parallel_loop3A_239 = arith.constant 0 : i32
        %parallel_loop3A_240 = arith.addi %parallel_loop3A_238, %parallel_loop3A_239 : i32
        %parallel_loop3A_241 = arith.index_cast %parallel_loop3A_240 : i32 to index
        %parallel_loop3A_242 = tpu.vector_load %arg8[%parallel_loop3A_241] {strides = array<i32>} : memref<8192xf32, #tpu.memory_space<vmem>>, vector<16xf32>,
        %parallel_loop3A_243 = arith.index_cast %parallel_loop3A_240 : i32 to index
        %parallel_loop3A_244 = tpu.vector_load %arg9[%parallel_loop3A_243] {strides = array<i32>} : memref<8192xf32, #tpu.memory_space<vmem>>, vector<16xf32>,
        %parallel_loop3A_245 = arith.index_cast %parallel_loop3A_240 : i32 to index
        %parallel_loop3A_246 = tpu.vector_load %arg10[%parallel_loop3A_245] {strides = array<i32>} : memref<8192xf32, #tpu.memory_space<vmem>>, vector<16xf32>,
        %parallel_loop3A_247 = arith.index_cast %parallel_loop3A_240 : i32 to index
        %parallel_loop3A_248 = tpu.vector_load %arg11[%parallel_loop3A_247] {strides = array<i32>} : memref<8192xf32, #tpu.memory_space<vmem>>, vector<16xf32>,
        %parallel_loop3A_249 = arith.index_cast %parallel_loop3A_240 : i32 to index
        %parallel_loop3A_250 = tpu.vector_load %arg12[%parallel_loop3A_249] {strides = array<i32>} : memref<8192xf32, #tpu.memory_space<vmem>>, vector<16xf32>,
        %parallel_loop3A_251 = arith.subf %parallel_loop3A_246, %parallel_loop3A_242 : vector<16xf32>
        %parallel_loop3A_252 = arith.mulf %parallel_loop3A_251, %parallel_loop3A_251 : vector<16xf32>
        %parallel_loop3A_253 = arith.mulf %parallel_loop3A_252, %parallel_loop3A_250 : vector<16xf32>
        %parallel_loop3A_254 = arith.subf %parallel_loop3A_248, %parallel_loop3A_244 : vector<16xf32>
        %parallel_loop3A_255 = arith.mulf %parallel_loop3A_254, %parallel_loop3A_254 : vector<16xf32>
        %parallel_loop3A_256 = arith.mulf %parallel_loop3A_255, %parallel_loop3A_250 : vector<16xf32>
        %parallel_loop3A_257 = arith.constant 1.000000e-01 : f32
        %parallel_loop3A_258 = vector.broadcast %parallel_loop3A_257 : f32 to vector<16xf32>
        %parallel_loop3A_259 = arith.cmpf olt, %parallel_loop3A_242, %parallel_loop3A_258 : vector<16xf32>
        %parallel_loop3A_260 = arith.constant 1.000000e-01 : f32
        %parallel_loop3A_261 = vector.broadcast %parallel_loop3A_260 : f32 to vector<16xf32>
        %parallel_loop3A_262 = arith.cmpf olt, %parallel_loop3A_244, %parallel_loop3A_261 : vector<16xf32>
        %parallel_loop3A_263 = arith.constant 1.024000e+03 : f32
        %parallel_loop3A_264 = vector.broadcast %parallel_loop3A_263 : f32 to vector<16xf32>
        %parallel_loop3A_265 = arith.mulf %parallel_loop3A_253, %parallel_loop3A_264 : vector<16xf32>
        %parallel_loop3A_266 = arith.fptosi %parallel_loop3A_265 : vector<16xf32> to vector<16xi32>
        %parallel_loop3A_267 = arith.constant 1023 : i32
        %parallel_loop3A_268 = vector.broadcast %parallel_loop3A_267 : i32 to vector<16xi32>
        %parallel_loop3A_269 = arith.minsi %parallel_loop3A_266, %parallel_loop3A_268 : vector<16xi32>
        %parallel_loop3A_270 = arith.constant 1.024000e+03 : f32
        %parallel_loop3A_271 = vector.broadcast %parallel_loop3A_270 : f32 to vector<16xf32>
        %parallel_loop3A_272 = arith.mulf %parallel_loop3A_256, %parallel_loop3A_271 : vector<16xf32>
        %parallel_loop3A_273 = arith.fptosi %parallel_loop3A_272 : vector<16xf32> to vector<16xi32>
        %parallel_loop3A_274 = arith.constant 1023 : i32
        %parallel_loop3A_275 = vector.broadcast %parallel_loop3A_274 : i32 to vector<16xi32>
        %parallel_loop3A_276 = arith.minsi %parallel_loop3A_273, %parallel_loop3A_275 : vector<16xi32>
        %parallel_loop3A_277 = arith.addi %mul3A_64, %parallel_loop3A_269 : vector<16xi32>
        tpu.vector_store_idx %arg18[%parallel_loop3A_277], %broadcast_in_dim3A_67 masked %parallel_loop3A_259 {add = true} : memref<16384xf32, #tpu.memory_space<vmem>>[vector<16xi32>], vector<16xf32>, vector<16xi1>
        %parallel_loop3A_278 = arith.addi %mul3A_64, %parallel_loop3A_276 : vector<16xi32>
        tpu.vector_store_idx %arg19[%parallel_loop3A_278], %broadcast_in_dim3A_67 masked %parallel_loop3A_262 {add = true} : memref<16384xf32, #tpu.memory_space<vmem>>[vector<16xi32>], vector<16xf32>, vector<16xi1>
        %parallel_loop3A_279 = arith.addf %parallel_loop3A_221, %parallel_loop3A_253 : vector<16xf32>
        %parallel_loop3A_280 = arith.select %parallel_loop3A_259, %parallel_loop3A_253, %broadcast_in_dim3A_65 : vector<16xi1>, vector<16xf32>
        %parallel_loop3A_281 = arith.addf %parallel_loop3A_225, %parallel_loop3A_280 : vector<16xf32>
        %parallel_loop3A_282 = arith.addf %parallel_loop3A_229, %parallel_loop3A_256 : vector<16xf32>
        %parallel_loop3A_283 = arith.select %parallel_loop3A_262, %parallel_loop3A_256, %broadcast_in_dim3A_65 : vector<16xi1>, vector<16xf32>
        %parallel_loop3A_284 = arith.addf %parallel_loop3A_233, %parallel_loop3A_283 : vector<16xf32>
        %parallel_loop3A_285 = arith.constant 64 : i32
        %parallel_loop3A_286 = arith.muli %parallel_loop3A_220, %parallel_loop3A_285 : i32
        %parallel_loop3A_287 = arith.constant 16 : i32
        %parallel_loop3A_288 = arith.addi %parallel_loop3A_286, %parallel_loop3A_287 : i32
        %parallel_loop3A_289 = arith.index_cast %parallel_loop3A_288 : i32 to index
        %parallel_loop3A_290 = tpu.vector_load %arg8[%parallel_loop3A_289] {strides = array<i32>} : memref<8192xf32, #tpu.memory_space<vmem>>, vector<16xf32>,
        %parallel_loop3A_291 = arith.index_cast %parallel_loop3A_288 : i32 to index
        %parallel_loop3A_292 = tpu.vector_load %arg9[%parallel_loop3A_291] {strides = array<i32>} : memref<8192xf32, #tpu.memory_space<vmem>>, vector<16xf32>,
        %parallel_loop3A_293 = arith.index_cast %parallel_loop3A_288 : i32 to index
        %parallel_loop3A_294 = tpu.vector_load %arg10[%parallel_loop3A_293] {strides = array<i32>} : memref<8192xf32, #tpu.memory_space<vmem>>, vector<16xf32>,
        %parallel_loop3A_295 = arith.index_cast %parallel_loop3A_288 : i32 to index
        %parallel_loop3A_296 = tpu.vector_load %arg11[%parallel_loop3A_295] {strides = array<i32>} : memref<8192xf32, #tpu.memory_space<vmem>>, vector<16xf32>,
        %parallel_loop3A_297 = arith.index_cast %parallel_loop3A_288 : i32 to index
        %parallel_loop3A_298 = tpu.vector_load %arg12[%parallel_loop3A_297] {strides = array<i32>} : memref<8192xf32, #tpu.memory_space<vmem>>, vector<16xf32>,
        %parallel_loop3A_299 = arith.subf %parallel_loop3A_294, %parallel_loop3A_290 : vector<16xf32>
        %parallel_loop3A_300 = arith.mulf %parallel_loop3A_299, %parallel_loop3A_299 : vector<16xf32>
        %parallel_loop3A_301 = arith.mulf %parallel_loop3A_300, %parallel_loop3A_298 : vector<16xf32>
        %parallel_loop3A_302 = arith.subf %parallel_loop3A_296, %parallel_loop3A_292 : vector<16xf32>
        %parallel_loop3A_303 = arith.mulf %parallel_loop3A_302, %parallel_loop3A_302 : vector<16xf32>
        %parallel_loop3A_304 = arith.mulf %parallel_loop3A_303, %parallel_loop3A_298 : vector<16xf32>
        %parallel_loop3A_305 = arith.constant 1.000000e-01 : f32
        %parallel_loop3A_306 = vector.broadcast %parallel_loop3A_305 : f32 to vector<16xf32>
        %parallel_loop3A_307 = arith.cmpf olt, %parallel_loop3A_290, %parallel_loop3A_306 : vector<16xf32>
        %parallel_loop3A_308 = arith.constant 1.000000e-01 : f32
        %parallel_loop3A_309 = vector.broadcast %parallel_loop3A_308 : f32 to vector<16xf32>
        %parallel_loop3A_310 = arith.cmpf olt, %parallel_loop3A_292, %parallel_loop3A_309 : vector<16xf32>
        %parallel_loop3A_311 = arith.constant 1.024000e+03 : f32
        %parallel_loop3A_312 = vector.broadcast %parallel_loop3A_311 : f32 to vector<16xf32>
        %parallel_loop3A_313 = arith.mulf %parallel_loop3A_301, %parallel_loop3A_312 : vector<16xf32>
        %parallel_loop3A_314 = arith.fptosi %parallel_loop3A_313 : vector<16xf32> to vector<16xi32>
        %parallel_loop3A_315 = arith.constant 1023 : i32
        %parallel_loop3A_316 = vector.broadcast %parallel_loop3A_315 : i32 to vector<16xi32>
        %parallel_loop3A_317 = arith.minsi %parallel_loop3A_314, %parallel_loop3A_316 : vector<16xi32>
        %parallel_loop3A_318 = arith.constant 1.024000e+03 : f32
        %parallel_loop3A_319 = vector.broadcast %parallel_loop3A_318 : f32 to vector<16xf32>
        %parallel_loop3A_320 = arith.mulf %parallel_loop3A_304, %parallel_loop3A_319 : vector<16xf32>
        %parallel_loop3A_321 = arith.fptosi %parallel_loop3A_320 : vector<16xf32> to vector<16xi32>
        %parallel_loop3A_322 = arith.constant 1023 : i32
        %parallel_loop3A_323 = vector.broadcast %parallel_loop3A_322 : i32 to vector<16xi32>
        %parallel_loop3A_324 = arith.minsi %parallel_loop3A_321, %parallel_loop3A_323 : vector<16xi32>
        %parallel_loop3A_325 = arith.addi %mul3A_64, %parallel_loop3A_317 : vector<16xi32>
        tpu.vector_store_idx %arg18[%parallel_loop3A_325], %broadcast_in_dim3A_67 masked %parallel_loop3A_307 {add = true} : memref<16384xf32, #tpu.memory_space<vmem>>[vector<16xi32>], vector<16xf32>, vector<16xi1>
        %parallel_loop3A_326 = arith.addi %mul3A_64, %parallel_loop3A_324 : vector<16xi32>
        tpu.vector_store_idx %arg19[%parallel_loop3A_326], %broadcast_in_dim3A_67 masked %parallel_loop3A_310 {add = true} : memref<16384xf32, #tpu.memory_space<vmem>>[vector<16xi32>], vector<16xf32>, vector<16xi1>
        %parallel_loop3A_327 = arith.addf %parallel_loop3A_222, %parallel_loop3A_301 : vector<16xf32>
        %parallel_loop3A_328 = arith.select %parallel_loop3A_307, %parallel_loop3A_301, %broadcast_in_dim3A_65 : vector<16xi1>, vector<16xf32>
        %parallel_loop3A_329 = arith.addf %parallel_loop3A_226, %parallel_loop3A_328 : vector<16xf32>
        %parallel_loop3A_330 = arith.addf %parallel_loop3A_230, %parallel_loop3A_304 : vector<16xf32>
        %parallel_loop3A_331 = arith.select %parallel_loop3A_310, %parallel_loop3A_304, %broadcast_in_dim3A_65 : vector<16xi1>, vector<16xf32>
        %parallel_loop3A_332 = arith.addf %parallel_loop3A_234, %parallel_loop3A_331 : vector<16xf32>
        %parallel_loop3A_333 = arith.constant 64 : i32
        %parallel_loop3A_334 = arith.muli %parallel_loop3A_220, %parallel_loop3A_333 : i32
        %parallel_loop3A_335 = arith.constant 32 : i32
        %parallel_loop3A_336 = arith.addi %parallel_loop3A_334, %parallel_loop3A_335 : i32
        %parallel_loop3A_337 = arith.index_cast %parallel_loop3A_336 : i32 to index
        %parallel_loop3A_338 = tpu.vector_load %arg8[%parallel_loop3A_337] {strides = array<i32>} : memref<8192xf32, #tpu.memory_space<vmem>>, vector<16xf32>,
        %parallel_loop3A_339 = arith.index_cast %parallel_loop3A_336 : i32 to index
        %parallel_loop3A_340 = tpu.vector_load %arg9[%parallel_loop3A_339] {strides = array<i32>} : memref<8192xf32, #tpu.memory_space<vmem>>, vector<16xf32>,
        %parallel_loop3A_341 = arith.index_cast %parallel_loop3A_336 : i32 to index
        %parallel_loop3A_342 = tpu.vector_load %arg10[%parallel_loop3A_341] {strides = array<i32>} : memref<8192xf32, #tpu.memory_space<vmem>>, vector<16xf32>,
        %parallel_loop3A_343 = arith.index_cast %parallel_loop3A_336 : i32 to index
        %parallel_loop3A_344 = tpu.vector_load %arg11[%parallel_loop3A_343] {strides = array<i32>} : memref<8192xf32, #tpu.memory_space<vmem>>, vector<16xf32>,
        %parallel_loop3A_345 = arith.index_cast %parallel_loop3A_336 : i32 to index
        %parallel_loop3A_346 = tpu.vector_load %arg12[%parallel_loop3A_345] {strides = array<i32>} : memref<8192xf32, #tpu.memory_space<vmem>>, vector<16xf32>,
        %parallel_loop3A_347 = arith.subf %parallel_loop3A_342, %parallel_loop3A_338 : vector<16xf32>
        %parallel_loop3A_348 = arith.mulf %parallel_loop3A_347, %parallel_loop3A_347 : vector<16xf32>
        %parallel_loop3A_349 = arith.mulf %parallel_loop3A_348, %parallel_loop3A_346 : vector<16xf32>
        %parallel_loop3A_350 = arith.subf %parallel_loop3A_344, %parallel_loop3A_340 : vector<16xf32>
        %parallel_loop3A_351 = arith.mulf %parallel_loop3A_350, %parallel_loop3A_350 : vector<16xf32>
        %parallel_loop3A_352 = arith.mulf %parallel_loop3A_351, %parallel_loop3A_346 : vector<16xf32>
        %parallel_loop3A_353 = arith.constant 1.000000e-01 : f32
        %parallel_loop3A_354 = vector.broadcast %parallel_loop3A_353 : f32 to vector<16xf32>
        %parallel_loop3A_355 = arith.cmpf olt, %parallel_loop3A_338, %parallel_loop3A_354 : vector<16xf32>
        %parallel_loop3A_356 = arith.constant 1.000000e-01 : f32
        %parallel_loop3A_357 = vector.broadcast %parallel_loop3A_356 : f32 to vector<16xf32>
        %parallel_loop3A_358 = arith.cmpf olt, %parallel_loop3A_340, %parallel_loop3A_357 : vector<16xf32>
        %parallel_loop3A_359 = arith.constant 1.024000e+03 : f32
        %parallel_loop3A_360 = vector.broadcast %parallel_loop3A_359 : f32 to vector<16xf32>
        %parallel_loop3A_361 = arith.mulf %parallel_loop3A_349, %parallel_loop3A_360 : vector<16xf32>
        %parallel_loop3A_362 = arith.fptosi %parallel_loop3A_361 : vector<16xf32> to vector<16xi32>
        %parallel_loop3A_363 = arith.constant 1023 : i32
        %parallel_loop3A_364 = vector.broadcast %parallel_loop3A_363 : i32 to vector<16xi32>
        %parallel_loop3A_365 = arith.minsi %parallel_loop3A_362, %parallel_loop3A_364 : vector<16xi32>
        %parallel_loop3A_366 = arith.constant 1.024000e+03 : f32
        %parallel_loop3A_367 = vector.broadcast %parallel_loop3A_366 : f32 to vector<16xf32>
        %parallel_loop3A_368 = arith.mulf %parallel_loop3A_352, %parallel_loop3A_367 : vector<16xf32>
        %parallel_loop3A_369 = arith.fptosi %parallel_loop3A_368 : vector<16xf32> to vector<16xi32>
        %parallel_loop3A_370 = arith.constant 1023 : i32
        %parallel_loop3A_371 = vector.broadcast %parallel_loop3A_370 : i32 to vector<16xi32>
        %parallel_loop3A_372 = arith.minsi %parallel_loop3A_369, %parallel_loop3A_371 : vector<16xi32>
        %parallel_loop3A_373 = arith.addi %mul3A_64, %parallel_loop3A_365 : vector<16xi32>
        tpu.vector_store_idx %arg18[%parallel_loop3A_373], %broadcast_in_dim3A_67 masked %parallel_loop3A_355 {add = true} : memref<16384xf32, #tpu.memory_space<vmem>>[vector<16xi32>], vector<16xf32>, vector<16xi1>
        %parallel_loop3A_374 = arith.addi %mul3A_64, %parallel_loop3A_372 : vector<16xi32>
        tpu.vector_store_idx %arg19[%parallel_loop3A_374], %broadcast_in_dim3A_67 masked %parallel_loop3A_358 {add = true} : memref<16384xf32, #tpu.memory_space<vmem>>[vector<16xi32>], vector<16xf32>, vector<16xi1>
        %parallel_loop3A_375 = arith.addf %parallel_loop3A_223, %parallel_loop3A_349 : vector<16xf32>
        %parallel_loop3A_376 = arith.select %parallel_loop3A_355, %parallel_loop3A_349, %broadcast_in_dim3A_65 : vector<16xi1>, vector<16xf32>
        %parallel_loop3A_377 = arith.addf %parallel_loop3A_227, %parallel_loop3A_376 : vector<16xf32>
        %parallel_loop3A_378 = arith.addf %parallel_loop3A_231, %parallel_loop3A_352 : vector<16xf32>
        %parallel_loop3A_379 = arith.select %parallel_loop3A_358, %parallel_loop3A_352, %broadcast_in_dim3A_65 : vector<16xi1>, vector<16xf32>
        %parallel_loop3A_380 = arith.addf %parallel_loop3A_235, %parallel_loop3A_379 : vector<16xf32>
        %parallel_loop3A_381 = arith.constant 64 : i32
        %parallel_loop3A_382 = arith.muli %parallel_loop3A_220, %parallel_loop3A_381 : i32
        %parallel_loop3A_383 = arith.constant 48 : i32
        %parallel_loop3A_384 = arith.addi %parallel_loop3A_382, %parallel_loop3A_383 : i32
        %parallel_loop3A_385 = arith.index_cast %parallel_loop3A_384 : i32 to index
        %parallel_loop3A_386 = tpu.vector_load %arg8[%parallel_loop3A_385] {strides = array<i32>} : memref<8192xf32, #tpu.memory_space<vmem>>, vector<16xf32>,
        %parallel_loop3A_387 = arith.index_cast %parallel_loop3A_384 : i32 to index
        %parallel_loop3A_388 = tpu.vector_load %arg9[%parallel_loop3A_387] {strides = array<i32>} : memref<8192xf32, #tpu.memory_space<vmem>>, vector<16xf32>,
        %parallel_loop3A_389 = arith.index_cast %parallel_loop3A_384 : i32 to index
        %parallel_loop3A_390 = tpu.vector_load %arg10[%parallel_loop3A_389] {strides = array<i32>} : memref<8192xf32, #tpu.memory_space<vmem>>, vector<16xf32>,
        %parallel_loop3A_391 = arith.index_cast %parallel_loop3A_384 : i32 to index
        %parallel_loop3A_392 = tpu.vector_load %arg11[%parallel_loop3A_391] {strides = array<i32>} : memref<8192xf32, #tpu.memory_space<vmem>>, vector<16xf32>,
        %parallel_loop3A_393 = arith.index_cast %parallel_loop3A_384 : i32 to index
        %parallel_loop3A_394 = tpu.vector_load %arg12[%parallel_loop3A_393] {strides = array<i32>} : memref<8192xf32, #tpu.memory_space<vmem>>, vector<16xf32>,
        %parallel_loop3A_395 = arith.subf %parallel_loop3A_390, %parallel_loop3A_386 : vector<16xf32>
        %parallel_loop3A_396 = arith.mulf %parallel_loop3A_395, %parallel_loop3A_395 : vector<16xf32>
        %parallel_loop3A_397 = arith.mulf %parallel_loop3A_396, %parallel_loop3A_394 : vector<16xf32>
        %parallel_loop3A_398 = arith.subf %parallel_loop3A_392, %parallel_loop3A_388 : vector<16xf32>
        %parallel_loop3A_399 = arith.mulf %parallel_loop3A_398, %parallel_loop3A_398 : vector<16xf32>
        %parallel_loop3A_400 = arith.mulf %parallel_loop3A_399, %parallel_loop3A_394 : vector<16xf32>
        %parallel_loop3A_401 = arith.constant 1.000000e-01 : f32
        %parallel_loop3A_402 = vector.broadcast %parallel_loop3A_401 : f32 to vector<16xf32>
        %parallel_loop3A_403 = arith.cmpf olt, %parallel_loop3A_386, %parallel_loop3A_402 : vector<16xf32>
        %parallel_loop3A_404 = arith.constant 1.000000e-01 : f32
        %parallel_loop3A_405 = vector.broadcast %parallel_loop3A_404 : f32 to vector<16xf32>
        %parallel_loop3A_406 = arith.cmpf olt, %parallel_loop3A_388, %parallel_loop3A_405 : vector<16xf32>
        %parallel_loop3A_407 = arith.constant 1.024000e+03 : f32
        %parallel_loop3A_408 = vector.broadcast %parallel_loop3A_407 : f32 to vector<16xf32>
        %parallel_loop3A_409 = arith.mulf %parallel_loop3A_397, %parallel_loop3A_408 : vector<16xf32>
        %parallel_loop3A_410 = arith.fptosi %parallel_loop3A_409 : vector<16xf32> to vector<16xi32>
        %parallel_loop3A_411 = arith.constant 1023 : i32
        %parallel_loop3A_412 = vector.broadcast %parallel_loop3A_411 : i32 to vector<16xi32>
        %parallel_loop3A_413 = arith.minsi %parallel_loop3A_410, %parallel_loop3A_412 : vector<16xi32>
        %parallel_loop3A_414 = arith.constant 1.024000e+03 : f32
        %parallel_loop3A_415 = vector.broadcast %parallel_loop3A_414 : f32 to vector<16xf32>
        %parallel_loop3A_416 = arith.mulf %parallel_loop3A_400, %parallel_loop3A_415 : vector<16xf32>
        %parallel_loop3A_417 = arith.fptosi %parallel_loop3A_416 : vector<16xf32> to vector<16xi32>
        %parallel_loop3A_418 = arith.constant 1023 : i32
        %parallel_loop3A_419 = vector.broadcast %parallel_loop3A_418 : i32 to vector<16xi32>
        %parallel_loop3A_420 = arith.minsi %parallel_loop3A_417, %parallel_loop3A_419 : vector<16xi32>
        %parallel_loop3A_421 = arith.addi %mul3A_64, %parallel_loop3A_413 : vector<16xi32>
        tpu.vector_store_idx %arg18[%parallel_loop3A_421], %broadcast_in_dim3A_67 masked %parallel_loop3A_403 {add = true} : memref<16384xf32, #tpu.memory_space<vmem>>[vector<16xi32>], vector<16xf32>, vector<16xi1>
        %parallel_loop3A_422 = arith.addi %mul3A_64, %parallel_loop3A_420 : vector<16xi32>
        tpu.vector_store_idx %arg19[%parallel_loop3A_422], %broadcast_in_dim3A_67 masked %parallel_loop3A_406 {add = true} : memref<16384xf32, #tpu.memory_space<vmem>>[vector<16xi32>], vector<16xf32>, vector<16xi1>
        %parallel_loop3A_423 = arith.addf %parallel_loop3A_224, %parallel_loop3A_397 : vector<16xf32>
        %parallel_loop3A_424 = arith.select %parallel_loop3A_403, %parallel_loop3A_397, %broadcast_in_dim3A_65 : vector<16xi1>, vector<16xf32>
        %parallel_loop3A_425 = arith.addf %parallel_loop3A_228, %parallel_loop3A_424 : vector<16xf32>
        %parallel_loop3A_426 = arith.addf %parallel_loop3A_232, %parallel_loop3A_400 : vector<16xf32>
        %parallel_loop3A_427 = arith.select %parallel_loop3A_406, %parallel_loop3A_400, %broadcast_in_dim3A_65 : vector<16xi1>, vector<16xf32>
        %parallel_loop3A_428 = arith.addf %parallel_loop3A_236, %parallel_loop3A_427 : vector<16xf32>
        scf.yield %parallel_loop3A_279, %parallel_loop3A_327, %parallel_loop3A_375, %parallel_loop3A_423, %parallel_loop3A_281, %parallel_loop3A_329, %parallel_loop3A_377, %parallel_loop3A_425, %parallel_loop3A_282, %parallel_loop3A_330, %parallel_loop3A_378, %parallel_loop3A_426, %parallel_loop3A_284, %parallel_loop3A_332, %parallel_loop3A_380, %parallel_loop3A_428 : vector<16xf32>, vector<16xf32>, vector<16xf32>, vector<16xf32>, vector<16xf32>, vector<16xf32>, vector<16xf32>, vector<16xf32>, vector<16xf32>, vector<16xf32>, vector<16xf32>, vector<16xf32>, vector<16xf32>, vector<16xf32>, vector<16xf32>, vector<16xf32>
      } {sc.loop_unroll_factor = 1 : i64, sc.parallel_access}
      %dma_wait3A_191 = arith.constant 0 : i32
      %dma_wait3A_192 = tpu.memref_slice %arg2[%dma_wait3A_191] : memref<4194304xf32, #tpu.memory_space<hbm>> -> memref<8192xf32, #tpu.memory_space<hbm>>
      %dma_wait3A_193 = arith.constant 0 : i32
      %dma_wait3A_194 = tpu.memref_slice %arg2[%dma_wait3A_193] : memref<4194304xf32, #tpu.memory_space<hbm>> -> memref<8192xf32, #tpu.memory_space<hbm>>
      tpu.wait_dma2 semaphore(%arg26 : memref<!tpu.dma_semaphore, #tpu.memory_space<semaphore_mem>>) src(%dma_wait3A_194 : memref<8192xf32, #tpu.memory_space<hbm>>) dst(%arg13 : memref<8192xf32, #tpu.memory_space<vmem>>)
      %dma_wait3A_195 = arith.constant 0 : i32
      %dma_wait3A_196 = tpu.memref_slice %arg2[%dma_wait3A_195] : memref<4194304xf32, #tpu.memory_space<hbm>> -> memref<8192xf32, #tpu.memory_space<hbm>>
      %dma_wait3A_197 = arith.constant 0 : i32
      %dma_wait3A_198 = tpu.memref_slice %arg2[%dma_wait3A_197] : memref<4194304xf32, #tpu.memory_space<hbm>> -> memref<8192xf32, #tpu.memory_space<hbm>>
      tpu.wait_dma2 semaphore(%arg26 : memref<!tpu.dma_semaphore, #tpu.memory_space<semaphore_mem>>) src(%dma_wait3A_198 : memref<8192xf32, #tpu.memory_space<hbm>>) dst(%arg14 : memref<8192xf32, #tpu.memory_space<vmem>>)
      %dma_wait3A_199 = arith.constant 0 : i32
      %dma_wait3A_200 = tpu.memref_slice %arg2[%dma_wait3A_199] : memref<4194304xf32, #tpu.memory_space<hbm>> -> memref<8192xf32, #tpu.memory_space<hbm>>
      %dma_wait3A_201 = arith.constant 0 : i32
      %dma_wait3A_202 = tpu.memref_slice %arg2[%dma_wait3A_201] : memref<4194304xf32, #tpu.memory_space<hbm>> -> memref<8192xf32, #tpu.memory_space<hbm>>
      tpu.wait_dma2 semaphore(%arg26 : memref<!tpu.dma_semaphore, #tpu.memory_space<semaphore_mem>>) src(%dma_wait3A_202 : memref<8192xf32, #tpu.memory_space<hbm>>) dst(%arg15 : memref<8192xf32, #tpu.memory_space<vmem>>)
      %dma_wait3A_203 = arith.constant 0 : i32
      %dma_wait3A_204 = tpu.memref_slice %arg2[%dma_wait3A_203] : memref<4194304xf32, #tpu.memory_space<hbm>> -> memref<8192xf32, #tpu.memory_space<hbm>>
      %dma_wait3A_205 = arith.constant 0 : i32
      %dma_wait3A_206 = tpu.memref_slice %arg2[%dma_wait3A_205] : memref<4194304xf32, #tpu.memory_space<hbm>> -> memref<8192xf32, #tpu.memory_space<hbm>>
      tpu.wait_dma2 semaphore(%arg26 : memref<!tpu.dma_semaphore, #tpu.memory_space<semaphore_mem>>) src(%dma_wait3A_206 : memref<8192xf32, #tpu.memory_space<hbm>>) dst(%arg16 : memref<8192xf32, #tpu.memory_space<vmem>>)
      %dma_wait3A_207 = arith.constant 0 : i32
      %dma_wait3A_208 = tpu.memref_slice %arg2[%dma_wait3A_207] : memref<4194304xf32, #tpu.memory_space<hbm>> -> memref<8192xf32, #tpu.memory_space<hbm>>
      %dma_wait3A_209 = arith.constant 0 : i32
      %dma_wait3A_210 = tpu.memref_slice %arg2[%dma_wait3A_209] : memref<4194304xf32, #tpu.memory_space<hbm>> -> memref<8192xf32, #tpu.memory_space<hbm>>
      tpu.wait_dma2 semaphore(%arg26 : memref<!tpu.dma_semaphore, #tpu.memory_space<semaphore_mem>>) src(%dma_wait3A_210 : memref<8192xf32, #tpu.memory_space<hbm>>) dst(%arg17 : memref<8192xf32, #tpu.memory_space<vmem>>)
      %lt3A_211 = arith.constant 7 : i32
      %lt3A_212 = arith.cmpi slt, %scan3A_136, %lt3A_211 : i32
      %convert_element_type3A_213 = arith.extui %lt3A_212 : i1 to i32
      %cond3A_214 = arith.constant 0 : i32
      %cond3A_215 = arith.cmpi ne, %convert_element_type3A_213, %cond3A_214 : i32
      scf.if %cond3A_215 {
        %add3A_220 = arith.constant 16384 : i32
        %add3A_221 = arith.addi %add3A_155, %add3A_220 : i32
        %dma_start3A_222 = tpu.memref_slice %arg2[%add3A_221] : memref<4194304xf32, #tpu.memory_space<hbm>> -> memref<8192xf32, #tpu.memory_space<hbm>>
        %dma_start3A_223 = tpu.memref_slice %arg2[%add3A_221] : memref<4194304xf32, #tpu.memory_space<hbm>> -> memref<8192xf32, #tpu.memory_space<hbm>>
        tpu.enqueue_dma source(%dma_start3A_223 : memref<8192xf32, #tpu.memory_space<hbm>>) target(%arg8 : memref<8192xf32, #tpu.memory_space<vmem>>) target_semaphore(%arg25 : memref<!tpu.dma_semaphore, #tpu.memory_space<semaphore_mem>>)
        %dma_start3A_224 = tpu.memref_slice %arg3[%add3A_221] : memref<4194304xf32, #tpu.memory_space<hbm>> -> memref<8192xf32, #tpu.memory_space<hbm>>
        %dma_start3A_225 = tpu.memref_slice %arg3[%add3A_221] : memref<4194304xf32, #tpu.memory_space<hbm>> -> memref<8192xf32, #tpu.memory_space<hbm>>
        tpu.enqueue_dma source(%dma_start3A_225 : memref<8192xf32, #tpu.memory_space<hbm>>) target(%arg9 : memref<8192xf32, #tpu.memory_space<vmem>>) target_semaphore(%arg25 : memref<!tpu.dma_semaphore, #tpu.memory_space<semaphore_mem>>)
        %dma_start3A_226 = tpu.memref_slice %arg4[%add3A_221] : memref<4194304xf32, #tpu.memory_space<hbm>> -> memref<8192xf32, #tpu.memory_space<hbm>>
        %dma_start3A_227 = tpu.memref_slice %arg4[%add3A_221] : memref<4194304xf32, #tpu.memory_space<hbm>> -> memref<8192xf32, #tpu.memory_space<hbm>>
        tpu.enqueue_dma source(%dma_start3A_227 : memref<8192xf32, #tpu.memory_space<hbm>>) target(%arg10 : memref<8192xf32, #tpu.memory_space<vmem>>) target_semaphore(%arg25 : memref<!tpu.dma_semaphore, #tpu.memory_space<semaphore_mem>>)
        %dma_start3A_228 = tpu.memref_slice %arg5[%add3A_221] : memref<4194304xf32, #tpu.memory_space<hbm>> -> memref<8192xf32, #tpu.memory_space<hbm>>
        %dma_start3A_229 = tpu.memref_slice %arg5[%add3A_221] : memref<4194304xf32, #tpu.memory_space<hbm>> -> memref<8192xf32, #tpu.memory_space<hbm>>
        tpu.enqueue_dma source(%dma_start3A_229 : memref<8192xf32, #tpu.memory_space<hbm>>) target(%arg11 : memref<8192xf32, #tpu.memory_space<vmem>>) target_semaphore(%arg25 : memref<!tpu.dma_semaphore, #tpu.memory_space<semaphore_mem>>)
        %dma_start3A_230 = tpu.memref_slice %arg6[%add3A_221] : memref<4194304xf32, #tpu.memory_space<hbm>> -> memref<8192xf32, #tpu.memory_space<hbm>>
        %dma_start3A_231 = tpu.memref_slice %arg6[%add3A_221] : memref<4194304xf32, #tpu.memory_space<hbm>> -> memref<8192xf32, #tpu.memory_space<hbm>>
        tpu.enqueue_dma source(%dma_start3A_231 : memref<8192xf32, #tpu.memory_space<hbm>>) target(%arg12 : memref<8192xf32, #tpu.memory_space<vmem>>) target_semaphore(%arg25 : memref<!tpu.dma_semaphore, #tpu.memory_space<semaphore_mem>>)
      } else {
      }
      %parallel_loop3A_216 = arith.constant 0 : i32
      %parallel_loop3A_217 = arith.constant 128 : i32
      %parallel_loop3A_218 = arith.constant 1 : i32
      %parallel_loop3A_219:16 = scf.for %parallel_loop3A_220 = %parallel_loop3A_216 to %parallel_loop3A_217 step %parallel_loop3A_218 iter_args(%parallel_loop3A_221 = %parallel_loop3A_190#0, %parallel_loop3A_222 = %parallel_loop3A_190#1, %parallel_loop3A_223 = %parallel_loop3A_190#2, %parallel_loop3A_224 = %parallel_loop3A_190#3, %parallel_loop3A_225 = %parallel_loop3A_190#4, %parallel_loop3A_226 = %parallel_loop3A_190#5, %parallel_loop3A_227 = %parallel_loop3A_190#6, %parallel_loop3A_228 = %parallel_loop3A_190#7, %parallel_loop3A_229 = %parallel_loop3A_190#8, %parallel_loop3A_230 = %parallel_loop3A_190#9, %parallel_loop3A_231 = %parallel_loop3A_190#10, %parallel_loop3A_232 = %parallel_loop3A_190#11, %parallel_loop3A_233 = %parallel_loop3A_190#12, %parallel_loop3A_234 = %parallel_loop3A_190#13, %parallel_loop3A_235 = %parallel_loop3A_190#14, %parallel_loop3A_236 = %parallel_loop3A_190#15) -> (vector<16xf32>, vector<16xf32>, vector<16xf32>, vector<16xf32>, vector<16xf32>, vector<16xf32>, vector<16xf32>, vector<16xf32>, vector<16xf32>, vector<16xf32>, vector<16xf32>, vector<16xf32>, vector<16xf32>, vector<16xf32>, vector<16xf32>, vector<16xf32>)  : i32 {
        %parallel_loop3A_237 = arith.constant 64 : i32
        %parallel_loop3A_238 = arith.muli %parallel_loop3A_220, %parallel_loop3A_237 : i32
        %parallel_loop3A_239 = arith.constant 0 : i32
        %parallel_loop3A_240 = arith.addi %parallel_loop3A_238, %parallel_loop3A_239 : i32
        %parallel_loop3A_241 = arith.index_cast %parallel_loop3A_240 : i32 to index
        %parallel_loop3A_242 = tpu.vector_load %arg13[%parallel_loop3A_241] {strides = array<i32>} : memref<8192xf32, #tpu.memory_space<vmem>>, vector<16xf32>,
        %parallel_loop3A_243 = arith.index_cast %parallel_loop3A_240 : i32 to index
        %parallel_loop3A_244 = tpu.vector_load %arg14[%parallel_loop3A_243] {strides = array<i32>} : memref<8192xf32, #tpu.memory_space<vmem>>, vector<16xf32>,
        %parallel_loop3A_245 = arith.index_cast %parallel_loop3A_240 : i32 to index
        %parallel_loop3A_246 = tpu.vector_load %arg15[%parallel_loop3A_245] {strides = array<i32>} : memref<8192xf32, #tpu.memory_space<vmem>>, vector<16xf32>,
        %parallel_loop3A_247 = arith.index_cast %parallel_loop3A_240 : i32 to index
        %parallel_loop3A_248 = tpu.vector_load %arg16[%parallel_loop3A_247] {strides = array<i32>} : memref<8192xf32, #tpu.memory_space<vmem>>, vector<16xf32>,
        %parallel_loop3A_249 = arith.index_cast %parallel_loop3A_240 : i32 to index
        %parallel_loop3A_250 = tpu.vector_load %arg17[%parallel_loop3A_249] {strides = array<i32>} : memref<8192xf32, #tpu.memory_space<vmem>>, vector<16xf32>,
        %parallel_loop3A_251 = arith.subf %parallel_loop3A_246, %parallel_loop3A_242 : vector<16xf32>
        %parallel_loop3A_252 = arith.mulf %parallel_loop3A_251, %parallel_loop3A_251 : vector<16xf32>
        %parallel_loop3A_253 = arith.mulf %parallel_loop3A_252, %parallel_loop3A_250 : vector<16xf32>
        %parallel_loop3A_254 = arith.subf %parallel_loop3A_248, %parallel_loop3A_244 : vector<16xf32>
        %parallel_loop3A_255 = arith.mulf %parallel_loop3A_254, %parallel_loop3A_254 : vector<16xf32>
        %parallel_loop3A_256 = arith.mulf %parallel_loop3A_255, %parallel_loop3A_250 : vector<16xf32>
        %parallel_loop3A_257 = arith.constant 1.000000e-01 : f32
        %parallel_loop3A_258 = vector.broadcast %parallel_loop3A_257 : f32 to vector<16xf32>
        %parallel_loop3A_259 = arith.cmpf olt, %parallel_loop3A_242, %parallel_loop3A_258 : vector<16xf32>
        %parallel_loop3A_260 = arith.constant 1.000000e-01 : f32
        %parallel_loop3A_261 = vector.broadcast %parallel_loop3A_260 : f32 to vector<16xf32>
        %parallel_loop3A_262 = arith.cmpf olt, %parallel_loop3A_244, %parallel_loop3A_261 : vector<16xf32>
        %parallel_loop3A_263 = arith.constant 1.024000e+03 : f32
        %parallel_loop3A_264 = vector.broadcast %parallel_loop3A_263 : f32 to vector<16xf32>
        %parallel_loop3A_265 = arith.mulf %parallel_loop3A_253, %parallel_loop3A_264 : vector<16xf32>
        %parallel_loop3A_266 = arith.fptosi %parallel_loop3A_265 : vector<16xf32> to vector<16xi32>
        %parallel_loop3A_267 = arith.constant 1023 : i32
        %parallel_loop3A_268 = vector.broadcast %parallel_loop3A_267 : i32 to vector<16xi32>
        %parallel_loop3A_269 = arith.minsi %parallel_loop3A_266, %parallel_loop3A_268 : vector<16xi32>
        %parallel_loop3A_270 = arith.constant 1.024000e+03 : f32
        %parallel_loop3A_271 = vector.broadcast %parallel_loop3A_270 : f32 to vector<16xf32>
        %parallel_loop3A_272 = arith.mulf %parallel_loop3A_256, %parallel_loop3A_271 : vector<16xf32>
        %parallel_loop3A_273 = arith.fptosi %parallel_loop3A_272 : vector<16xf32> to vector<16xi32>
        %parallel_loop3A_274 = arith.constant 1023 : i32
        %parallel_loop3A_275 = vector.broadcast %parallel_loop3A_274 : i32 to vector<16xi32>
        %parallel_loop3A_276 = arith.minsi %parallel_loop3A_273, %parallel_loop3A_275 : vector<16xi32>
        %parallel_loop3A_277 = arith.addi %mul3A_64, %parallel_loop3A_269 : vector<16xi32>
        tpu.vector_store_idx %arg18[%parallel_loop3A_277], %broadcast_in_dim3A_67 masked %parallel_loop3A_259 {add = true} : memref<16384xf32, #tpu.memory_space<vmem>>[vector<16xi32>], vector<16xf32>, vector<16xi1>
        %parallel_loop3A_278 = arith.addi %mul3A_64, %parallel_loop3A_276 : vector<16xi32>
        tpu.vector_store_idx %arg19[%parallel_loop3A_278], %broadcast_in_dim3A_67 masked %parallel_loop3A_262 {add = true} : memref<16384xf32, #tpu.memory_space<vmem>>[vector<16xi32>], vector<16xf32>, vector<16xi1>
        %parallel_loop3A_279 = arith.addf %parallel_loop3A_221, %parallel_loop3A_253 : vector<16xf32>
        %parallel_loop3A_280 = arith.select %parallel_loop3A_259, %parallel_loop3A_253, %broadcast_in_dim3A_65 : vector<16xi1>, vector<16xf32>
        %parallel_loop3A_281 = arith.addf %parallel_loop3A_225, %parallel_loop3A_280 : vector<16xf32>
        %parallel_loop3A_282 = arith.addf %parallel_loop3A_229, %parallel_loop3A_256 : vector<16xf32>
        %parallel_loop3A_283 = arith.select %parallel_loop3A_262, %parallel_loop3A_256, %broadcast_in_dim3A_65 : vector<16xi1>, vector<16xf32>
        %parallel_loop3A_284 = arith.addf %parallel_loop3A_233, %parallel_loop3A_283 : vector<16xf32>
        %parallel_loop3A_285 = arith.constant 64 : i32
        %parallel_loop3A_286 = arith.muli %parallel_loop3A_220, %parallel_loop3A_285 : i32
        %parallel_loop3A_287 = arith.constant 16 : i32
        %parallel_loop3A_288 = arith.addi %parallel_loop3A_286, %parallel_loop3A_287 : i32
        %parallel_loop3A_289 = arith.index_cast %parallel_loop3A_288 : i32 to index
        %parallel_loop3A_290 = tpu.vector_load %arg13[%parallel_loop3A_289] {strides = array<i32>} : memref<8192xf32, #tpu.memory_space<vmem>>, vector<16xf32>,
        %parallel_loop3A_291 = arith.index_cast %parallel_loop3A_288 : i32 to index
        %parallel_loop3A_292 = tpu.vector_load %arg14[%parallel_loop3A_291] {strides = array<i32>} : memref<8192xf32, #tpu.memory_space<vmem>>, vector<16xf32>,
        %parallel_loop3A_293 = arith.index_cast %parallel_loop3A_288 : i32 to index
        %parallel_loop3A_294 = tpu.vector_load %arg15[%parallel_loop3A_293] {strides = array<i32>} : memref<8192xf32, #tpu.memory_space<vmem>>, vector<16xf32>,
        %parallel_loop3A_295 = arith.index_cast %parallel_loop3A_288 : i32 to index
        %parallel_loop3A_296 = tpu.vector_load %arg16[%parallel_loop3A_295] {strides = array<i32>} : memref<8192xf32, #tpu.memory_space<vmem>>, vector<16xf32>,
        %parallel_loop3A_297 = arith.index_cast %parallel_loop3A_288 : i32 to index
        %parallel_loop3A_298 = tpu.vector_load %arg17[%parallel_loop3A_297] {strides = array<i32>} : memref<8192xf32, #tpu.memory_space<vmem>>, vector<16xf32>,
        %parallel_loop3A_299 = arith.subf %parallel_loop3A_294, %parallel_loop3A_290 : vector<16xf32>
        %parallel_loop3A_300 = arith.mulf %parallel_loop3A_299, %parallel_loop3A_299 : vector<16xf32>
        %parallel_loop3A_301 = arith.mulf %parallel_loop3A_300, %parallel_loop3A_298 : vector<16xf32>
        %parallel_loop3A_302 = arith.subf %parallel_loop3A_296, %parallel_loop3A_292 : vector<16xf32>
        %parallel_loop3A_303 = arith.mulf %parallel_loop3A_302, %parallel_loop3A_302 : vector<16xf32>
        %parallel_loop3A_304 = arith.mulf %parallel_loop3A_303, %parallel_loop3A_298 : vector<16xf32>
        %parallel_loop3A_305 = arith.constant 1.000000e-01 : f32
        %parallel_loop3A_306 = vector.broadcast %parallel_loop3A_305 : f32 to vector<16xf32>
        %parallel_loop3A_307 = arith.cmpf olt, %parallel_loop3A_290, %parallel_loop3A_306 : vector<16xf32>
        %parallel_loop3A_308 = arith.constant 1.000000e-01 : f32
        %parallel_loop3A_309 = vector.broadcast %parallel_loop3A_308 : f32 to vector<16xf32>
        %parallel_loop3A_310 = arith.cmpf olt, %parallel_loop3A_292, %parallel_loop3A_309 : vector<16xf32>
        %parallel_loop3A_311 = arith.constant 1.024000e+03 : f32
        %parallel_loop3A_312 = vector.broadcast %parallel_loop3A_311 : f32 to vector<16xf32>
        %parallel_loop3A_313 = arith.mulf %parallel_loop3A_301, %parallel_loop3A_312 : vector<16xf32>
        %parallel_loop3A_314 = arith.fptosi %parallel_loop3A_313 : vector<16xf32> to vector<16xi32>
        %parallel_loop3A_315 = arith.constant 1023 : i32
        %parallel_loop3A_316 = vector.broadcast %parallel_loop3A_315 : i32 to vector<16xi32>
        %parallel_loop3A_317 = arith.minsi %parallel_loop3A_314, %parallel_loop3A_316 : vector<16xi32>
        %parallel_loop3A_318 = arith.constant 1.024000e+03 : f32
        %parallel_loop3A_319 = vector.broadcast %parallel_loop3A_318 : f32 to vector<16xf32>
        %parallel_loop3A_320 = arith.mulf %parallel_loop3A_304, %parallel_loop3A_319 : vector<16xf32>
        %parallel_loop3A_321 = arith.fptosi %parallel_loop3A_320 : vector<16xf32> to vector<16xi32>
        %parallel_loop3A_322 = arith.constant 1023 : i32
        %parallel_loop3A_323 = vector.broadcast %parallel_loop3A_322 : i32 to vector<16xi32>
        %parallel_loop3A_324 = arith.minsi %parallel_loop3A_321, %parallel_loop3A_323 : vector<16xi32>
        %parallel_loop3A_325 = arith.addi %mul3A_64, %parallel_loop3A_317 : vector<16xi32>
        tpu.vector_store_idx %arg18[%parallel_loop3A_325], %broadcast_in_dim3A_67 masked %parallel_loop3A_307 {add = true} : memref<16384xf32, #tpu.memory_space<vmem>>[vector<16xi32>], vector<16xf32>, vector<16xi1>
        %parallel_loop3A_326 = arith.addi %mul3A_64, %parallel_loop3A_324 : vector<16xi32>
        tpu.vector_store_idx %arg19[%parallel_loop3A_326], %broadcast_in_dim3A_67 masked %parallel_loop3A_310 {add = true} : memref<16384xf32, #tpu.memory_space<vmem>>[vector<16xi32>], vector<16xf32>, vector<16xi1>
        %parallel_loop3A_327 = arith.addf %parallel_loop3A_222, %parallel_loop3A_301 : vector<16xf32>
        %parallel_loop3A_328 = arith.select %parallel_loop3A_307, %parallel_loop3A_301, %broadcast_in_dim3A_65 : vector<16xi1>, vector<16xf32>
        %parallel_loop3A_329 = arith.addf %parallel_loop3A_226, %parallel_loop3A_328 : vector<16xf32>
        %parallel_loop3A_330 = arith.addf %parallel_loop3A_230, %parallel_loop3A_304 : vector<16xf32>
        %parallel_loop3A_331 = arith.select %parallel_loop3A_310, %parallel_loop3A_304, %broadcast_in_dim3A_65 : vector<16xi1>, vector<16xf32>
        %parallel_loop3A_332 = arith.addf %parallel_loop3A_234, %parallel_loop3A_331 : vector<16xf32>
        %parallel_loop3A_333 = arith.constant 64 : i32
        %parallel_loop3A_334 = arith.muli %parallel_loop3A_220, %parallel_loop3A_333 : i32
        %parallel_loop3A_335 = arith.constant 32 : i32
        %parallel_loop3A_336 = arith.addi %parallel_loop3A_334, %parallel_loop3A_335 : i32
        %parallel_loop3A_337 = arith.index_cast %parallel_loop3A_336 : i32 to index
        %parallel_loop3A_338 = tpu.vector_load %arg13[%parallel_loop3A_337] {strides = array<i32>} : memref<8192xf32, #tpu.memory_space<vmem>>, vector<16xf32>,
        %parallel_loop3A_339 = arith.index_cast %parallel_loop3A_336 : i32 to index
        %parallel_loop3A_340 = tpu.vector_load %arg14[%parallel_loop3A_339] {strides = array<i32>} : memref<8192xf32, #tpu.memory_space<vmem>>, vector<16xf32>,
        %parallel_loop3A_341 = arith.index_cast %parallel_loop3A_336 : i32 to index
        %parallel_loop3A_342 = tpu.vector_load %arg15[%parallel_loop3A_341] {strides = array<i32>} : memref<8192xf32, #tpu.memory_space<vmem>>, vector<16xf32>,
        %parallel_loop3A_343 = arith.index_cast %parallel_loop3A_336 : i32 to index
        %parallel_loop3A_344 = tpu.vector_load %arg16[%parallel_loop3A_343] {strides = array<i32>} : memref<8192xf32, #tpu.memory_space<vmem>>, vector<16xf32>,
        %parallel_loop3A_345 = arith.index_cast %parallel_loop3A_336 : i32 to index
        %parallel_loop3A_346 = tpu.vector_load %arg17[%parallel_loop3A_345] {strides = array<i32>} : memref<8192xf32, #tpu.memory_space<vmem>>, vector<16xf32>,
        %parallel_loop3A_347 = arith.subf %parallel_loop3A_342, %parallel_loop3A_338 : vector<16xf32>
        %parallel_loop3A_348 = arith.mulf %parallel_loop3A_347, %parallel_loop3A_347 : vector<16xf32>
        %parallel_loop3A_349 = arith.mulf %parallel_loop3A_348, %parallel_loop3A_346 : vector<16xf32>
        %parallel_loop3A_350 = arith.subf %parallel_loop3A_344, %parallel_loop3A_340 : vector<16xf32>
        %parallel_loop3A_351 = arith.mulf %parallel_loop3A_350, %parallel_loop3A_350 : vector<16xf32>
        %parallel_loop3A_352 = arith.mulf %parallel_loop3A_351, %parallel_loop3A_346 : vector<16xf32>
        %parallel_loop3A_353 = arith.constant 1.000000e-01 : f32
        %parallel_loop3A_354 = vector.broadcast %parallel_loop3A_353 : f32 to vector<16xf32>
        %parallel_loop3A_355 = arith.cmpf olt, %parallel_loop3A_338, %parallel_loop3A_354 : vector<16xf32>
        %parallel_loop3A_356 = arith.constant 1.000000e-01 : f32
        %parallel_loop3A_357 = vector.broadcast %parallel_loop3A_356 : f32 to vector<16xf32>
        %parallel_loop3A_358 = arith.cmpf olt, %parallel_loop3A_340, %parallel_loop3A_357 : vector<16xf32>
        %parallel_loop3A_359 = arith.constant 1.024000e+03 : f32
        %parallel_loop3A_360 = vector.broadcast %parallel_loop3A_359 : f32 to vector<16xf32>
        %parallel_loop3A_361 = arith.mulf %parallel_loop3A_349, %parallel_loop3A_360 : vector<16xf32>
        %parallel_loop3A_362 = arith.fptosi %parallel_loop3A_361 : vector<16xf32> to vector<16xi32>
        %parallel_loop3A_363 = arith.constant 1023 : i32
        %parallel_loop3A_364 = vector.broadcast %parallel_loop3A_363 : i32 to vector<16xi32>
        %parallel_loop3A_365 = arith.minsi %parallel_loop3A_362, %parallel_loop3A_364 : vector<16xi32>
        %parallel_loop3A_366 = arith.constant 1.024000e+03 : f32
        %parallel_loop3A_367 = vector.broadcast %parallel_loop3A_366 : f32 to vector<16xf32>
        %parallel_loop3A_368 = arith.mulf %parallel_loop3A_352, %parallel_loop3A_367 : vector<16xf32>
        %parallel_loop3A_369 = arith.fptosi %parallel_loop3A_368 : vector<16xf32> to vector<16xi32>
        %parallel_loop3A_370 = arith.constant 1023 : i32
        %parallel_loop3A_371 = vector.broadcast %parallel_loop3A_370 : i32 to vector<16xi32>
        %parallel_loop3A_372 = arith.minsi %parallel_loop3A_369, %parallel_loop3A_371 : vector<16xi32>
        %parallel_loop3A_373 = arith.addi %mul3A_64, %parallel_loop3A_365 : vector<16xi32>
        tpu.vector_store_idx %arg18[%parallel_loop3A_373], %broadcast_in_dim3A_67 masked %parallel_loop3A_355 {add = true} : memref<16384xf32, #tpu.memory_space<vmem>>[vector<16xi32>], vector<16xf32>, vector<16xi1>
        %parallel_loop3A_374 = arith.addi %mul3A_64, %parallel_loop3A_372 : vector<16xi32>
        tpu.vector_store_idx %arg19[%parallel_loop3A_374], %broadcast_in_dim3A_67 masked %parallel_loop3A_358 {add = true} : memref<16384xf32, #tpu.memory_space<vmem>>[vector<16xi32>], vector<16xf32>, vector<16xi1>
        %parallel_loop3A_375 = arith.addf %parallel_loop3A_223, %parallel_loop3A_349 : vector<16xf32>
        %parallel_loop3A_376 = arith.select %parallel_loop3A_355, %parallel_loop3A_349, %broadcast_in_dim3A_65 : vector<16xi1>, vector<16xf32>
        %parallel_loop3A_377 = arith.addf %parallel_loop3A_227, %parallel_loop3A_376 : vector<16xf32>
        %parallel_loop3A_378 = arith.addf %parallel_loop3A_231, %parallel_loop3A_352 : vector<16xf32>
        %parallel_loop3A_379 = arith.select %parallel_loop3A_358, %parallel_loop3A_352, %broadcast_in_dim3A_65 : vector<16xi1>, vector<16xf32>
        %parallel_loop3A_380 = arith.addf %parallel_loop3A_235, %parallel_loop3A_379 : vector<16xf32>
        %parallel_loop3A_381 = arith.constant 64 : i32
        %parallel_loop3A_382 = arith.muli %parallel_loop3A_220, %parallel_loop3A_381 : i32
        %parallel_loop3A_383 = arith.constant 48 : i32
        %parallel_loop3A_384 = arith.addi %parallel_loop3A_382, %parallel_loop3A_383 : i32
        %parallel_loop3A_385 = arith.index_cast %parallel_loop3A_384 : i32 to index
        %parallel_loop3A_386 = tpu.vector_load %arg13[%parallel_loop3A_385] {strides = array<i32>} : memref<8192xf32, #tpu.memory_space<vmem>>, vector<16xf32>,
        %parallel_loop3A_387 = arith.index_cast %parallel_loop3A_384 : i32 to index
        %parallel_loop3A_388 = tpu.vector_load %arg14[%parallel_loop3A_387] {strides = array<i32>} : memref<8192xf32, #tpu.memory_space<vmem>>, vector<16xf32>,
        %parallel_loop3A_389 = arith.index_cast %parallel_loop3A_384 : i32 to index
        %parallel_loop3A_390 = tpu.vector_load %arg15[%parallel_loop3A_389] {strides = array<i32>} : memref<8192xf32, #tpu.memory_space<vmem>>, vector<16xf32>,
        %parallel_loop3A_391 = arith.index_cast %parallel_loop3A_384 : i32 to index
        %parallel_loop3A_392 = tpu.vector_load %arg16[%parallel_loop3A_391] {strides = array<i32>} : memref<8192xf32, #tpu.memory_space<vmem>>, vector<16xf32>,
        %parallel_loop3A_393 = arith.index_cast %parallel_loop3A_384 : i32 to index
        %parallel_loop3A_394 = tpu.vector_load %arg17[%parallel_loop3A_393] {strides = array<i32>} : memref<8192xf32, #tpu.memory_space<vmem>>, vector<16xf32>,
        %parallel_loop3A_395 = arith.subf %parallel_loop3A_390, %parallel_loop3A_386 : vector<16xf32>
        %parallel_loop3A_396 = arith.mulf %parallel_loop3A_395, %parallel_loop3A_395 : vector<16xf32>
        %parallel_loop3A_397 = arith.mulf %parallel_loop3A_396, %parallel_loop3A_394 : vector<16xf32>
        %parallel_loop3A_398 = arith.subf %parallel_loop3A_392, %parallel_loop3A_388 : vector<16xf32>
        %parallel_loop3A_399 = arith.mulf %parallel_loop3A_398, %parallel_loop3A_398 : vector<16xf32>
        %parallel_loop3A_400 = arith.mulf %parallel_loop3A_399, %parallel_loop3A_394 : vector<16xf32>
        %parallel_loop3A_401 = arith.constant 1.000000e-01 : f32
        %parallel_loop3A_402 = vector.broadcast %parallel_loop3A_401 : f32 to vector<16xf32>
        %parallel_loop3A_403 = arith.cmpf olt, %parallel_loop3A_386, %parallel_loop3A_402 : vector<16xf32>
        %parallel_loop3A_404 = arith.constant 1.000000e-01 : f32
        %parallel_loop3A_405 = vector.broadcast %parallel_loop3A_404 : f32 to vector<16xf32>
        %parallel_loop3A_406 = arith.cmpf olt, %parallel_loop3A_388, %parallel_loop3A_405 : vector<16xf32>
        %parallel_loop3A_407 = arith.constant 1.024000e+03 : f32
        %parallel_loop3A_408 = vector.broadcast %parallel_loop3A_407 : f32 to vector<16xf32>
        %parallel_loop3A_409 = arith.mulf %parallel_loop3A_397, %parallel_loop3A_408 : vector<16xf32>
        %parallel_loop3A_410 = arith.fptosi %parallel_loop3A_409 : vector<16xf32> to vector<16xi32>
        %parallel_loop3A_411 = arith.constant 1023 : i32
        %parallel_loop3A_412 = vector.broadcast %parallel_loop3A_411 : i32 to vector<16xi32>
        %parallel_loop3A_413 = arith.minsi %parallel_loop3A_410, %parallel_loop3A_412 : vector<16xi32>
        %parallel_loop3A_414 = arith.constant 1.024000e+03 : f32
        %parallel_loop3A_415 = vector.broadcast %parallel_loop3A_414 : f32 to vector<16xf32>
        %parallel_loop3A_416 = arith.mulf %parallel_loop3A_400, %parallel_loop3A_415 : vector<16xf32>
        %parallel_loop3A_417 = arith.fptosi %parallel_loop3A_416 : vector<16xf32> to vector<16xi32>
        %parallel_loop3A_418 = arith.constant 1023 : i32
        %parallel_loop3A_419 = vector.broadcast %parallel_loop3A_418 : i32 to vector<16xi32>
        %parallel_loop3A_420 = arith.minsi %parallel_loop3A_417, %parallel_loop3A_419 : vector<16xi32>
        %parallel_loop3A_421 = arith.addi %mul3A_64, %parallel_loop3A_413 : vector<16xi32>
        tpu.vector_store_idx %arg18[%parallel_loop3A_421], %broadcast_in_dim3A_67 masked %parallel_loop3A_403 {add = true} : memref<16384xf32, #tpu.memory_space<vmem>>[vector<16xi32>], vector<16xf32>, vector<16xi1>
        %parallel_loop3A_422 = arith.addi %mul3A_64, %parallel_loop3A_420 : vector<16xi32>
        tpu.vector_store_idx %arg19[%parallel_loop3A_422], %broadcast_in_dim3A_67 masked %parallel_loop3A_406 {add = true} : memref<16384xf32, #tpu.memory_space<vmem>>[vector<16xi32>], vector<16xf32>, vector<16xi1>
        %parallel_loop3A_423 = arith.addf %parallel_loop3A_224, %parallel_loop3A_397 : vector<16xf32>
        %parallel_loop3A_424 = arith.select %parallel_loop3A_403, %parallel_loop3A_397, %broadcast_in_dim3A_65 : vector<16xi1>, vector<16xf32>
        %parallel_loop3A_425 = arith.addf %parallel_loop3A_228, %parallel_loop3A_424 : vector<16xf32>
        %parallel_loop3A_426 = arith.addf %parallel_loop3A_232, %parallel_loop3A_400 : vector<16xf32>
        %parallel_loop3A_427 = arith.select %parallel_loop3A_406, %parallel_loop3A_400, %broadcast_in_dim3A_65 : vector<16xi1>, vector<16xf32>
        %parallel_loop3A_428 = arith.addf %parallel_loop3A_236, %parallel_loop3A_427 : vector<16xf32>
        scf.yield %parallel_loop3A_279, %parallel_loop3A_327, %parallel_loop3A_375, %parallel_loop3A_423, %parallel_loop3A_281, %parallel_loop3A_329, %parallel_loop3A_377, %parallel_loop3A_425, %parallel_loop3A_282, %parallel_loop3A_330, %parallel_loop3A_378, %parallel_loop3A_426, %parallel_loop3A_284, %parallel_loop3A_332, %parallel_loop3A_380, %parallel_loop3A_428 : vector<16xf32>, vector<16xf32>, vector<16xf32>, vector<16xf32>, vector<16xf32>, vector<16xf32>, vector<16xf32>, vector<16xf32>, vector<16xf32>, vector<16xf32>, vector<16xf32>, vector<16xf32>, vector<16xf32>, vector<16xf32>, vector<16xf32>, vector<16xf32>
      } {sc.loop_unroll_factor = 1 : i64, sc.parallel_access}
      scf.yield %parallel_loop3A_219#0, %parallel_loop3A_219#1, %parallel_loop3A_219#2, %parallel_loop3A_219#3, %parallel_loop3A_219#4, %parallel_loop3A_219#5, %parallel_loop3A_219#6, %parallel_loop3A_219#7, %parallel_loop3A_219#8, %parallel_loop3A_219#9, %parallel_loop3A_219#10, %parallel_loop3A_219#11, %parallel_loop3A_219#12, %parallel_loop3A_219#13, %parallel_loop3A_219#14, %parallel_loop3A_219#15 : vector<16xf32>, vector<16xf32>, vector<16xf32>, vector<16xf32>, vector<16xf32>, vector<16xf32>, vector<16xf32>, vector<16xf32>, vector<16xf32>, vector<16xf32>, vector<16xf32>, vector<16xf32>, vector<16xf32>, vector<16xf32>, vector<16xf32>, vector<16xf32>
    }
    %scan3A_83 = arith.constant 8 : i32
    %add3A_84 = arith.addf %scan3A_82#0, %scan3A_82#1 : vector<16xf32>
    %add3A_85 = arith.addf %add3A_84, %scan3A_82#2 : vector<16xf32>
    %add3A_86 = arith.addf %add3A_85, %scan3A_82#3 : vector<16xf32>
    %reduce_sum3A = arith.constant true
    %reduce_sum3A_87 = vector.broadcast %reduce_sum3A : i1 to vector<16xi1>
    %reduce_sum3A_88 = tpu.scan <sum>, %add3A_86 masked %reduce_sum3A_87 : vector<16xf32>, vector<16xi1> -> vector<16xf32>
    %reduce_sum3A_89 = vector.extract %reduce_sum3A_88[15] : f32 from vector<16xf32>
    %broadcast_in_dim3A_90 = vector.broadcast %reduce_sum3A_89 : f32 to vector<16xf32>
    %swap3A = arith.constant 2048 : index
    %swap3A_91 = tpu.vector_load %arg20[%swap3A] {strides = array<i32>} : memref<2176xf32, #tpu.memory_space<vmem>>, vector<16xf32>,
    tpu.vector_store %arg20[%swap3A], %broadcast_in_dim3A_90 {strides = array<i32>} : memref<2176xf32, #tpu.memory_space<vmem>>, vector<16xf32>,
    %add3A_92 = arith.addf %scan3A_82#4, %scan3A_82#5 : vector<16xf32>
    %add3A_93 = arith.addf %add3A_92, %scan3A_82#6 : vector<16xf32>
    %add3A_94 = arith.addf %add3A_93, %scan3A_82#7 : vector<16xf32>
    %reduce_sum3A_95 = arith.constant true
    %reduce_sum3A_96 = vector.broadcast %reduce_sum3A_95 : i1 to vector<16xi1>
    %reduce_sum3A_97 = tpu.scan <sum>, %add3A_94 masked %reduce_sum3A_96 : vector<16xf32>, vector<16xi1> -> vector<16xf32>
    %reduce_sum3A_98 = vector.extract %reduce_sum3A_97[15] : f32 from vector<16xf32>
    %broadcast_in_dim3A_99 = vector.broadcast %reduce_sum3A_98 : f32 to vector<16xf32>
    %swap3A_100 = arith.constant 2064 : index
    %swap3A_101 = tpu.vector_load %arg20[%swap3A_100] {strides = array<i32>} : memref<2176xf32, #tpu.memory_space<vmem>>, vector<16xf32>,
    tpu.vector_store %arg20[%swap3A_100], %broadcast_in_dim3A_99 {strides = array<i32>} : memref<2176xf32, #tpu.memory_space<vmem>>, vector<16xf32>,
    %add3A_102 = arith.addf %scan3A_82#8, %scan3A_82#9 : vector<16xf32>
    %add3A_103 = arith.addf %add3A_102, %scan3A_82#10 : vector<16xf32>
    %add3A_104 = arith.addf %add3A_103, %scan3A_82#11 : vector<16xf32>
    %reduce_sum3A_105 = arith.constant true
    %reduce_sum3A_106 = vector.broadcast %reduce_sum3A_105 : i1 to vector<16xi1>
    %reduce_sum3A_107 = tpu.scan <sum>, %add3A_104 masked %reduce_sum3A_106 : vector<16xf32>, vector<16xi1> -> vector<16xf32>
    %reduce_sum3A_108 = vector.extract %reduce_sum3A_107[15] : f32 from vector<16xf32>
    %broadcast_in_dim3A_109 = vector.broadcast %reduce_sum3A_108 : f32 to vector<16xf32>
    %swap3A_110 = arith.constant 2080 : index
    %swap3A_111 = tpu.vector_load %arg20[%swap3A_110] {strides = array<i32>} : memref<2176xf32, #tpu.memory_space<vmem>>, vector<16xf32>,
    tpu.vector_store %arg20[%swap3A_110], %broadcast_in_dim3A_109 {strides = array<i32>} : memref<2176xf32, #tpu.memory_space<vmem>>, vector<16xf32>,
    %add3A_112 = arith.addf %scan3A_82#12, %scan3A_82#13 : vector<16xf32>
    %add3A_113 = arith.addf %add3A_112, %scan3A_82#14 : vector<16xf32>
    %add3A_114 = arith.addf %add3A_113, %scan3A_82#15 : vector<16xf32>
    %reduce_sum3A_115 = arith.constant true
    %reduce_sum3A_116 = vector.broadcast %reduce_sum3A_115 : i1 to vector<16xi1>
    %reduce_sum3A_117 = tpu.scan <sum>, %add3A_114 masked %reduce_sum3A_116 : vector<16xf32>, vector<16xi1> -> vector<16xf32>
    %reduce_sum3A_118 = vector.extract %reduce_sum3A_117[15] : f32 from vector<16xf32>
    %broadcast_in_dim3A_119 = vector.broadcast %reduce_sum3A_118 : f32 to vector<16xf32>
    %swap3A_120 = arith.constant 2096 : index
    %swap3A_121 = tpu.vector_load %arg20[%swap3A_120] {strides = array<i32>} : memref<2176xf32, #tpu.memory_space<vmem>>, vector<16xf32>,
    tpu.vector_store %arg20[%swap3A_120], %broadcast_in_dim3A_119 {strides = array<i32>} : memref<2176xf32, #tpu.memory_space<vmem>>, vector<16xf32>,
    %parallel_loop3A_122 = arith.constant 0 : i32
    %parallel_loop3A_123 = arith.constant 64 : i32
    %parallel_loop3A_124 = arith.constant 1 : i32
    scf.for %parallel_loop3A_136 = %parallel_loop3A_122 to %parallel_loop3A_123 step %parallel_loop3A_124  : i32 {
      %parallel_loop3A_137 = arith.constant 16 : i32
      %parallel_loop3A_138 = arith.muli %parallel_loop3A_136, %parallel_loop3A_137 : i32
      %parallel_loop3A_139 = arith.constant 0 : i32
      %parallel_loop3A_140 = arith.addi %parallel_loop3A_139, %parallel_loop3A_138 : i32
      %parallel_loop3A_141 = arith.index_cast %parallel_loop3A_140 : i32 to index
      %parallel_loop3A_142 = tpu.vector_load %arg18[%parallel_loop3A_141] {strides = array<i32>} : memref<16384xf32, #tpu.memory_space<vmem>>, vector<16xf32>,
      %parallel_loop3A_143 = arith.addf %broadcast_in_dim3A_65, %parallel_loop3A_142 : vector<16xf32>
      %parallel_loop3A_144 = arith.index_cast %parallel_loop3A_140 : i32 to index
      %parallel_loop3A_145 = tpu.vector_load %arg19[%parallel_loop3A_144] {strides = array<i32>} : memref<16384xf32, #tpu.memory_space<vmem>>, vector<16xf32>,
      %parallel_loop3A_146 = arith.addf %broadcast_in_dim3A_65, %parallel_loop3A_145 : vector<16xf32>
      %parallel_loop3A_147 = arith.constant 16 : i32
      %parallel_loop3A_148 = arith.muli %parallel_loop3A_136, %parallel_loop3A_147 : i32
      %parallel_loop3A_149 = arith.constant 1024 : i32
      %parallel_loop3A_150 = arith.addi %parallel_loop3A_149, %parallel_loop3A_148 : i32
      %parallel_loop3A_151 = arith.index_cast %parallel_loop3A_150 : i32 to index
      %parallel_loop3A_152 = tpu.vector_load %arg18[%parallel_loop3A_151] {strides = array<i32>} : memref<16384xf32, #tpu.memory_space<vmem>>, vector<16xf32>,
      %parallel_loop3A_153 = arith.addf %parallel_loop3A_143, %parallel_loop3A_152 : vector<16xf32>
      %parallel_loop3A_154 = arith.index_cast %parallel_loop3A_150 : i32 to index
      %parallel_loop3A_155 = tpu.vector_load %arg19[%parallel_loop3A_154] {strides = array<i32>} : memref<16384xf32, #tpu.memory_space<vmem>>, vector<16xf32>,
      %parallel_loop3A_156 = arith.addf %parallel_loop3A_146, %parallel_loop3A_155 : vector<16xf32>
      %parallel_loop3A_157 = arith.constant 16 : i32
      %parallel_loop3A_158 = arith.muli %parallel_loop3A_136, %parallel_loop3A_157 : i32
      %parallel_loop3A_159 = arith.constant 2048 : i32
      %parallel_loop3A_160 = arith.addi %parallel_loop3A_159, %parallel_loop3A_158 : i32
      %parallel_loop3A_161 = arith.index_cast %parallel_loop3A_160 : i32 to index
      %parallel_loop3A_162 = tpu.vector_load %arg18[%parallel_loop3A_161] {strides = array<i32>} : memref<16384xf32, #tpu.memory_space<vmem>>, vector<16xf32>,
      %parallel_loop3A_163 = arith.addf %parallel_loop3A_153, %parallel_loop3A_162 : vector<16xf32>
      %parallel_loop3A_164 = arith.index_cast %parallel_loop3A_160 : i32 to index
      %parallel_loop3A_165 = tpu.vector_load %arg19[%parallel_loop3A_164] {strides = array<i32>} : memref<16384xf32, #tpu.memory_space<vmem>>, vector<16xf32>,
      %parallel_loop3A_166 = arith.addf %parallel_loop3A_156, %parallel_loop3A_165 : vector<16xf32>
      %parallel_loop3A_167 = arith.constant 16 : i32
      %parallel_loop3A_168 = arith.muli %parallel_loop3A_136, %parallel_loop3A_167 : i32
      %parallel_loop3A_169 = arith.constant 3072 : i32
      %parallel_loop3A_170 = arith.addi %parallel_loop3A_169, %parallel_loop3A_168 : i32
      %parallel_loop3A_171 = arith.index_cast %parallel_loop3A_170 : i32 to index
      %parallel_loop3A_172 = tpu.vector_load %arg18[%parallel_loop3A_171] {strides = array<i32>} : memref<16384xf32, #tpu.memory_space<vmem>>, vector<16xf32>,
      %parallel_loop3A_173 = arith.addf %parallel_loop3A_163, %parallel_loop3A_172 : vector<16xf32>
      %parallel_loop3A_174 = arith.index_cast %parallel_loop3A_170 : i32 to index
      %parallel_loop3A_175 = tpu.vector_load %arg19[%parallel_loop3A_174] {strides = array<i32>} : memref<16384xf32, #tpu.memory_space<vmem>>, vector<16xf32>,
      %parallel_loop3A_176 = arith.addf %parallel_loop3A_166, %parallel_loop3A_175 : vector<16xf32>
      %parallel_loop3A_177 = arith.constant 16 : i32
      %parallel_loop3A_178 = arith.muli %parallel_loop3A_136, %parallel_loop3A_177 : i32
      %parallel_loop3A_179 = arith.constant 4096 : i32
      %parallel_loop3A_180 = arith.addi %parallel_loop3A_179, %parallel_loop3A_178 : i32
      %parallel_loop3A_181 = arith.index_cast %parallel_loop3A_180 : i32 to index
      %parallel_loop3A_182 = tpu.vector_load %arg18[%parallel_loop3A_181] {strides = array<i32>} : memref<16384xf32, #tpu.memory_space<vmem>>, vector<16xf32>,
      %parallel_loop3A_183 = arith.addf %parallel_loop3A_173, %parallel_loop3A_182 : vector<16xf32>
      %parallel_loop3A_184 = arith.index_cast %parallel_loop3A_180 : i32 to index
      %parallel_loop3A_185 = tpu.vector_load %arg19[%parallel_loop3A_184] {strides = array<i32>} : memref<16384xf32, #tpu.memory_space<vmem>>, vector<16xf32>,
      %parallel_loop3A_186 = arith.addf %parallel_loop3A_176, %parallel_loop3A_185 : vector<16xf32>
      %parallel_loop3A_187 = arith.constant 16 : i32
      %parallel_loop3A_188 = arith.muli %parallel_loop3A_136, %parallel_loop3A_187 : i32
      %parallel_loop3A_189 = arith.constant 5120 : i32
      %parallel_loop3A_190 = arith.addi %parallel_loop3A_189, %parallel_loop3A_188 : i32
      %parallel_loop3A_191 = arith.index_cast %parallel_loop3A_190 : i32 to index
      %parallel_loop3A_192 = tpu.vector_load %arg18[%parallel_loop3A_191] {strides = array<i32>} : memref<16384xf32, #tpu.memory_space<vmem>>, vector<16xf32>,
      %parallel_loop3A_193 = arith.addf %parallel_loop3A_183, %parallel_loop3A_192 : vector<16xf32>
      %parallel_loop3A_194 = arith.index_cast %parallel_loop3A_190 : i32 to index
      %parallel_loop3A_195 = tpu.vector_load %arg19[%parallel_loop3A_194] {strides = array<i32>} : memref<16384xf32, #tpu.memory_space<vmem>>, vector<16xf32>,
      %parallel_loop3A_196 = arith.addf %parallel_loop3A_186, %parallel_loop3A_195 : vector<16xf32>
      %parallel_loop3A_197 = arith.constant 16 : i32
      %parallel_loop3A_198 = arith.muli %parallel_loop3A_136, %parallel_loop3A_197 : i32
      %parallel_loop3A_199 = arith.constant 6144 : i32
      %parallel_loop3A_200 = arith.addi %parallel_loop3A_199, %parallel_loop3A_198 : i32
      %parallel_loop3A_201 = arith.index_cast %parallel_loop3A_200 : i32 to index
      %parallel_loop3A_202 = tpu.vector_load %arg18[%parallel_loop3A_201] {strides = array<i32>} : memref<16384xf32, #tpu.memory_space<vmem>>, vector<16xf32>,
      %parallel_loop3A_203 = arith.addf %parallel_loop3A_193, %parallel_loop3A_202 : vector<16xf32>
      %parallel_loop3A_204 = arith.index_cast %parallel_loop3A_200 : i32 to index
      %parallel_loop3A_205 = tpu.vector_load %arg19[%parallel_loop3A_204] {strides = array<i32>} : memref<16384xf32, #tpu.memory_space<vmem>>, vector<16xf32>,
      %parallel_loop3A_206 = arith.addf %parallel_loop3A_196, %parallel_loop3A_205 : vector<16xf32>
      %parallel_loop3A_207 = arith.constant 16 : i32
      %parallel_loop3A_208 = arith.muli %parallel_loop3A_136, %parallel_loop3A_207 : i32
      %parallel_loop3A_209 = arith.constant 7168 : i32
      %parallel_loop3A_210 = arith.addi %parallel_loop3A_209, %parallel_loop3A_208 : i32
      %parallel_loop3A_211 = arith.index_cast %parallel_loop3A_210 : i32 to index
      %parallel_loop3A_212 = tpu.vector_load %arg18[%parallel_loop3A_211] {strides = array<i32>} : memref<16384xf32, #tpu.memory_space<vmem>>, vector<16xf32>,
      %parallel_loop3A_213 = arith.addf %parallel_loop3A_203, %parallel_loop3A_212 : vector<16xf32>
      %parallel_loop3A_214 = arith.index_cast %parallel_loop3A_210 : i32 to index
      %parallel_loop3A_215 = tpu.vector_load %arg19[%parallel_loop3A_214] {strides = array<i32>} : memref<16384xf32, #tpu.memory_space<vmem>>, vector<16xf32>,
      %parallel_loop3A_216 = arith.addf %parallel_loop3A_206, %parallel_loop3A_215 : vector<16xf32>
      %parallel_loop3A_217 = arith.constant 16 : i32
      %parallel_loop3A_218 = arith.muli %parallel_loop3A_136, %parallel_loop3A_217 : i32
      %parallel_loop3A_219 = arith.constant 8192 : i32
      %parallel_loop3A_220 = arith.addi %parallel_loop3A_219, %parallel_loop3A_218 : i32
      %parallel_loop3A_221 = arith.index_cast %parallel_loop3A_220 : i32 to index
      %parallel_loop3A_222 = tpu.vector_load %arg18[%parallel_loop3A_221] {strides = array<i32>} : memref<16384xf32, #tpu.memory_space<vmem>>, vector<16xf32>,
      %parallel_loop3A_223 = arith.addf %parallel_loop3A_213, %parallel_loop3A_222 : vector<16xf32>
      %parallel_loop3A_224 = arith.index_cast %parallel_loop3A_220 : i32 to index
      %parallel_loop3A_225 = tpu.vector_load %arg19[%parallel_loop3A_224] {strides = array<i32>} : memref<16384xf32, #tpu.memory_space<vmem>>, vector<16xf32>,
      %parallel_loop3A_226 = arith.addf %parallel_loop3A_216, %parallel_loop3A_225 : vector<16xf32>
      %parallel_loop3A_227 = arith.constant 16 : i32
      %parallel_loop3A_228 = arith.muli %parallel_loop3A_136, %parallel_loop3A_227 : i32
      %parallel_loop3A_229 = arith.constant 9216 : i32
      %parallel_loop3A_230 = arith.addi %parallel_loop3A_229, %parallel_loop3A_228 : i32
      %parallel_loop3A_231 = arith.index_cast %parallel_loop3A_230 : i32 to index
      %parallel_loop3A_232 = tpu.vector_load %arg18[%parallel_loop3A_231] {strides = array<i32>} : memref<16384xf32, #tpu.memory_space<vmem>>, vector<16xf32>,
      %parallel_loop3A_233 = arith.addf %parallel_loop3A_223, %parallel_loop3A_232 : vector<16xf32>
      %parallel_loop3A_234 = arith.index_cast %parallel_loop3A_230 : i32 to index
      %parallel_loop3A_235 = tpu.vector_load %arg19[%parallel_loop3A_234] {strides = array<i32>} : memref<16384xf32, #tpu.memory_space<vmem>>, vector<16xf32>,
      %parallel_loop3A_236 = arith.addf %parallel_loop3A_226, %parallel_loop3A_235 : vector<16xf32>
      %parallel_loop3A_237 = arith.constant 16 : i32
      %parallel_loop3A_238 = arith.muli %parallel_loop3A_136, %parallel_loop3A_237 : i32
      %parallel_loop3A_239 = arith.constant 10240 : i32
      %parallel_loop3A_240 = arith.addi %parallel_loop3A_239, %parallel_loop3A_238 : i32
      %parallel_loop3A_241 = arith.index_cast %parallel_loop3A_240 : i32 to index
      %parallel_loop3A_242 = tpu.vector_load %arg18[%parallel_loop3A_241] {strides = array<i32>} : memref<16384xf32, #tpu.memory_space<vmem>>, vector<16xf32>,
      %parallel_loop3A_243 = arith.addf %parallel_loop3A_233, %parallel_loop3A_242 : vector<16xf32>
      %parallel_loop3A_244 = arith.index_cast %parallel_loop3A_240 : i32 to index
      %parallel_loop3A_245 = tpu.vector_load %arg19[%parallel_loop3A_244] {strides = array<i32>} : memref<16384xf32, #tpu.memory_space<vmem>>, vector<16xf32>,
      %parallel_loop3A_246 = arith.addf %parallel_loop3A_236, %parallel_loop3A_245 : vector<16xf32>
      %parallel_loop3A_247 = arith.constant 16 : i32
      %parallel_loop3A_248 = arith.muli %parallel_loop3A_136, %parallel_loop3A_247 : i32
      %parallel_loop3A_249 = arith.constant 11264 : i32
      %parallel_loop3A_250 = arith.addi %parallel_loop3A_249, %parallel_loop3A_248 : i32
      %parallel_loop3A_251 = arith.index_cast %parallel_loop3A_250 : i32 to index
      %parallel_loop3A_252 = tpu.vector_load %arg18[%parallel_loop3A_251] {strides = array<i32>} : memref<16384xf32, #tpu.memory_space<vmem>>, vector<16xf32>,
      %parallel_loop3A_253 = arith.addf %parallel_loop3A_243, %parallel_loop3A_252 : vector<16xf32>
      %parallel_loop3A_254 = arith.index_cast %parallel_loop3A_250 : i32 to index
      %parallel_loop3A_255 = tpu.vector_load %arg19[%parallel_loop3A_254] {strides = array<i32>} : memref<16384xf32, #tpu.memory_space<vmem>>, vector<16xf32>,
      %parallel_loop3A_256 = arith.addf %parallel_loop3A_246, %parallel_loop3A_255 : vector<16xf32>
      %parallel_loop3A_257 = arith.constant 16 : i32
      %parallel_loop3A_258 = arith.muli %parallel_loop3A_136, %parallel_loop3A_257 : i32
      %parallel_loop3A_259 = arith.constant 12288 : i32
      %parallel_loop3A_260 = arith.addi %parallel_loop3A_259, %parallel_loop3A_258 : i32
      %parallel_loop3A_261 = arith.index_cast %parallel_loop3A_260 : i32 to index
      %parallel_loop3A_262 = tpu.vector_load %arg18[%parallel_loop3A_261] {strides = array<i32>} : memref<16384xf32, #tpu.memory_space<vmem>>, vector<16xf32>,
      %parallel_loop3A_263 = arith.addf %parallel_loop3A_253, %parallel_loop3A_262 : vector<16xf32>
      %parallel_loop3A_264 = arith.index_cast %parallel_loop3A_260 : i32 to index
      %parallel_loop3A_265 = tpu.vector_load %arg19[%parallel_loop3A_264] {strides = array<i32>} : memref<16384xf32, #tpu.memory_space<vmem>>, vector<16xf32>,
      %parallel_loop3A_266 = arith.addf %parallel_loop3A_256, %parallel_loop3A_265 : vector<16xf32>
      %parallel_loop3A_267 = arith.constant 16 : i32
      %parallel_loop3A_268 = arith.muli %parallel_loop3A_136, %parallel_loop3A_267 : i32
      %parallel_loop3A_269 = arith.constant 13312 : i32
      %parallel_loop3A_270 = arith.addi %parallel_loop3A_269, %parallel_loop3A_268 : i32
      %parallel_loop3A_271 = arith.index_cast %parallel_loop3A_270 : i32 to index
      %parallel_loop3A_272 = tpu.vector_load %arg18[%parallel_loop3A_271] {strides = array<i32>} : memref<16384xf32, #tpu.memory_space<vmem>>, vector<16xf32>,
      %parallel_loop3A_273 = arith.addf %parallel_loop3A_263, %parallel_loop3A_272 : vector<16xf32>
      %parallel_loop3A_274 = arith.index_cast %parallel_loop3A_270 : i32 to index
      %parallel_loop3A_275 = tpu.vector_load %arg19[%parallel_loop3A_274] {strides = array<i32>} : memref<16384xf32, #tpu.memory_space<vmem>>, vector<16xf32>,
      %parallel_loop3A_276 = arith.addf %parallel_loop3A_266, %parallel_loop3A_275 : vector<16xf32>
      %parallel_loop3A_277 = arith.constant 16 : i32
      %parallel_loop3A_278 = arith.muli %parallel_loop3A_136, %parallel_loop3A_277 : i32
      %parallel_loop3A_279 = arith.constant 14336 : i32
      %parallel_loop3A_280 = arith.addi %parallel_loop3A_279, %parallel_loop3A_278 : i32
      %parallel_loop3A_281 = arith.index_cast %parallel_loop3A_280 : i32 to index
      %parallel_loop3A_282 = tpu.vector_load %arg18[%parallel_loop3A_281] {strides = array<i32>} : memref<16384xf32, #tpu.memory_space<vmem>>, vector<16xf32>,
      %parallel_loop3A_283 = arith.addf %parallel_loop3A_273, %parallel_loop3A_282 : vector<16xf32>
      %parallel_loop3A_284 = arith.index_cast %parallel_loop3A_280 : i32 to index
      %parallel_loop3A_285 = tpu.vector_load %arg19[%parallel_loop3A_284] {strides = array<i32>} : memref<16384xf32, #tpu.memory_space<vmem>>, vector<16xf32>,
      %parallel_loop3A_286 = arith.addf %parallel_loop3A_276, %parallel_loop3A_285 : vector<16xf32>
      %parallel_loop3A_287 = arith.constant 16 : i32
      %parallel_loop3A_288 = arith.muli %parallel_loop3A_136, %parallel_loop3A_287 : i32
      %parallel_loop3A_289 = arith.constant 15360 : i32
      %parallel_loop3A_290 = arith.addi %parallel_loop3A_289, %parallel_loop3A_288 : i32
      %parallel_loop3A_291 = arith.index_cast %parallel_loop3A_290 : i32 to index
      %parallel_loop3A_292 = tpu.vector_load %arg18[%parallel_loop3A_291] {strides = array<i32>} : memref<16384xf32, #tpu.memory_space<vmem>>, vector<16xf32>,
      %parallel_loop3A_293 = arith.addf %parallel_loop3A_283, %parallel_loop3A_292 : vector<16xf32>
      %parallel_loop3A_294 = arith.index_cast %parallel_loop3A_290 : i32 to index
      %parallel_loop3A_295 = tpu.vector_load %arg19[%parallel_loop3A_294] {strides = array<i32>} : memref<16384xf32, #tpu.memory_space<vmem>>, vector<16xf32>,
      %parallel_loop3A_296 = arith.addf %parallel_loop3A_286, %parallel_loop3A_295 : vector<16xf32>
      %parallel_loop3A_297 = arith.constant 16 : i32
      %parallel_loop3A_298 = arith.muli %parallel_loop3A_136, %parallel_loop3A_297 : i32
      %parallel_loop3A_299 = arith.index_cast %parallel_loop3A_298 : i32 to index
      %parallel_loop3A_300 = tpu.vector_load %arg20[%parallel_loop3A_299] {strides = array<i32>} : memref<2176xf32, #tpu.memory_space<vmem>>, vector<16xf32>,
      tpu.vector_store %arg20[%parallel_loop3A_299], %parallel_loop3A_293 {strides = array<i32>} : memref<2176xf32, #tpu.memory_space<vmem>>, vector<16xf32>,
      %parallel_loop3A_301 = arith.constant 16 : i32
      %parallel_loop3A_302 = arith.muli %parallel_loop3A_136, %parallel_loop3A_301 : i32
      %parallel_loop3A_303 = arith.constant 1024 : i32
      %parallel_loop3A_304 = arith.addi %parallel_loop3A_303, %parallel_loop3A_302 : i32
      %parallel_loop3A_305 = arith.index_cast %parallel_loop3A_304 : i32 to index
      %parallel_loop3A_306 = tpu.vector_load %arg20[%parallel_loop3A_305] {strides = array<i32>} : memref<2176xf32, #tpu.memory_space<vmem>>, vector<16xf32>,
      tpu.vector_store %arg20[%parallel_loop3A_305], %parallel_loop3A_296 {strides = array<i32>} : memref<2176xf32, #tpu.memory_space<vmem>>, vector<16xf32>,
    } {sc.loop_unroll_factor = 1 : i64, sc.parallel_access}
    "tpu.region"() ({
      %run_scoped3A = tpu.sem_alloc : memref<!tpu.dma_semaphore, #tpu.memory_space<semaphore_mem>>
      %dma_start3A_136 = arith.constant 0 : i32
      %dma_start3A_137 = tpu.memref_slice %arg24[%arg1, %dma_start3A_136] : memref<16x2176xf32, #tpu.memory_space<vmem_shared>> -> memref<1x2176xf32, #tpu.memory_space<vmem_shared>>
      %dma_start3A_138 = tpu.memref_squeeze %dma_start3A_137 : memref<1x2176xf32, #tpu.memory_space<vmem_shared>> -> memref<2176xf32, #tpu.memory_space<vmem_shared>>
      %dma_start3A_139 = arith.constant 0 : i32
      %dma_start3A_140 = tpu.memref_slice %arg24[%arg1, %dma_start3A_139] : memref<16x2176xf32, #tpu.memory_space<vmem_shared>> -> memref<1x2176xf32, #tpu.memory_space<vmem_shared>>
      %dma_start3A_141 = tpu.memref_squeeze %dma_start3A_140 : memref<1x2176xf32, #tpu.memory_space<vmem_shared>> -> memref<2176xf32, #tpu.memory_space<vmem_shared>>
      tpu.enqueue_dma source(%arg20 : memref<2176xf32, #tpu.memory_space<vmem>>) target(%dma_start3A_141 : memref<2176xf32, #tpu.memory_space<vmem_shared>>) target_semaphore(%run_scoped3A : memref<!tpu.dma_semaphore, #tpu.memory_space<semaphore_mem>>)
      %dma_wait3A = arith.constant 0 : i32
      %dma_wait3A_142 = tpu.memref_slice %arg24[%arg1, %dma_wait3A] : memref<16x2176xf32, #tpu.memory_space<vmem_shared>> -> memref<1x2176xf32, #tpu.memory_space<vmem_shared>>
      %dma_wait3A_143 = tpu.memref_squeeze %dma_wait3A_142 : memref<1x2176xf32, #tpu.memory_space<vmem_shared>> -> memref<2176xf32, #tpu.memory_space<vmem_shared>>
      %dma_wait3A_144 = arith.constant 0 : i32
      %dma_wait3A_145 = tpu.memref_slice %arg24[%arg1, %dma_wait3A_144] : memref<16x2176xf32, #tpu.memory_space<vmem_shared>> -> memref<1x2176xf32, #tpu.memory_space<vmem_shared>>
      %dma_wait3A_146 = tpu.memref_squeeze %dma_wait3A_145 : memref<1x2176xf32, #tpu.memory_space<vmem_shared>> -> memref<2176xf32, #tpu.memory_space<vmem_shared>>
      tpu.wait_dma2 semaphore(%run_scoped3A : memref<!tpu.dma_semaphore, #tpu.memory_space<semaphore_mem>>) src(%arg20 : memref<2176xf32, #tpu.memory_space<vmem>>) dst(%dma_wait3A_146 : memref<2176xf32, #tpu.memory_space<vmem_shared>>)
      tpu.yield
    }) : () -> ()
    %barrier3A = arith.constant 0 : index
    tpu.barrier barrier_id(%barrier3A)
    "tpu.region"() ({
      %run_scoped3A = tpu.sem_alloc : memref<!tpu.dma_semaphore, #tpu.memory_space<semaphore_mem>>
      %dma_start3A_136 = arith.constant 0 : i32
      %dma_start3A_137 = tpu.memref_slice %arg24[%mul3A_61, %dma_start3A_136] : memref<16x2176xf32, #tpu.memory_space<vmem_shared>> -> memref<1x2176xf32, #tpu.memory_space<vmem_shared>>
      %dma_start3A_138 = tpu.memref_squeeze %dma_start3A_137 : memref<1x2176xf32, #tpu.memory_space<vmem_shared>> -> memref<2176xf32, #tpu.memory_space<vmem_shared>>
      %dma_start3A_139 = arith.constant 0 : i32
      %dma_start3A_140 = tpu.memref_slice %arg24[%mul3A_61, %dma_start3A_139] : memref<16x2176xf32, #tpu.memory_space<vmem_shared>> -> memref<1x2176xf32, #tpu.memory_space<vmem_shared>>
      %dma_start3A_141 = tpu.memref_squeeze %dma_start3A_140 : memref<1x2176xf32, #tpu.memory_space<vmem_shared>> -> memref<2176xf32, #tpu.memory_space<vmem_shared>>
      tpu.enqueue_dma source(%dma_start3A_141 : memref<2176xf32, #tpu.memory_space<vmem_shared>>) target(%arg21 : memref<2176xf32, #tpu.memory_space<vmem>>) target_semaphore(%run_scoped3A : memref<!tpu.dma_semaphore, #tpu.memory_space<semaphore_mem>>)
      %dma_wait3A = arith.constant 0 : i32
      %dma_wait3A_142 = tpu.memref_slice %arg24[%mul3A_61, %dma_wait3A] : memref<16x2176xf32, #tpu.memory_space<vmem_shared>> -> memref<1x2176xf32, #tpu.memory_space<vmem_shared>>
      %dma_wait3A_143 = tpu.memref_squeeze %dma_wait3A_142 : memref<1x2176xf32, #tpu.memory_space<vmem_shared>> -> memref<2176xf32, #tpu.memory_space<vmem_shared>>
      %dma_wait3A_144 = arith.constant 0 : i32
      %dma_wait3A_145 = tpu.memref_slice %arg24[%mul3A_61, %dma_wait3A_144] : memref<16x2176xf32, #tpu.memory_space<vmem_shared>> -> memref<1x2176xf32, #tpu.memory_space<vmem_shared>>
      %dma_wait3A_146 = tpu.memref_squeeze %dma_wait3A_145 : memref<1x2176xf32, #tpu.memory_space<vmem_shared>> -> memref<2176xf32, #tpu.memory_space<vmem_shared>>
      tpu.wait_dma2 semaphore(%run_scoped3A : memref<!tpu.dma_semaphore, #tpu.memory_space<semaphore_mem>>) src(%dma_wait3A_146 : memref<2176xf32, #tpu.memory_space<vmem_shared>>) dst(%arg21 : memref<2176xf32, #tpu.memory_space<vmem>>)
      tpu.yield
    }) : () -> ()
    %add3A_125 = arith.constant 1 : i32
    %add3A_126 = arith.addi %mul3A_61, %add3A_125 : i32
    "tpu.region"() ({
      %run_scoped3A = tpu.sem_alloc : memref<!tpu.dma_semaphore, #tpu.memory_space<semaphore_mem>>
      %dma_start3A_136 = arith.constant 0 : i32
      %dma_start3A_137 = tpu.memref_slice %arg24[%add3A_126, %dma_start3A_136] : memref<16x2176xf32, #tpu.memory_space<vmem_shared>> -> memref<1x2176xf32, #tpu.memory_space<vmem_shared>>
      %dma_start3A_138 = tpu.memref_squeeze %dma_start3A_137 : memref<1x2176xf32, #tpu.memory_space<vmem_shared>> -> memref<2176xf32, #tpu.memory_space<vmem_shared>>
      %dma_start3A_139 = arith.constant 0 : i32
      %dma_start3A_140 = tpu.memref_slice %arg24[%add3A_126, %dma_start3A_139] : memref<16x2176xf32, #tpu.memory_space<vmem_shared>> -> memref<1x2176xf32, #tpu.memory_space<vmem_shared>>
      %dma_start3A_141 = tpu.memref_squeeze %dma_start3A_140 : memref<1x2176xf32, #tpu.memory_space<vmem_shared>> -> memref<2176xf32, #tpu.memory_space<vmem_shared>>
      tpu.enqueue_dma source(%dma_start3A_141 : memref<2176xf32, #tpu.memory_space<vmem_shared>>) target(%arg22 : memref<2176xf32, #tpu.memory_space<vmem>>) target_semaphore(%run_scoped3A : memref<!tpu.dma_semaphore, #tpu.memory_space<semaphore_mem>>)
      %dma_wait3A = arith.constant 0 : i32
      %dma_wait3A_142 = tpu.memref_slice %arg24[%add3A_126, %dma_wait3A] : memref<16x2176xf32, #tpu.memory_space<vmem_shared>> -> memref<1x2176xf32, #tpu.memory_space<vmem_shared>>
      %dma_wait3A_143 = tpu.memref_squeeze %dma_wait3A_142 : memref<1x2176xf32, #tpu.memory_space<vmem_shared>> -> memref<2176xf32, #tpu.memory_space<vmem_shared>>
      %dma_wait3A_144 = arith.constant 0 : i32
      %dma_wait3A_145 = tpu.memref_slice %arg24[%add3A_126, %dma_wait3A_144] : memref<16x2176xf32, #tpu.memory_space<vmem_shared>> -> memref<1x2176xf32, #tpu.memory_space<vmem_shared>>
      %dma_wait3A_146 = tpu.memref_squeeze %dma_wait3A_145 : memref<1x2176xf32, #tpu.memory_space<vmem_shared>> -> memref<2176xf32, #tpu.memory_space<vmem_shared>>
      tpu.wait_dma2 semaphore(%run_scoped3A : memref<!tpu.dma_semaphore, #tpu.memory_space<semaphore_mem>>) src(%dma_wait3A_146 : memref<2176xf32, #tpu.memory_space<vmem_shared>>) dst(%arg22 : memref<2176xf32, #tpu.memory_space<vmem>>)
      tpu.yield
    }) : () -> ()
    %eq3A_127 = arith.constant 0 : i32
    %eq3A_128 = arith.cmpi eq, %select_n3A_30, %eq3A_127 : i32
    %convert_element_type3A_129 = arith.extui %eq3A_128 : i1 to i32
    %cond3A = arith.constant 0 : i32
    %cond3A_130 = arith.cmpi ne, %convert_element_type3A_129, %cond3A : i32
    scf.if %cond3A_130 {
      %get3A = arith.constant 2048 : index
      %get3A_136 = tpu.vector_load %arg21[%get3A] {strides = array<i32>} : memref<2176xf32, #tpu.memory_space<vmem>>, vector<16xf32>,
      %get3A_137 = arith.constant 2048 : index
      %get3A_138 = tpu.vector_load %arg22[%get3A_137] {strides = array<i32>} : memref<2176xf32, #tpu.memory_space<vmem>>, vector<16xf32>,
      %add3A_139 = arith.addf %get3A_136, %get3A_138 : vector<16xf32>
      %get3A_140 = arith.constant 2064 : index
      %get3A_141 = tpu.vector_load %arg21[%get3A_140] {strides = array<i32>} : memref<2176xf32, #tpu.memory_space<vmem>>, vector<16xf32>,
      %get3A_142 = arith.constant 2064 : index
      %get3A_143 = tpu.vector_load %arg22[%get3A_142] {strides = array<i32>} : memref<2176xf32, #tpu.memory_space<vmem>>, vector<16xf32>,
      %add3A_144 = arith.addf %get3A_141, %get3A_143 : vector<16xf32>
      %scan3A_145 = arith.constant 0 : i32
      %scan3A_146 = arith.constant 64 : i32
      %scan3A_147 = arith.addi %scan3A_145, %scan3A_146 : i32
      %scan3A_148 = arith.constant 1 : i32
      %scan3A_149 = scf.for %scan3A_204 = %scan3A_145 to %scan3A_147 step %scan3A_148 iter_args(%scan3A_205 = %broadcast_in_dim3A_65) -> (vector<16xf32>)  : i32 {
        %mul3A_206 = arith.constant 16 : i32
        %mul3A_207 = arith.muli %scan3A_204, %mul3A_206 : i32
        %add3A_208 = arith.constant 0 : i32
        %add3A_209 = arith.addi %add3A_208, %mul3A_207 : i32
        %get3A_210 = arith.index_cast %add3A_209 : i32 to index
        %get3A_211 = tpu.vector_load %arg21[%get3A_210] {strides = array<i32>} : memref<2176xf32, #tpu.memory_space<vmem>>, vector<16xf32>,
        %add3A_212 = arith.addf %scan3A_205, %get3A_211 : vector<16xf32>
        %get3A_213 = arith.index_cast %add3A_209 : i32 to index
        %get3A_214 = tpu.vector_load %arg22[%get3A_213] {strides = array<i32>} : memref<2176xf32, #tpu.memory_space<vmem>>, vector<16xf32>,
        %add3A_215 = arith.addf %add3A_212, %get3A_214 : vector<16xf32>
        scf.yield %add3A_215 : vector<16xf32>
      }
      %scan3A_150 = arith.constant 64 : i32
      %reduce_sum3A_151 = arith.constant true
      %reduce_sum3A_152 = vector.broadcast %reduce_sum3A_151 : i1 to vector<16xi1>
      %reduce_sum3A_153 = tpu.scan <sum>, %scan3A_149 masked %reduce_sum3A_152 : vector<16xf32>, vector<16xi1> -> vector<16xf32>
      %reduce_sum3A_154 = vector.extract %reduce_sum3A_153[15] : f32 from vector<16xf32>
      %broadcast_in_dim3A_155 = vector.broadcast %reduce_sum3A_154 : f32 to vector<16xf32>
      %sub3A_156 = arith.constant 2.621440e+05 : f32
      %sub3A_157 = vector.broadcast %sub3A_156 : f32 to vector<16xf32>
      %sub3A_158 = arith.subf %sub3A_157, %broadcast_in_dim3A_155 : vector<16xf32>
      %mul3A_159 = arith.constant 3.000000e+00 : f32
      %mul3A_160 = vector.broadcast %mul3A_159 : f32 to vector<16xf32>
      %mul3A_161 = arith.mulf %mul3A_160, %sub3A_158 : vector<16xf32>
      %jit3A_162 = arith.constant 1.000000e+00 : f32
      %jit3A_163 = arith.constant 2.621440e+05 : f32
      %max3A = vector.broadcast %jit3A_162 : f32 to vector<16xf32>
      %max3A_164 = arith.maximumf %max3A, %mul3A_161 : vector<16xf32>
      %min3A = vector.broadcast %jit3A_163 : f32 to vector<16xf32>
      %min3A_165 = arith.minimumf %min3A, %max3A_164 : vector<16xf32>
      %broadcast_in_dim3A_166 = arith.constant 5.000000e+02 : f32
      %broadcast_in_dim3A_167 = vector.broadcast %broadcast_in_dim3A_166 : f32 to vector<16xf32>
      %scan3A_168 = arith.constant 0 : i32
      %scan3A_169 = arith.constant 64 : i32
      %scan3A_170 = arith.addi %scan3A_168, %scan3A_169 : i32
      %scan3A_171 = arith.constant 1 : i32
      %scan3A_172:4 = scf.for %scan3A_204 = %scan3A_168 to %scan3A_170 step %scan3A_171 iter_args(%scan3A_205 = %broadcast_in_dim3A_65, %scan3A_206 = %broadcast_in_dim3A_65, %scan3A_207 = %broadcast_in_dim3A_65, %scan3A_208 = %broadcast_in_dim3A_65) -> (vector<16xf32>, vector<16xf32>, vector<16xf32>, vector<16xf32>)  : i32 {
        %sub3A_209 = arith.constant 63 : i32
        %sub3A_210 = arith.subi %sub3A_209, %scan3A_204 : i32
        %mul3A_211 = arith.constant 16 : i32
        %mul3A_212 = arith.muli %sub3A_210, %mul3A_211 : i32
        %add3A_213 = arith.constant 0 : i32
        %add3A_214 = arith.addi %add3A_213, %mul3A_212 : i32
        %get3A_215 = arith.index_cast %add3A_214 : i32 to index
        %get3A_216 = tpu.vector_load %arg21[%get3A_215] {strides = array<i32>} : memref<2176xf32, #tpu.memory_space<vmem>>, vector<16xf32>,
        %get3A_217 = arith.index_cast %add3A_214 : i32 to index
        %get3A_218 = tpu.vector_load %arg22[%get3A_217] {strides = array<i32>} : memref<2176xf32, #tpu.memory_space<vmem>>, vector<16xf32>,
        %add3A_219 = arith.addf %get3A_216, %get3A_218 : vector<16xf32>
        %mul3A_220 = arith.constant 16 : i32
        %mul3A_221 = arith.muli %sub3A_210, %mul3A_220 : i32
        %convert_element_type3A_222 = arith.sitofp %mul3A_221 : i32 to f32
        %add3A_223 = vector.broadcast %convert_element_type3A_222 : f32 to vector<16xf32>
        %add3A_224 = arith.addf %add3A_223, %convert_element_type3A : vector<16xf32>
        %add3A_225 = arith.constant 5.000000e-01 : f32
        %add3A_226 = vector.broadcast %add3A_225 : f32 to vector<16xf32>
        %add3A_227 = arith.addf %add3A_224, %add3A_226 : vector<16xf32>
        %mul3A_228 = arith.constant 9.765625E-4 : f32
        %mul3A_229 = vector.broadcast %mul3A_228 : f32 to vector<16xf32>
        %mul3A_230 = arith.mulf %add3A_227, %mul3A_229 : vector<16xf32>
        %mul3A_231 = arith.mulf %add3A_219, %mul3A_230 : vector<16xf32>
        %rev3A = arith.constant 15 : i32
        %rev3A_232 = vector.broadcast %rev3A : i32 to vector<16xi32>
        %rev3A_233 = tpu.iota {dimensions = array<i32: 0>} : vector<16xi32>
        %rev3A_234 = arith.subi %rev3A_232, %rev3A_233 : vector<16xi32>
        %rev3A_235 = tpu.dynamic_gather %add3A_219[%rev3A_234] in [0] : vector<16xf32>, vector<16xi32> -> vector<16xf32>
        %cumsum3A = arith.constant true
        %cumsum3A_236 = vector.broadcast %cumsum3A : i1 to vector<16xi1>
        %cumsum3A_237 = tpu.scan <sum>, %rev3A_235 masked %cumsum3A_236 : vector<16xf32>, vector<16xi1> -> vector<16xf32>
        %rev3A_238 = arith.constant 15 : i32
        %rev3A_239 = vector.broadcast %rev3A_238 : i32 to vector<16xi32>
        %rev3A_240 = tpu.iota {dimensions = array<i32: 0>} : vector<16xi32>
        %rev3A_241 = arith.subi %rev3A_239, %rev3A_240 : vector<16xi32>
        %rev3A_242 = tpu.dynamic_gather %cumsum3A_237[%rev3A_241] in [0] : vector<16xf32>, vector<16xi32> -> vector<16xf32>
        %add3A_243 = arith.addf %rev3A_242, %scan3A_205 : vector<16xf32>
        %reduce_sum3A_244 = arith.constant true
        %reduce_sum3A_245 = vector.broadcast %reduce_sum3A_244 : i1 to vector<16xi1>
        %reduce_sum3A_246 = tpu.scan <sum>, %add3A_219 masked %reduce_sum3A_245 : vector<16xf32>, vector<16xi1> -> vector<16xf32>
        %reduce_sum3A_247 = vector.extract %reduce_sum3A_246[15] : f32 from vector<16xf32>
        %broadcast_in_dim3A_248 = vector.broadcast %reduce_sum3A_247 : f32 to vector<16xf32>
        %add3A_249 = arith.addf %scan3A_205, %broadcast_in_dim3A_248 : vector<16xf32>
        %rev3A_250 = arith.constant 15 : i32
        %rev3A_251 = vector.broadcast %rev3A_250 : i32 to vector<16xi32>
        %rev3A_252 = tpu.iota {dimensions = array<i32: 0>} : vector<16xi32>
        %rev3A_253 = arith.subi %rev3A_251, %rev3A_252 : vector<16xi32>
        %rev3A_254 = tpu.dynamic_gather %mul3A_231[%rev3A_253] in [0] : vector<16xf32>, vector<16xi32> -> vector<16xf32>
        %cumsum3A_255 = arith.constant true
        %cumsum3A_256 = vector.broadcast %cumsum3A_255 : i1 to vector<16xi1>
        %cumsum3A_257 = tpu.scan <sum>, %rev3A_254 masked %cumsum3A_256 : vector<16xf32>, vector<16xi1> -> vector<16xf32>
        %rev3A_258 = arith.constant 15 : i32
        %rev3A_259 = vector.broadcast %rev3A_258 : i32 to vector<16xi32>
        %rev3A_260 = tpu.iota {dimensions = array<i32: 0>} : vector<16xi32>
        %rev3A_261 = arith.subi %rev3A_259, %rev3A_260 : vector<16xi32>
        %rev3A_262 = tpu.dynamic_gather %cumsum3A_257[%rev3A_261] in [0] : vector<16xf32>, vector<16xi32> -> vector<16xf32>
        %add3A_263 = arith.addf %rev3A_262, %scan3A_206 : vector<16xf32>
        %reduce_sum3A_264 = arith.constant true
        %reduce_sum3A_265 = vector.broadcast %reduce_sum3A_264 : i1 to vector<16xi1>
        %reduce_sum3A_266 = tpu.scan <sum>, %mul3A_231 masked %reduce_sum3A_265 : vector<16xf32>, vector<16xi1> -> vector<16xf32>
        %reduce_sum3A_267 = vector.extract %reduce_sum3A_266[15] : f32 from vector<16xf32>
        %broadcast_in_dim3A_268 = vector.broadcast %reduce_sum3A_267 : f32 to vector<16xf32>
        %add3A_269 = arith.addf %scan3A_206, %broadcast_in_dim3A_268 : vector<16xf32>
        %ge3A = arith.cmpf oge, %add3A_243, %min3A_165 : vector<16xf32>
        %sub3A_270 = arith.subf %add3A_243, %add3A_219 : vector<16xf32>
        %lt3A_271 = arith.cmpf olt, %sub3A_270, %min3A_165 : vector<16xf32>
        %and3A_272 = arith.andi %ge3A, %lt3A_271 : vector<16xi1>
        %sub3A_273 = arith.subf %add3A_243, %min3A_165 : vector<16xf32>
        %mul3A_274 = arith.mulf %sub3A_273, %mul3A_230 : vector<16xf32>
        %sub3A_275 = arith.subf %add3A_263, %mul3A_274 : vector<16xf32>
        %select_n3A_276 = arith.select %and3A_272, %sub3A_275, %broadcast_in_dim3A_65 : vector<16xi1>, vector<16xf32>
        %add3A_277 = arith.addf %scan3A_207, %select_n3A_276 : vector<16xf32>
        %ge3A_278 = arith.cmpf oge, %add3A_243, %broadcast_in_dim3A_167 : vector<16xf32>
        %sub3A_279 = arith.subf %add3A_243, %add3A_219 : vector<16xf32>
        %lt3A_280 = arith.cmpf olt, %sub3A_279, %broadcast_in_dim3A_167 : vector<16xf32>
        %and3A_281 = arith.andi %ge3A_278, %lt3A_280 : vector<16xi1>
        %sub3A_282 = arith.subf %add3A_243, %broadcast_in_dim3A_167 : vector<16xf32>
        %mul3A_283 = arith.mulf %sub3A_282, %mul3A_230 : vector<16xf32>
        %sub3A_284 = arith.subf %add3A_263, %mul3A_283 : vector<16xf32>
        %select_n3A_285 = arith.select %and3A_281, %sub3A_284, %broadcast_in_dim3A_65 : vector<16xi1>, vector<16xf32>
        %add3A_286 = arith.addf %scan3A_208, %select_n3A_285 : vector<16xf32>
        scf.yield %add3A_249, %add3A_269, %add3A_277, %add3A_286 : vector<16xf32>, vector<16xf32>, vector<16xf32>, vector<16xf32>
      }
      %scan3A_173 = arith.constant 64 : i32
      %reduce_sum3A_174 = arith.constant true
      %reduce_sum3A_175 = vector.broadcast %reduce_sum3A_174 : i1 to vector<16xi1>
      %reduce_sum3A_176 = tpu.scan <sum>, %scan3A_172#2 masked %reduce_sum3A_175 : vector<16xf32>, vector<16xi1> -> vector<16xf32>
      %reduce_sum3A_177 = vector.extract %reduce_sum3A_176[15] : f32 from vector<16xf32>
      %broadcast_in_dim3A_178 = vector.broadcast %reduce_sum3A_177 : f32 to vector<16xf32>
      %div3A_179 = arith.divf %broadcast_in_dim3A_178, %min3A_165 : vector<16xf32>
      %reduce_sum3A_180 = arith.constant true
      %reduce_sum3A_181 = vector.broadcast %reduce_sum3A_180 : i1 to vector<16xi1>
      %reduce_sum3A_182 = tpu.scan <sum>, %scan3A_172#3 masked %reduce_sum3A_181 : vector<16xf32>, vector<16xi1> -> vector<16xf32>
      %reduce_sum3A_183 = vector.extract %reduce_sum3A_182[15] : f32 from vector<16xf32>
      %broadcast_in_dim3A_184 = vector.broadcast %reduce_sum3A_183 : f32 to vector<16xf32>
      %div3A_185 = arith.divf %broadcast_in_dim3A_184, %broadcast_in_dim3A_167 : vector<16xf32>
      %sub3A_186 = arith.subf %add3A_139, %add3A_144 : vector<16xf32>
      %max3A_187 = arith.maximumf %sub3A_158, %broadcast_in_dim3A_67 : vector<16xf32>
      %div3A_188 = arith.divf %sub3A_186, %max3A_187 : vector<16xf32>
      %max3A_189 = arith.maximumf %broadcast_in_dim3A_155, %broadcast_in_dim3A_67 : vector<16xf32>
      %div3A_190 = arith.divf %add3A_144, %max3A_189 : vector<16xf32>
      %mul3A_191 = arith.constant 3.000000e+00 : f32
      %mul3A_192 = vector.broadcast %mul3A_191 : f32 to vector<16xf32>
      %mul3A_193 = arith.mulf %mul3A_192, %sub3A_158 : vector<16xf32>
      %lt3A_194 = arith.cmpf olt, %broadcast_in_dim3A_155, %mul3A_193 : vector<16xf32>
      %select_n3A_195 = arith.select %lt3A_194, %div3A_190, %div3A_179 : vector<16xi1>, vector<16xf32>
      %gt3A = arith.constant 0.000000e+00 : f32
      %gt3A_196 = vector.broadcast %gt3A : f32 to vector<16xf32>
      %gt3A_197 = arith.cmpf ogt, %sub3A_158, %gt3A_196 : vector<16xf32>
      %add3A_198 = arith.addf %div3A_188, %select_n3A_195 : vector<16xf32>
      %select_n3A_199 = arith.select %gt3A_197, %add3A_198, %div3A_185 : vector<16xi1>, vector<16xf32>
      %swap3A_200 = arith.constant 0 : index
      %swap3A_201 = tpu.vector_load %arg23[%swap3A_200] {strides = array<i32>} : memref<16xf32, #tpu.memory_space<vmem>>, vector<16xf32>,
      tpu.vector_store %arg23[%swap3A_200], %select_n3A_199 {strides = array<i32>} : memref<16xf32, #tpu.memory_space<vmem>>, vector<16xf32>,
      %add3A_202 = arith.constant 0 : i32
      %add3A_203 = arith.addi %add3A_202, %add3A : i32
      "tpu.region"() ({
        %run_scoped3A = tpu.sem_alloc : memref<!tpu.dma_semaphore, #tpu.memory_space<semaphore_mem>>
        %dma_start3A_204 = arith.constant 0 : i32
        %dma_start3A_205 = tpu.memref_slice %arg7[%add3A_203, %dma_start3A_204] : memref<32x16xf32, #tpu.memory_space<hbm>> -> memref<1x16xf32, #tpu.memory_space<hbm>>
        %dma_start3A_206 = tpu.memref_squeeze %dma_start3A_205 : memref<1x16xf32, #tpu.memory_space<hbm>> -> memref<16xf32, #tpu.memory_space<hbm>>
        %dma_start3A_207 = arith.constant 0 : i32
        %dma_start3A_208 = tpu.memref_slice %arg7[%add3A_203, %dma_start3A_207] : memref<32x16xf32, #tpu.memory_space<hbm>> -> memref<1x16xf32, #tpu.memory_space<hbm>>
        %dma_start3A_209 = tpu.memref_squeeze %dma_start3A_208 : memref<1x16xf32, #tpu.memory_space<hbm>> -> memref<16xf32, #tpu.memory_space<hbm>>
        tpu.enqueue_dma source(%arg23 : memref<16xf32, #tpu.memory_space<vmem>>) target(%dma_start3A_209 : memref<16xf32, #tpu.memory_space<hbm>>) target_semaphore(%run_scoped3A : memref<!tpu.dma_semaphore, #tpu.memory_space<semaphore_mem>>)
        %dma_wait3A = arith.constant 0 : i32
        %dma_wait3A_210 = tpu.memref_slice %arg7[%add3A_203, %dma_wait3A] : memref<32x16xf32, #tpu.memory_space<hbm>> -> memref<1x16xf32, #tpu.memory_space<hbm>>
        %dma_wait3A_211 = tpu.memref_squeeze %dma_wait3A_210 : memref<1x16xf32, #tpu.memory_space<hbm>> -> memref<16xf32, #tpu.memory_space<hbm>>
        %dma_wait3A_212 = arith.constant 0 : i32
        %dma_wait3A_213 = tpu.memref_slice %arg7[%add3A_203, %dma_wait3A_212] : memref<32x16xf32, #tpu.memory_space<hbm>> -> memref<1x16xf32, #tpu.memory_space<hbm>>
        %dma_wait3A_214 = tpu.memref_squeeze %dma_wait3A_213 : memref<1x16xf32, #tpu.memory_space<hbm>> -> memref<16xf32, #tpu.memory_space<hbm>>
        tpu.wait_dma2 semaphore(%run_scoped3A : memref<!tpu.dma_semaphore, #tpu.memory_space<semaphore_mem>>) src(%arg23 : memref<16xf32, #tpu.memory_space<vmem>>) dst(%dma_wait3A_214 : memref<16xf32, #tpu.memory_space<hbm>>)
        tpu.yield
      }) : () -> ()
    } else {
    }
    %eq3A_131 = arith.constant 1 : i32
    %eq3A_132 = arith.cmpi eq, %select_n3A_30, %eq3A_131 : i32
    %convert_element_type3A_133 = arith.extui %eq3A_132 : i1 to i32
    %cond3A_134 = arith.constant 0 : i32
    %cond3A_135 = arith.cmpi ne, %convert_element_type3A_133, %cond3A_134 : i32
    scf.if %cond3A_135 {
      %get3A = arith.constant 2080 : index
      %get3A_136 = tpu.vector_load %arg21[%get3A] {strides = array<i32>} : memref<2176xf32, #tpu.memory_space<vmem>>, vector<16xf32>,
      %get3A_137 = arith.constant 2080 : index
      %get3A_138 = tpu.vector_load %arg22[%get3A_137] {strides = array<i32>} : memref<2176xf32, #tpu.memory_space<vmem>>, vector<16xf32>,
      %add3A_139 = arith.addf %get3A_136, %get3A_138 : vector<16xf32>
      %get3A_140 = arith.constant 2096 : index
      %get3A_141 = tpu.vector_load %arg21[%get3A_140] {strides = array<i32>} : memref<2176xf32, #tpu.memory_space<vmem>>, vector<16xf32>,
      %get3A_142 = arith.constant 2096 : index
      %get3A_143 = tpu.vector_load %arg22[%get3A_142] {strides = array<i32>} : memref<2176xf32, #tpu.memory_space<vmem>>, vector<16xf32>,
      %add3A_144 = arith.addf %get3A_141, %get3A_143 : vector<16xf32>
      %scan3A_145 = arith.constant 0 : i32
      %scan3A_146 = arith.constant 64 : i32
      %scan3A_147 = arith.addi %scan3A_145, %scan3A_146 : i32
      %scan3A_148 = arith.constant 1 : i32
      %scan3A_149 = scf.for %scan3A_204 = %scan3A_145 to %scan3A_147 step %scan3A_148 iter_args(%scan3A_205 = %broadcast_in_dim3A_65) -> (vector<16xf32>)  : i32 {
        %mul3A_206 = arith.constant 16 : i32
        %mul3A_207 = arith.muli %scan3A_204, %mul3A_206 : i32
        %add3A_208 = arith.constant 1024 : i32
        %add3A_209 = arith.addi %add3A_208, %mul3A_207 : i32
        %get3A_210 = arith.index_cast %add3A_209 : i32 to index
        %get3A_211 = tpu.vector_load %arg21[%get3A_210] {strides = array<i32>} : memref<2176xf32, #tpu.memory_space<vmem>>, vector<16xf32>,
        %add3A_212 = arith.addf %scan3A_205, %get3A_211 : vector<16xf32>
        %get3A_213 = arith.index_cast %add3A_209 : i32 to index
        %get3A_214 = tpu.vector_load %arg22[%get3A_213] {strides = array<i32>} : memref<2176xf32, #tpu.memory_space<vmem>>, vector<16xf32>,
        %add3A_215 = arith.addf %add3A_212, %get3A_214 : vector<16xf32>
        scf.yield %add3A_215 : vector<16xf32>
      }
      %scan3A_150 = arith.constant 64 : i32
      %reduce_sum3A_151 = arith.constant true
      %reduce_sum3A_152 = vector.broadcast %reduce_sum3A_151 : i1 to vector<16xi1>
      %reduce_sum3A_153 = tpu.scan <sum>, %scan3A_149 masked %reduce_sum3A_152 : vector<16xf32>, vector<16xi1> -> vector<16xf32>
      %reduce_sum3A_154 = vector.extract %reduce_sum3A_153[15] : f32 from vector<16xf32>
      %broadcast_in_dim3A_155 = vector.broadcast %reduce_sum3A_154 : f32 to vector<16xf32>
      %sub3A_156 = arith.constant 2.621440e+05 : f32
      %sub3A_157 = vector.broadcast %sub3A_156 : f32 to vector<16xf32>
      %sub3A_158 = arith.subf %sub3A_157, %broadcast_in_dim3A_155 : vector<16xf32>
      %mul3A_159 = arith.constant 3.000000e+00 : f32
      %mul3A_160 = vector.broadcast %mul3A_159 : f32 to vector<16xf32>
      %mul3A_161 = arith.mulf %mul3A_160, %sub3A_158 : vector<16xf32>
      %jit3A_162 = arith.constant 1.000000e+00 : f32
      %jit3A_163 = arith.constant 2.621440e+05 : f32
      %max3A = vector.broadcast %jit3A_162 : f32 to vector<16xf32>
      %max3A_164 = arith.maximumf %max3A, %mul3A_161 : vector<16xf32>
      %min3A = vector.broadcast %jit3A_163 : f32 to vector<16xf32>
      %min3A_165 = arith.minimumf %min3A, %max3A_164 : vector<16xf32>
      %broadcast_in_dim3A_166 = arith.constant 5.000000e+02 : f32
      %broadcast_in_dim3A_167 = vector.broadcast %broadcast_in_dim3A_166 : f32 to vector<16xf32>
      %scan3A_168 = arith.constant 0 : i32
      %scan3A_169 = arith.constant 64 : i32
      %scan3A_170 = arith.addi %scan3A_168, %scan3A_169 : i32
      %scan3A_171 = arith.constant 1 : i32
      %scan3A_172:4 = scf.for %scan3A_204 = %scan3A_168 to %scan3A_170 step %scan3A_171 iter_args(%scan3A_205 = %broadcast_in_dim3A_65, %scan3A_206 = %broadcast_in_dim3A_65, %scan3A_207 = %broadcast_in_dim3A_65, %scan3A_208 = %broadcast_in_dim3A_65) -> (vector<16xf32>, vector<16xf32>, vector<16xf32>, vector<16xf32>)  : i32 {
        %sub3A_209 = arith.constant 63 : i32
        %sub3A_210 = arith.subi %sub3A_209, %scan3A_204 : i32
        %mul3A_211 = arith.constant 16 : i32
        %mul3A_212 = arith.muli %sub3A_210, %mul3A_211 : i32
        %add3A_213 = arith.constant 1024 : i32
        %add3A_214 = arith.addi %add3A_213, %mul3A_212 : i32
        %get3A_215 = arith.index_cast %add3A_214 : i32 to index
        %get3A_216 = tpu.vector_load %arg21[%get3A_215] {strides = array<i32>} : memref<2176xf32, #tpu.memory_space<vmem>>, vector<16xf32>,
        %get3A_217 = arith.index_cast %add3A_214 : i32 to index
        %get3A_218 = tpu.vector_load %arg22[%get3A_217] {strides = array<i32>} : memref<2176xf32, #tpu.memory_space<vmem>>, vector<16xf32>,
        %add3A_219 = arith.addf %get3A_216, %get3A_218 : vector<16xf32>
        %mul3A_220 = arith.constant 16 : i32
        %mul3A_221 = arith.muli %sub3A_210, %mul3A_220 : i32
        %convert_element_type3A_222 = arith.sitofp %mul3A_221 : i32 to f32
        %add3A_223 = vector.broadcast %convert_element_type3A_222 : f32 to vector<16xf32>
        %add3A_224 = arith.addf %add3A_223, %convert_element_type3A : vector<16xf32>
        %add3A_225 = arith.constant 5.000000e-01 : f32
        %add3A_226 = vector.broadcast %add3A_225 : f32 to vector<16xf32>
        %add3A_227 = arith.addf %add3A_224, %add3A_226 : vector<16xf32>
        %mul3A_228 = arith.constant 9.765625E-4 : f32
        %mul3A_229 = vector.broadcast %mul3A_228 : f32 to vector<16xf32>
        %mul3A_230 = arith.mulf %add3A_227, %mul3A_229 : vector<16xf32>
        %mul3A_231 = arith.mulf %add3A_219, %mul3A_230 : vector<16xf32>
        %rev3A = arith.constant 15 : i32
        %rev3A_232 = vector.broadcast %rev3A : i32 to vector<16xi32>
        %rev3A_233 = tpu.iota {dimensions = array<i32: 0>} : vector<16xi32>
        %rev3A_234 = arith.subi %rev3A_232, %rev3A_233 : vector<16xi32>
        %rev3A_235 = tpu.dynamic_gather %add3A_219[%rev3A_234] in [0] : vector<16xf32>, vector<16xi32> -> vector<16xf32>
        %cumsum3A = arith.constant true
        %cumsum3A_236 = vector.broadcast %cumsum3A : i1 to vector<16xi1>
        %cumsum3A_237 = tpu.scan <sum>, %rev3A_235 masked %cumsum3A_236 : vector<16xf32>, vector<16xi1> -> vector<16xf32>
        %rev3A_238 = arith.constant 15 : i32
        %rev3A_239 = vector.broadcast %rev3A_238 : i32 to vector<16xi32>
        %rev3A_240 = tpu.iota {dimensions = array<i32: 0>} : vector<16xi32>
        %rev3A_241 = arith.subi %rev3A_239, %rev3A_240 : vector<16xi32>
        %rev3A_242 = tpu.dynamic_gather %cumsum3A_237[%rev3A_241] in [0] : vector<16xf32>, vector<16xi32> -> vector<16xf32>
        %add3A_243 = arith.addf %rev3A_242, %scan3A_205 : vector<16xf32>
        %reduce_sum3A_244 = arith.constant true
        %reduce_sum3A_245 = vector.broadcast %reduce_sum3A_244 : i1 to vector<16xi1>
        %reduce_sum3A_246 = tpu.scan <sum>, %add3A_219 masked %reduce_sum3A_245 : vector<16xf32>, vector<16xi1> -> vector<16xf32>
        %reduce_sum3A_247 = vector.extract %reduce_sum3A_246[15] : f32 from vector<16xf32>
        %broadcast_in_dim3A_248 = vector.broadcast %reduce_sum3A_247 : f32 to vector<16xf32>
        %add3A_249 = arith.addf %scan3A_205, %broadcast_in_dim3A_248 : vector<16xf32>
        %rev3A_250 = arith.constant 15 : i32
        %rev3A_251 = vector.broadcast %rev3A_250 : i32 to vector<16xi32>
        %rev3A_252 = tpu.iota {dimensions = array<i32: 0>} : vector<16xi32>
        %rev3A_253 = arith.subi %rev3A_251, %rev3A_252 : vector<16xi32>
        %rev3A_254 = tpu.dynamic_gather %mul3A_231[%rev3A_253] in [0] : vector<16xf32>, vector<16xi32> -> vector<16xf32>
        %cumsum3A_255 = arith.constant true
        %cumsum3A_256 = vector.broadcast %cumsum3A_255 : i1 to vector<16xi1>
        %cumsum3A_257 = tpu.scan <sum>, %rev3A_254 masked %cumsum3A_256 : vector<16xf32>, vector<16xi1> -> vector<16xf32>
        %rev3A_258 = arith.constant 15 : i32
        %rev3A_259 = vector.broadcast %rev3A_258 : i32 to vector<16xi32>
        %rev3A_260 = tpu.iota {dimensions = array<i32: 0>} : vector<16xi32>
        %rev3A_261 = arith.subi %rev3A_259, %rev3A_260 : vector<16xi32>
        %rev3A_262 = tpu.dynamic_gather %cumsum3A_257[%rev3A_261] in [0] : vector<16xf32>, vector<16xi32> -> vector<16xf32>
        %add3A_263 = arith.addf %rev3A_262, %scan3A_206 : vector<16xf32>
        %reduce_sum3A_264 = arith.constant true
        %reduce_sum3A_265 = vector.broadcast %reduce_sum3A_264 : i1 to vector<16xi1>
        %reduce_sum3A_266 = tpu.scan <sum>, %mul3A_231 masked %reduce_sum3A_265 : vector<16xf32>, vector<16xi1> -> vector<16xf32>
        %reduce_sum3A_267 = vector.extract %reduce_sum3A_266[15] : f32 from vector<16xf32>
        %broadcast_in_dim3A_268 = vector.broadcast %reduce_sum3A_267 : f32 to vector<16xf32>
        %add3A_269 = arith.addf %scan3A_206, %broadcast_in_dim3A_268 : vector<16xf32>
        %ge3A = arith.cmpf oge, %add3A_243, %min3A_165 : vector<16xf32>
        %sub3A_270 = arith.subf %add3A_243, %add3A_219 : vector<16xf32>
        %lt3A_271 = arith.cmpf olt, %sub3A_270, %min3A_165 : vector<16xf32>
        %and3A_272 = arith.andi %ge3A, %lt3A_271 : vector<16xi1>
        %sub3A_273 = arith.subf %add3A_243, %min3A_165 : vector<16xf32>
        %mul3A_274 = arith.mulf %sub3A_273, %mul3A_230 : vector<16xf32>
        %sub3A_275 = arith.subf %add3A_263, %mul3A_274 : vector<16xf32>
        %select_n3A_276 = arith.select %and3A_272, %sub3A_275, %broadcast_in_dim3A_65 : vector<16xi1>, vector<16xf32>
        %add3A_277 = arith.addf %scan3A_207, %select_n3A_276 : vector<16xf32>
        %ge3A_278 = arith.cmpf oge, %add3A_243, %broadcast_in_dim3A_167 : vector<16xf32>
        %sub3A_279 = arith.subf %add3A_243, %add3A_219 : vector<16xf32>
        %lt3A_280 = arith.cmpf olt, %sub3A_279, %broadcast_in_dim3A_167 : vector<16xf32>
        %and3A_281 = arith.andi %ge3A_278, %lt3A_280 : vector<16xi1>
        %sub3A_282 = arith.subf %add3A_243, %broadcast_in_dim3A_167 : vector<16xf32>
        %mul3A_283 = arith.mulf %sub3A_282, %mul3A_230 : vector<16xf32>
        %sub3A_284 = arith.subf %add3A_263, %mul3A_283 : vector<16xf32>
        %select_n3A_285 = arith.select %and3A_281, %sub3A_284, %broadcast_in_dim3A_65 : vector<16xi1>, vector<16xf32>
        %add3A_286 = arith.addf %scan3A_208, %select_n3A_285 : vector<16xf32>
        scf.yield %add3A_249, %add3A_269, %add3A_277, %add3A_286 : vector<16xf32>, vector<16xf32>, vector<16xf32>, vector<16xf32>
      }
      %scan3A_173 = arith.constant 64 : i32
      %reduce_sum3A_174 = arith.constant true
      %reduce_sum3A_175 = vector.broadcast %reduce_sum3A_174 : i1 to vector<16xi1>
      %reduce_sum3A_176 = tpu.scan <sum>, %scan3A_172#2 masked %reduce_sum3A_175 : vector<16xf32>, vector<16xi1> -> vector<16xf32>
      %reduce_sum3A_177 = vector.extract %reduce_sum3A_176[15] : f32 from vector<16xf32>
      %broadcast_in_dim3A_178 = vector.broadcast %reduce_sum3A_177 : f32 to vector<16xf32>
      %div3A_179 = arith.divf %broadcast_in_dim3A_178, %min3A_165 : vector<16xf32>
      %reduce_sum3A_180 = arith.constant true
      %reduce_sum3A_181 = vector.broadcast %reduce_sum3A_180 : i1 to vector<16xi1>
      %reduce_sum3A_182 = tpu.scan <sum>, %scan3A_172#3 masked %reduce_sum3A_181 : vector<16xf32>, vector<16xi1> -> vector<16xf32>
      %reduce_sum3A_183 = vector.extract %reduce_sum3A_182[15] : f32 from vector<16xf32>
      %broadcast_in_dim3A_184 = vector.broadcast %reduce_sum3A_183 : f32 to vector<16xf32>
      %div3A_185 = arith.divf %broadcast_in_dim3A_184, %broadcast_in_dim3A_167 : vector<16xf32>
      %sub3A_186 = arith.subf %add3A_139, %add3A_144 : vector<16xf32>
      %max3A_187 = arith.maximumf %sub3A_158, %broadcast_in_dim3A_67 : vector<16xf32>
      %div3A_188 = arith.divf %sub3A_186, %max3A_187 : vector<16xf32>
      %max3A_189 = arith.maximumf %broadcast_in_dim3A_155, %broadcast_in_dim3A_67 : vector<16xf32>
      %div3A_190 = arith.divf %add3A_144, %max3A_189 : vector<16xf32>
      %mul3A_191 = arith.constant 3.000000e+00 : f32
      %mul3A_192 = vector.broadcast %mul3A_191 : f32 to vector<16xf32>
      %mul3A_193 = arith.mulf %mul3A_192, %sub3A_158 : vector<16xf32>
      %lt3A_194 = arith.cmpf olt, %broadcast_in_dim3A_155, %mul3A_193 : vector<16xf32>
      %select_n3A_195 = arith.select %lt3A_194, %div3A_190, %div3A_179 : vector<16xi1>, vector<16xf32>
      %gt3A = arith.constant 0.000000e+00 : f32
      %gt3A_196 = vector.broadcast %gt3A : f32 to vector<16xf32>
      %gt3A_197 = arith.cmpf ogt, %sub3A_158, %gt3A_196 : vector<16xf32>
      %add3A_198 = arith.addf %div3A_188, %select_n3A_195 : vector<16xf32>
      %select_n3A_199 = arith.select %gt3A_197, %add3A_198, %div3A_185 : vector<16xi1>, vector<16xf32>
      %swap3A_200 = arith.constant 0 : index
      %swap3A_201 = tpu.vector_load %arg23[%swap3A_200] {strides = array<i32>} : memref<16xf32, #tpu.memory_space<vmem>>, vector<16xf32>,
      tpu.vector_store %arg23[%swap3A_200], %select_n3A_199 {strides = array<i32>} : memref<16xf32, #tpu.memory_space<vmem>>, vector<16xf32>,
      %add3A_202 = arith.constant 16 : i32
      %add3A_203 = arith.addi %add3A_202, %add3A : i32
      "tpu.region"() ({
        %run_scoped3A = tpu.sem_alloc : memref<!tpu.dma_semaphore, #tpu.memory_space<semaphore_mem>>
        %dma_start3A_204 = arith.constant 0 : i32
        %dma_start3A_205 = tpu.memref_slice %arg7[%add3A_203, %dma_start3A_204] : memref<32x16xf32, #tpu.memory_space<hbm>> -> memref<1x16xf32, #tpu.memory_space<hbm>>
        %dma_start3A_206 = tpu.memref_squeeze %dma_start3A_205 : memref<1x16xf32, #tpu.memory_space<hbm>> -> memref<16xf32, #tpu.memory_space<hbm>>
        %dma_start3A_207 = arith.constant 0 : i32
        %dma_start3A_208 = tpu.memref_slice %arg7[%add3A_203, %dma_start3A_207] : memref<32x16xf32, #tpu.memory_space<hbm>> -> memref<1x16xf32, #tpu.memory_space<hbm>>
        %dma_start3A_209 = tpu.memref_squeeze %dma_start3A_208 : memref<1x16xf32, #tpu.memory_space<hbm>> -> memref<16xf32, #tpu.memory_space<hbm>>
        tpu.enqueue_dma source(%arg23 : memref<16xf32, #tpu.memory_space<vmem>>) target(%dma_start3A_209 : memref<16xf32, #tpu.memory_space<hbm>>) target_semaphore(%run_scoped3A : memref<!tpu.dma_semaphore, #tpu.memory_space<semaphore_mem>>)
        %dma_wait3A = arith.constant 0 : i32
        %dma_wait3A_210 = tpu.memref_slice %arg7[%add3A_203, %dma_wait3A] : memref<32x16xf32, #tpu.memory_space<hbm>> -> memref<1x16xf32, #tpu.memory_space<hbm>>
        %dma_wait3A_211 = tpu.memref_squeeze %dma_wait3A_210 : memref<1x16xf32, #tpu.memory_space<hbm>> -> memref<16xf32, #tpu.memory_space<hbm>>
        %dma_wait3A_212 = arith.constant 0 : i32
        %dma_wait3A_213 = tpu.memref_slice %arg7[%add3A_203, %dma_wait3A_212] : memref<32x16xf32, #tpu.memory_space<hbm>> -> memref<1x16xf32, #tpu.memory_space<hbm>>
        %dma_wait3A_214 = tpu.memref_squeeze %dma_wait3A_213 : memref<1x16xf32, #tpu.memory_space<hbm>> -> memref<16xf32, #tpu.memory_space<hbm>>
        tpu.wait_dma2 semaphore(%run_scoped3A : memref<!tpu.dma_semaphore, #tpu.memory_space<semaphore_mem>>) src(%arg23 : memref<16xf32, #tpu.memory_space<vmem>>) dst(%dma_wait3A_214 : memref<16xf32, #tpu.memory_space<hbm>>)
        tpu.yield
      }) : () -> ()
    } else {
    }
    return
  }
}

</mosaic_0001>

<sc_bundles>
// kernel: kernel.3.cloned.1.call-start
scs
__scs_entry_jumppad:
0x0: {  	(pc) =	sbr.rel $0x88, $3  }
0x1: {  	(tag) =	ssettag $0x0;
	lr =	simm.s32 $0x1  }
0x2: {  	[smem:$0x3F9C] =	sst lr;
	_ =	strace $0xD0000000  }
0x3: {  	_ = 	snop  }
0x4: {  	_ = 	snop  }
0x5: {  	_ = 	snop  }
0x6: {  	_ = 	snop  }
0x7: {  	_ = 	snop  }
__scs_overlays_trampoline_lowered:
0x8: {  	[smem:$0x3FAB] =	sst s0  }
0x9: {  	[smem:$0x3FAC] =	sst s1  }
0xa: {  	[smem:$0x3FAD] =	sst s2  }
0xb: {  	[smem:$0x3FAE] =	sst s3  }
0xc: {  	[smem:$0x3FAF] =	sst s4  }
0xd: {  	[smem:$0x3FB0] =	sst s5  }
0xe: {  	[smem:$0x3FB1] =	sst s6  }
0xf: {  	[smem:$0x3FB2] =	sst s7  }
0x10: {  	[smem:$0x3FB3] =	sst s8  }
0x11: {  	[smem:$0x3FB4] =	sst s9;
	s0 =	simm.s32 @!p0 $0x0  }
0x12: {  	s1 =	sld [smem:$0x3F9A];
	s0 =	simm.s32 @p0 $0x1  }
0x13: {  	[smem:$0x3FB5] =	sst s0;
	s0 =	simm.s32 @!p1 $0x0  }
0x14: {  	s2 =	sld [smem:$0x3F99];
	s0 =	simm.s32 @p1 $0x1  }
0x15: {  	[smem:$0x3FB6] =	sst s0;
	s0 =	simm.s32 @!p2 $0x0  }
0x16: {  	s3 =	sld [smem:$0x3FDB];
	s0 =	simm.s32 @p2 $0x1  }
0x17: {  	s4 =	simm.s32 $0x1BF5;
	[smem:$0x3FB8] =	sst s0  }
0x18: {  	s0 =	sld [smem:$0x3F9B];
	_ =	swait.ge [sflag:s4], $0x0  }
0x19: {  	s7 =	sld [smem:$0x3F9C]  }
0x1a: {  	s8 =	sadd.s32 $0xFFFFE003, lr  }
0x1b: {  	s9 =	sadd.s32 $0xFFFFFEF7, lr;
	s5 =	simm.s32 $0xFFFFFFFF;
	p2 =	slt.u32 s8, $0xFFFFF086  }
0x1c: {  	p1 =	slt.u32 s9, $0xF7A;
	s5 =	simm.s32 @!p2 $0x0  }
0x1d: {  	s5 =	simm.s32 @p1 $0x1;
	p0 =	seq.s32 s7, s2  }
0x1e: {  	s7 =	smul.u32 @!p0 $0xF7A, s2;
	p2 =	seq.s32 @!p0 s5, $0x0  }
0x1f: {  	s9 =	smul.u32 $0xF7A, s1;
	s8 =	simm.s32 @!p0 $0x1BF5;
	p2 =	por !p2, p0  }
0x20: {  	[sflag:s8] =	ssyncset.s32 @!p0 $0xFFFFF086;
	s6 =	sadd.s32 @!p0 s3, s7;
	s7 =	simm.s32 @!p0 $0x108  }
0x21: {  	s3 =	sadd.s32 s3, s9;
	s6 =	sadd.s32 @!p0 $0x88, s6;
	s7 =	simm.s32 @p2 $0x1082  }
0x22: {  	[simem:s7], [sflag:s8] =	dma.local @!p0 [hbm:s6], $0xF7A  }
0x23: {  	s9 =	sor.u32 $0xD0000000, s2;
	s6 =	simm.s32 $0x108;
	_ =	swait.ge @!p0 [sflag:s8], $0x0  }
0x24: {  	s3 =	sadd.s32 $0x88, s3;
	s6 =	simm.s32 @!p1 $0x1082;
	[sflag:s4] =	ssyncset.s32 $0xFFFFF086  }
0x25: {  	[simem:s6], [sflag:s4] =	dma.local [hbm:s3], $0xF7A  }
0x26: {  	[smem:$0x3F9C] =	sst s1;
	(tag) =	ssettag s2;
	_ =	strace s9  }
0x27: {  	s1 =	sld [smem:$0x3FAC]  }
0x28: {  	s2 =	sld [smem:$0x3FAD]  }
0x29: {  	s4 =	sld [smem:$0x3FAF]  }
0x2a: {  	p0 =	seq.s32 s5, $0x0;
	s5 =	sld [smem:$0x3FB0]  }
0x2b: {  	s6 =	sld [smem:$0x3FB1]  }
0x2c: {  	s7 =	sld [smem:$0x3FB2]  }
0x2d: {  	s3 =	simm.s32 $0x108;
	s8 =	sld [smem:$0x3FB3]  }
0x2e: {  	s3 =	simm.s32 @!p0 $0x1082;
	s9 =	sld [smem:$0x3FB4]  }
0x2f: {  	lr =	sadd.s32 s0, s3;
	s0 =	sld [smem:$0x3FAB]  }
0x30: {  	s3 =	sld [smem:$0x3FAE]  }
0x31: {  	[smem:$0x3FB7] =	sst s10  }
0x32: {  	s10 =	sld [smem:$0x3FB5];
	_ =	sdelay $0x3  }
0x33: {  	p0 =	seq.s32 s10, $0x1;
	s10 =	sld [smem:$0x3FB7];
	_ =	sdelay $0x3  }
0x34: {  	[smem:$0x3FB7] =	sst s10  }
0x35: {  	s10 =	sld [smem:$0x3FB6];
	_ =	sdelay $0x3  }
0x36: {  	p1 =	seq.s32 s10, $0x1;
	s10 =	sld [smem:$0x3FB7];
	_ =	sdelay $0x3  }
0x37: {  	[smem:$0x3FB7] =	sst s10  }
0x38: {  	s10 =	sld [smem:$0x3FB8]  }
0x39: {  	_ = 	snop;
	(pc) =	sbr.ind lr, $3  }
0x3a: {  	_ = 	snop  }
0x3b: {  	_ = 	snop  }
0x3c: {  	p2 =	seq.s32 s10, $0x1;
	s10 =	sld [smem:$0x3FB7]  }
0x3d: {  	_ =	shalt  }
0x3e: {  	_ =	shalt  }
0x3f: {  	_ =	shalt  }
0x40: {  	_ =	shalt  }
0x41: {  	_ =	shalt  }
0x42: {  	_ =	shalt  }
0x43: {  	_ =	shalt  }
0x44: {  	_ =	shalt  }
0x45: {  	_ =	shalt  }
0x46: {  	_ =	shalt  }
0x47: {  	_ =	shalt  }
0x48: {  	_ =	shalt  }
0x49: {  	_ =	shalt  }
0x4a: {  	_ =	shalt  }
0x4b: {  	_ =	shalt  }
0x4c: {  	_ =	shalt  }
0x4d: {  	_ =	shalt  }
0x4e: {  	_ =	shalt  }
0x4f: {  	_ =	shalt  }
0x50: {  	_ =	shalt  }
0x51: {  	_ =	shalt  }
0x52: {  	_ =	shalt  }
0x53: {  	_ =	shalt  }
0x54: {  	_ =	shalt  }
0x55: {  	_ =	shalt  }
0x56: {  	_ =	shalt  }
0x57: {  	_ =	shalt  }
0x58: {  	_ =	shalt  }
0x59: {  	_ =	shalt  }
0x5a: {  	_ =	shalt  }
0x5b: {  	_ =	shalt  }
0x5c: {  	_ =	shalt  }
0x5d: {  	_ =	shalt  }
0x5e: {  	_ =	shalt  }
0x5f: {  	_ =	shalt  }
0x60: {  	_ =	shalt  }
0x61: {  	_ =	shalt  }
0x62: {  	_ =	shalt  }
0x63: {  	_ =	shalt  }
0x64: {  	_ =	shalt  }
0x65: {  	_ =	shalt  }
0x66: {  	_ =	shalt  }
0x67: {  	_ =	shalt  }
0x68: {  	_ =	shalt  }
0x69: {  	_ =	shalt  }
0x6a: {  	_ =	shalt  }
0x6b: {  	_ =	shalt  }
0x6c: {  	_ =	shalt  }
0x6d: {  	_ =	shalt  }
0x6e: {  	_ =	shalt  }
0x6f: {  	_ =	shalt  }
0x70: {  	_ =	shalt  }
0x71: {  	_ =	shalt  }
0x72: {  	_ =	shalt  }
0x73: {  	_ =	shalt  }
0x74: {  	_ =	shalt  }
0x75: {  	_ =	shalt  }
0x76: {  	_ =	shalt  }
0x77: {  	_ =	shalt  }
0x78: {  	_ =	shalt  }
0x79: {  	_ =	shalt  }
0x7a: {  	_ =	shalt  }
0x7b: {  	_ =	shalt  }
0x7c: {  	_ =	shalt  }
0x7d: {  	_ =	shalt  }
0x7e: {  	_ =	shalt  }
0x7f: {  	_ =	shalt  }
0x80: {  	_ =	shalt  }
0x81: {  	_ =	shalt  }
0x82: {  	_ =	shalt  }
0x83: {  	_ =	shalt  }
0x84: {  	_ =	shalt  }
0x85: {  	_ =	shalt  }
0x86: {  	_ =	shalt  }
0x87: {  	_ =	shalt  }
.Lfunc_end0:
.L_simem_size_0:
called_computation_lowered:
.L_overlay_start_0:
0x88: {  	s2 =	sld [smem:$0x3FD9]  }
0x89: {  	s3 =	sld [smem:$0x3FFE];
	_ =	sdelay $0x1  }
0x8a: {  	s1 =	srdreg.scid  }
0x8b: {  	s0 =	sand.u32 $0x1, s1  }
0x8c: {  	s16 =	sshll.u32 s0, $0xA;
	s2 =	sadd.s32 s3, s2  }
0x8d: {  	s2 =	sadd.s32 s2, s16  }
0x8e: {  	[smem:$0x3FC3] =	sst s2  }
0x8f: {  	_ = 	snop  }
0x90: {  	(tm) =	ssettm $0x1  }
0x91: {  	s17 =	sld [smem:$0x3FFB];
	_ =	sdelay $0x3  }
0x92: {  	_ =	strace s17  }
0x93: {  	s2 =	sld [smem:$0x3FFC];
	_ =	sdelay $0x3  }
0x94: {  	_ =	strace s2  }
0x95: {  	s2 =	sld [smem:$0x3FFD];
	_ =	sdelay $0x3  }
0x96: {  	_ =	strace s2  }
0x97: {  	_ =	strace $0x8FFFFFFF  }
0x98: {  	s18 =	sld [smem:$0x3FDB];
	_ =	sdelay $0x1  }
0x99: {  	s19 =	simm.s32 $_scs_section_size  }
0x9a: {  	s4 =	simm.s32 $_size__tile_overlayer_lowered;
	s5 =	simm.s32 $_tile_overlayer_lowered  }
0x9b: {  	s22 =	simm.s32 $0x1BFF;
	s21 =	sshll.u32 s5, $0x1;
	s2 =	sadd.s32 s19, s18  }
0x9c: {  	s6 =	simm.s32 $0x0;
	s20 =	sshll.u32 s4, $0x1;
	s4 =	sadd.s32 s21, s2  }
0x9d: {  	[timem:s6], [sflag:s22] =	dma.local [hbm:s4], s20  }
0x9e: {  	_ =	swait.ge [sflag:s22], s20  }
0x9f: {  	s3 =	ssub.s32 $0x0, s20;
	[sflag:s22] =	ssyncset.done $0x0  }
0xa0: {  	[sflag:s22] =	ssyncadd.s32 s3;
	_ =	sdelay $0x1  }
0xa1: {  	s23 =	simm.s32 $0x1B8B  }
0xa2: {  	_ =	swait.ge [sflag:s23], $0x1  }
0xa3: {  	[sflag:s23] =	ssyncset.done $0x0  }
0xa4: {  	s25 =	simm.s32 $0x1B8E;
	s24 =	sld [smem:$0x3FFE];
	[sflag:s23] =	ssyncadd.s32 $0xFFFFFFFF  }
0xa5: {  	s26 =	simm.s32 $execute0_lowered;
	[smem:$0x3FD2] =	sst s25  }
0xa6: {  	s4 =	sshll.u32 s26, $0x1;
	_ =	strace $0x80000046;
	[dreg:$0x1] =	wrdreg $0xFFFFFFFF  }
0xa7: {  	s28 =	simm.s32 $_size_execute0_lowered;
	s2 =	sadd.s32 s2, s4;
	[dreg:$0x0] =	wrdreg $0x0  }
0xa8: {  	s4 =	sshll.u32 s28, $0x1;
	[dreg:$0x2] =	wrdreg s2  }
0xa9: {  	[dreg:$0x3] =	wrdreg s4  }
0xaa: {  	[dreg:$0x4] =	wrdreg $0xC0  }
0xab: {  	_ =	task [dreg:s6], $0x5FFFF  }
0xac: {  	[dreg:$0x1] =	wrdreg $0xFFFFFFFF  }
0xad: {  	[dreg:$0x0] =	wrdreg $0x60  }
0xae: {  	[dreg:$0x2] =	wrdreg s24  }
0xaf: {  	[dreg:$0x3] =	wrdreg $0x1DA000  }
0xb0: {  	[dreg:$0x4] =	wrdreg $0x9  }
0xb1: {  	_ =	task.clear_ibuf [dreg:s6], $0x5FFFF;
	_ =	strace $0x90000046  }
0xb2: {  	s29 =	simm.s32 $0x9;
	_ =	strace $0x80000048  }
0xb3: {  	_ =	swait.ge [sflag:s29], $0x1  }
0xb4: {  	[sflag:s29] =	ssyncadd.s32 $0xFFFFFFFF  }
0xb5: {  	_ =	strace $0x90000048  }
0xb6: {  	_ =	sfence  }
0xb7: {  	s30 =	sld [smem:$0x0];
	_ =	sdelay $0x2  }
0xb8: {  	s31 =	sshll.u32 s1, $0xD;
	s1 =	sshrl.u32 s1, $0x2  }
0xb9: {  	s3 =	sand.u32 $0x4000, s31;
	s1 =	sadd.s32 s1, s30  }
0xba: {  	s0 =	sor.u32 s3, s0;
	s1 =	sshll.u32 s1, $0x11  }
0xbb: {  	s0 =	sor.u32 s1, s0  }
0xbc: {  	s0 =	sadd.s32 $0x8F2B, s0  }
0xbd: {  	[sflag:s0] =	ssyncadd.remote.s32 $0x1  }
0xbe: {  	_ =	sfence.sel $0xFFFF  }
0xbf: {  	[dreg:$0x0] =	wrdreg $0xFFFFFFFF;
	(pc) =	sbr.abs _section_cstart, $3  }
0xc0: {  	[dreg:$0x1] =	wrdreg $0xFFFFFFFF  }
0xc1: {  	_ =	task.clear_ibuf [dreg:s6], $0x2FFFF;
	_ =	strace $0x9FFFFFFF  }
0xc2: {  	(tm) =	ssettm $0x7FFFFFFF  }
0xc3: {  	_ =	shalt  }
tec
execute0_lowered:
.L_overlay_start_1:
0x0: {  	(tag) =	ssettag $0x1  }
0x1: {  	s0 =	rddreg [dreg:$0x0]  }
0x2: {  	s1 =	rddreg [dreg:$0x1];
	s2 =	simm.s32 $0x0;
	s4 =	srdreg.scid  }
0x3: {  	s14 =	stileid.u32;
	s28 =	simm.s32 $0xE000;
	s29 =	simm.s32 $0x10000  }
0x4: {  	s30 =	simm.s32 $0x12000;
	s31 =	simm.s32 $0x14000;
	[smem:$0x7FF] =	sst s2  }
0x5: {  	s2 =	sadd.s32 $0x2200, s0;
	s3 =	sadd.s32 $0x82200, s0;
	s5 =	sadd.s32 $0x102200, s0  }
0x6: {  	s6 =	sadd.s32 $0x182200, s0;
	s4 =	sand.u32 $0x1, s4;
	s7 =	sadd.s32 $0x202200, s0  }
0x7: {  	s9 =	sshrl.u32 s14, $0x1;
	s10 =	sand.u32 $0x1, s14;
	s18 =	sshrl.u32 s14, $0x3  }
0x8: {  	v0 =	vimm.f32 $1.500000000e+01;
	vm0 =	vcmask $0x300;
	s23 =	sshll.u32 s14, $0x7;
	_ =	strace $0x80000047;
	s8 =	sshll.u32 s4, $0x7  }
0x9: {  	vm14 =	vcmask $0x704;
	v0 =	vsel vm0, $0x0, v0;
	s11 =	sshll.u32 s4, $0x15;
	s12 =	sshll.u32 s9, $0x12;
	s4 =	ssub.s32 $0x2, s4  }
0xa: {  	vm15 =	vcmask $0xB08;
	s17 =	sshll.u32 s10, $0x11;
	v0 =	vsel vm14, $0x3F800000, v0;
	s24 =	sand.u32 $0x380, s23;
	s25 =	sand.u32 $0x300, s23  }
0xb: {  	vm4 =	vcmask $0xF0C;
	s9 =	sshll.u32 s9, $0x4;
	p0 =	seq.s32 s10, $0x1;
	p1 =	seq.s32 s10, $0x0;
	v0 =	vsel vm15, $0x40000000, v0  }
0xc: {  	vm5 =	vcmask $0x1310;
	s23 =	simm.s32 $0x3;
	s11 =	sor.u32 s11, s12;
	s0 =	sadd.s32 s8, s0;
	v0 =	vsel vm4, $0x40400000, v0  }
0xd: {  	vm6 =	vcmask $0x1714;
	s13 =	sshrl.u32 s4, $0x1;
	s12 =	smul.u32 $0x11000, s18;
	s0 =	sadd.s32 s9, s0;
	v0 =	vsel vm5, $0x40800000, v0  }
0xe: {  	v1 =	vimm.f32 $5.000000000e+02;
	vm7 =	vcmask $0x1B18;
	s8 =	sor.u32 s17, s11;
	s4 =	ssub.s32 s4, s13;
	s26 =	sadd.s32 $0x282200, s0;
	v0 =	vsel vm6, $0x40A00000, v0  }
0xf: {  	vm8 =	vcmask $0x1F1C;
	(erf) = vrcp.f32 v1;
	s11 =	sshrl.u32 s8, $0x3;
	s0 =	sadd.s32 $0x282300, s0;
	[dreg:$0x9] =	wrdreg s26;
	v0 =	vsel vm7, $0x40C00000, v0  }
0x10: {  	vm9 =	vcmask $0x2320;
	s17 =	simm.s32 $0x0;
	s19 =	sadd.s32 s2, s11;
	[dreg:$0xa] =	wrdreg s0;
	v0 =	vsel vm8, $0x40E00000, v0  }
0x11: {  	vm10 =	vcmask $0x2724;
	s12 =	sshrl.u32 s12, $0x2;
	s20 =	sadd.s32 s3, s11;
	[dreg:$0x3] =	wrdreg s19;
	v0 =	vsel vm9, $0x41000000, v0  }
0x12: {  	vm11 =	vcmask $0x2B28;
	s21 =	sadd.s32 s5, s11;
	s22 =	sadd.s32 s6, s11;
	[dreg:$0x4] =	wrdreg s20;
	v0 =	vsel vm10, $0x41100000, v0  }
0x13: {  	vm12 =	vcmask $0x2F2C;
	s11 =	sadd.s32 s7, s11;
	s1 =	sadd.s32 s12, s1;
	[dreg:$0x5] =	wrdreg s21;
	v0 =	vsel vm11, $0x41200000, v0  }
.Ltmp0:
0x14: {  	vm13 =	vcmask $0x3330;
	s26 =	simm.s32 $0xC000;
	[dreg:$0x6] =	wrdreg s22;
	v1 =	vsel vm12, $0x41300000, v0;
	(pc) =	sbr.rel .LBB2_1-.Ltmp0, $4  }
0x15: {  	s0 =	simm.s32 $0x18000;
	[dreg:$0x7] =	wrdreg s11;
	s11 =	sadd.s32 s24, s1;
	v2 =	vsel vm13, $0x41400000, v1  }
0x16: {  	v4 =	vimm.f32 $1.000000000e+00;
	vm14 =	vcmask $0x3734;
	s15 =	sadd.s32 s25, s1;
	s19 =	smax.u32 s4, $0x1;
	s24 =	simm.s32 $0x1  }
0x17: {  	vm15 =	vcmask $0x3B38;
	s25 =	simm.s32 $0xA000;
	s4 =	simm.s32 $0x2;
	s20 =	simm.s32 $0x80;
	v1 =	vlaneseq.u32;
	v5 =	vsel vm14, $0x41500000, v2  }
0x18: {  	s21 =	simm.s32 $0x400;
	[dreg:$0x8] =	wrdreg s11;
	s16 =	sadd.s32 $0x80, s15;
	v0 =	vimm.f32 $0.0e+00;
	v3 =	vmul.u32 $0x400, v1;
	v5 =	vsel vm15, $0x41600000, v5;
	v2 =	vpop (erf)  }
.LBB2_22:
0x19: {  	s17 =	sadd.s32 $0x1, s17  }
0x1a: {  	p2 =	sne.s32 s17, s19  }
.Ltmp1:
0x1b: {  	_ = 	snop;
	(pc) =	sbr.rel @!p2 .LBB2_23-.Ltmp1, $1  }
0x1c: {  	_ =	sdelay $0x3  }
.LBB2_1:
0x1d: {  	s1 =	simm.s32 $0x0;
	s9 =	simm.s32 $0x100  }
.LBB2_2:
0x1e: {  	p2 =	sne.s32 s9, $0xFF00;
	[tilespmem:s1+$0x18030] =	vst v0  }
0x1f: {  	[tilespmem:s1+$0x14000] =	vst v0  }
0x20: {  	[tilespmem:s1+$0x18000] =	vst v0  }
.Ltmp2:
0x21: {  	[tilespmem:s1+$0x14010] =	vst v0;
	(pc) =	sbr.rel @p2 .LBB2_2-.Ltmp2, $4  }
0x22: {  	[tilespmem:s1+$0x18010] =	vst v0  }
0x23: {  	[tilespmem:s1+$0x14020] =	vst v0  }
0x24: {  	[tilespmem:s1+$0x18020] =	vst v0  }
0x25: {  	[tilespmem:s1+$0x14030] =	vst v0;
	s1 =	sshra.s32 s9, $0x2;
	s9 =	sadd.s32 $0x100, s9  }
0x26: {  	[tilespmem:s1+$0x18030] =	vst v0  }
0x27: {  	[tilespmem:s1+$0x14000] =	vst v0  }
0x28: {  	[tilespmem:s1+$0x18000] =	vst v0  }
0x29: {  	[tilespmem:s1+$0x14010] =	vst v0  }
0x2a: {  	[tilespmem:s1+$0x18010] =	vst v0  }
0x2b: {  	[tilespmem:s1+$0x14020] =	vst v0  }
0x2c: {  	[tilespmem:s1+$0x18020] =	vst v0  }
0x2d: {  	[tilespmem:s1+$0x14030] =	vst v0  }
0x2e: {  	s1 =	simm.s32 $0x0;
	s9 =	rddreg [dreg:$0x3]  }
0x2f: {  	[tilespmem:s1], [sflag:$0x1] =	stream.linear.gather [hbm4b:s9+s1], $0x2000, $0x38;
	[tilespmem:$0x1E280] =	vst v63  }
0x30: {  	s10 =	simm.s32 $0x2000;
	s22 =	rddreg [dreg:$0x4]  }
0x31: {  	[tilespmem:s10], [sflag:$0x1] =	stream.linear.gather [hbm4b:s22+s1], $0x2000, $0x38;
	[tilespmem:$0x1E280] =	vst v63  }
0x32: {  	s12 =	simm.s32 $0x4000;
	s11 =	rddreg [dreg:$0x5]  }
0x33: {  	v6 =	vimm.f32 $0.0e+00;
	[tilespmem:s12], [sflag:$0x1] =	stream.linear.gather [hbm4b:s11+s1], $0x2000, $0x38;
	[tilespmem:$0x1E280] =	vst v63  }
0x34: {  	s14 =	simm.s32 $0x6000;
	v14 =	vimm.f32 $0.0e+00;
	v18 =	vimm.f32 $0.0e+00;
	v15 =	vimm.f32 $0.0e+00;
	s13 =	rddreg [dreg:$0x6]  }
0x35: {  	v7 =	vimm.f32 $0.0e+00;
	v16 =	vimm.f32 $0.0e+00;
	v20 =	vimm.f32 $0.0e+00;
	[tilespmem:s14], [sflag:$0x1] =	stream.linear.gather [hbm4b:s13+s1], $0x2000, $0x38;
	[tilespmem:$0x1E280] =	vst v63  }
0x36: {  	v10 =	vimm.f32 $0.0e+00;
	v8 =	vimm.f32 $0.0e+00;
	v19 =	vimm.f32 $0.0e+00;
	s18 =	rddreg [dreg:$0x7];
	s22 =	simm.s32 $0x8000  }
0x37: {  	v17 =	vimm.f32 $0.0e+00;
	v11 =	vimm.f32 $0.0e+00;
	v9 =	vimm.f32 $0.0e+00;
	[tilespmem:s22], [sflag:$0x1] =	stream.linear.gather [hbm4b:s18+s1], $0x2000, $0x38;
	[tilespmem:$0x1E280] =	vst v63  }
0x38: {  	v13 =	vimm.f32 $0.0e+00;
	v21 =	vimm.f32 $0.0e+00;
	v12 =	vimm.f32 $0.0e+00;
	s22 =	simm.s32 $0x0  }
.LBB2_4:
0x39: {  	_ =	swait.ge [sflag:s24], $0x2000  }
0x3a: {  	[sflag:s24] =	ssyncset.done $0x0  }
0x3b: {  	[sflag:s24] =	ssyncadd.s32 $0xFFFFE000  }
0x3c: {  	_ =	swait.ge [sflag:s24], $0x2000  }
0x3d: {  	[sflag:s24] =	ssyncset.done $0x0  }
0x3e: {  	[sflag:s24] =	ssyncadd.s32 $0xFFFFE000  }
0x3f: {  	_ =	swait.ge [sflag:s24], $0x2000  }
0x40: {  	[sflag:s24] =	ssyncset.done $0x0  }
0x41: {  	[sflag:s24] =	ssyncadd.s32 $0xFFFFE000  }
0x42: {  	_ =	swait.ge [sflag:s24], $0x2000  }
0x43: {  	s9 =	sshll.u32 s22, $0xE;
	[sflag:s24] =	ssyncset.done $0x0  }
0x44: {  	s18 =	sadd.s32 s8, s9;
	[sflag:s24] =	ssyncadd.s32 $0xFFFFE000  }
0x45: {  	s9 =	sshrl.u32 s18, $0x3;
	_ =	swait.ge [sflag:s24], $0x2000  }
0x46: {  	s9 =	sor.u32 $0x400, s9;
	[sflag:s24] =	ssyncset.done $0x0  }
0x47: {  	s10 =	sadd.s32 s2, s9;
	[sflag:s24] =	ssyncadd.s32 $0xFFFFE000  }
0x48: {  	[tilespmem:s25], [sflag:$0x2] =	stream.linear.gather [hbm4b:s10+s1], $0x2000, $0x38;
	[tilespmem:$0x1E280] =	vst v63  }
0x49: {  	s12 =	sadd.s32 s3, s9  }
0x4a: {  	[tilespmem:s26], [sflag:$0x2] =	stream.linear.gather [hbm4b:s12+s1], $0x2000, $0x38;
	[tilespmem:$0x1E280] =	vst v63  }
0x4b: {  	s13 =	sadd.s32 s5, s9  }
0x4c: {  	[tilespmem:s28], [sflag:$0x2] =	stream.linear.gather [hbm4b:s13+s1], $0x2000, $0x38;
	[tilespmem:$0x1E280] =	vst v63  }
0x4d: {  	s14 =	sadd.s32 s6, s9  }
0x4e: {  	[tilespmem:s29], [sflag:$0x2] =	stream.linear.gather [hbm4b:s14+s1], $0x2000, $0x38;
	[tilespmem:$0x1E280] =	vst v63  }
0x4f: {  	s9 =	sadd.s32 s7, s9;
	s13 =	simm.s32 $0x0  }
0x50: {  	[tilespmem:s30], [sflag:$0x2] =	stream.linear.gather [hbm4b:s9+s1], $0x2000, $0x38;
	[tilespmem:$0x1E280] =	vst v63  }
0x51: {  	v22 =	vld [tilespmem:s13+$0x6000]  }
0x52: {  	v23 =	vld [tilespmem:s13+$0x4000]  }
0x53: {  	v24 =	vld [tilespmem:s13+$0x0]  }
0x54: {  	v25 =	vld [tilespmem:s13+$0x2000];
	_ =	sdelay $0x2  }
0x55: {  	v26 =	vld [tilespmem:s13+$0x8000]  }
0x56: {  	v23 =	vsub.f32 v23, v24  }
0x57: {  	v22 =	vsub.f32 v22, v25  }
0x58: {  	v23 =	vmul.f32 v23, v23  }
0x59: {  	v22 =	vmul.f32 v22, v22  }
0x5a: {  	v23 =	vmul.f32 v26, v23  }
0x5b: {  	v22 =	vmul.f32 v22, v26  }
0x5c: {  	v26 =	vmul.f32 $1.024000000e+03, v23  }
0x5d: {  	s9 =	simm.s32 $0x40;
	v27 =	vmul.f32 $1.024000000e+03, v22  }
0x5e: {  	v29 =	vld [tilespmem:s9+$0x4000];
	v26 =	vtrunc.f32 v26  }
0x5f: {  	v30 =	vld [tilespmem:s9+$0x0];
	v27 =	vtrunc.f32 v27;
	v26 =	vcvt.f32.s32 v26  }
0x60: {  	v28 =	vld [tilespmem:s9+$0x6000];
	v27 =	vcvt.f32.s32 v27  }
0x61: {  	v31 =	vld [tilespmem:s9+$0x2000];
	vm0 =	vlt.s32 v26, $0x3FF  }
0x62: {  	vm2 =	vlt.f32 v24, $1.000000010e-01;
	vm1 =	vlt.s32 v27, $0x3FF;
	v24 =	vnsel vm0, $0x3FF, v26  }
0x63: {  	vm0 =	vlt.f32 v25, $1.000000010e-01;
	v25 =	vnsel vm1, $0x3FF, v27;
	v26 =	vld [tilespmem:s9+$0x8000];
	v24 =	vadd.s32 v3, v24  }
0x64: {  	v27 =	vsub.f32 v29, v30;
	v25 =	vadd.s32 v3, v25;
	_ =	sdelay $0x1  }
0x65: {  	v28 =	vsub.f32 v28, v31;
	v27 =	vmul.f32 v27, v27;
	_ =	sdelay $0x1  }
0x66: {  	v28 =	vmul.f32 v28, v28;
	[tilespmem:v24+s31+$0x0] =	vst.idx.add.f32.msk vm2, v4;
	v24 =	vmul.f32 v26, v27  }
0x67: {  	[tilespmem:v25+s0+$0x0] =	vst.idx.add.f32.msk vm0, v4  }
0x68: {  	v25 =	vmul.f32 v28, v26;
	v26 =	vld [tilespmem:s13+$0x10];
	v27 =	vmul.f32 $1.024000000e+03, v24  }
0x69: {  	v28 =	vld [tilespmem:s13+$0x4010]  }
0x6a: {  	v32 =	vld [tilespmem:s13+$0x6010];
	v29 =	vmul.f32 $1.024000000e+03, v25;
	v27 =	vtrunc.f32 v27  }
0x6b: {  	v33 =	vld [tilespmem:s13+$0x2010];
	v27 =	vcvt.f32.s32 v27  }
0x6c: {  	v29 =	vtrunc.f32 v29  }
0x6d: {  	s11 =	simm.s32 $0xC0;
	vm3 =	vlt.f32 v30, $1.000000010e-01;
	v30 =	vld [tilespmem:s13+$0x8010];
	v29 =	vcvt.f32.s32 v29;
	vm1 =	vlt.s32 v27, $0x3FF  }
0x6e: {  	v38 =	vld [tilespmem:s11+$0x4000];
	v28 =	vsub.f32 v28, v26;
	v27 =	vnsel vm1, $0x3FF, v27  }
0x6f: {  	v48 =	vld [tilespmem:s11+$0x0];
	vm4 =	vlt.s32 v29, $0x3FF;
	v27 =	vadd.s32 v3, v27  }
0x70: {  	vm1 =	vlt.f32 v31, $1.000000010e-01;
	v31 =	vsub.f32 v32, v33;
	v28 =	vmul.f32 v28, v28  }
0x71: {  	v29 =	vnsel vm4, $0x3FF, v29  }
0x72: {  	s10 =	simm.s32 $0x80;
	v29 =	vadd.s32 v3, v29;
	v31 =	vmul.f32 v31, v31;
	v28 =	vmul.f32 v30, v28  }
0x73: {  	v63 =	vld [tilespmem:s10+$0x4000]  }
0x74: {  	v51 =	vsub.f32 v38, v48;
	[tilespmem:v27+s31+$0x0] =	vst.idx.add.f32.msk vm3, v4;
	v27 =	vmul.f32 v31, v30;
	v30 =	vmul.f32 $1.024000000e+03, v28  }
0x75: {  	v35 =	vld [tilespmem:s10+$0x0];
	v12 =	vadd.f32 v23, v12;
	v10 =	vadd.f32 v22, v10;
	v22 =	vnsel vm0, $0x0, v22  }
0x76: {  	v31 =	vnsel vm2, $0x0, v23;
	vm2 =	vlt.f32 v26, $1.000000010e-01;
	v26 =	vld [tilespmem:s10+$0x2000];
	v30 =	vtrunc.f32 v30  }
0x77: {  	v15 =	vadd.f32 v22, v15;
	[tilespmem:v29+s0+$0x0] =	vst.idx.add.f32.msk vm1, v4;
	v62 =	vmul.f32 $1.024000000e+03, v27;
	v30 =	vcvt.f32.s32 v30  }
0x78: {  	v12 =	vadd.f32 v24, v12;
	v11 =	vadd.f32 v31, v11;
	v31 =	vld [tilespmem:s10+$0x6000]  }
0x79: {  	v10 =	vadd.f32 v25, v10;
	v29 =	vld [tilespmem:s9+$0x6010];
	v23 =	vtrunc.f32 v62;
	vm0 =	vlt.s32 v30, $0x3FF  }
0x7a: {  	v32 =	vsub.f32 v63, v35;
	v34 =	vld [tilespmem:s9+$0x10];
	v23 =	vcvt.f32.s32 v23;
	v22 =	vnsel vm0, $0x3FF, v30  }
0x7b: {  	v21 =	vadd.f32 v28, v21;
	v30 =	vnsel vm3, $0x0, v24;
	v24 =	vld [tilespmem:s9+$0x2010];
	v22 =	vadd.s32 v3, v22  }
0x7c: {  	v28 =	vnsel vm2, $0x0, v28;
	v36 =	vld [tilespmem:s9+$0x4010];
	v20 =	vadd.f32 v27, v20;
	vm0 =	vlt.s32 v23, $0x3FF  }
0x7d: {  	vm3 =	vlt.f32 v33, $1.000000010e-01;
	v11 =	vadd.f32 v30, v11;
	v30 =	vld [tilespmem:s10+$0x8000];
	v23 =	vnsel vm0, $0x3FF, v23  }
0x7e: {  	v17 =	vadd.f32 v28, v17;
	v27 =	vnsel vm3, $0x0, v27;
	v23 =	vadd.s32 v3, v23  }
0x7f: {  	v40 =	vld [tilespmem:s9+$0x8010];
	v31 =	vsub.f32 v31, v26;
	vm0 =	vlt.f32 v35, $1.000000010e-01;
	v18 =	vadd.f32 v27, v18  }
0x80: {  	v29 =	vsub.f32 v29, v24;
	[tilespmem:v22+s31+$0x0] =	vst.idx.add.f32.msk vm2, v4;
	v22 =	vnsel vm1, $0x0, v25;
	v25 =	vmul.f32 v32, v32  }
0x81: {  	v46 =	vld [tilespmem:s11+$0x6000];
	v15 =	vadd.f32 v22, v15;
	v22 =	vmul.f32 v31, v31;
	v31 =	vsub.f32 v36, v34  }
0x82: {  	v50 =	vld [tilespmem:s11+$0x2000];
	vm2 =	vlt.f32 v34, $1.000000010e-01;
	v29 =	vmul.f32 v29, v29;
	v25 =	vmul.f32 v30, v25  }
0x83: {  	[tilespmem:v23+s0+$0x0] =	vst.idx.add.f32.msk vm3, v4;
	vm3 =	vlt.f32 v26, $1.000000010e-01;
	v22 =	vmul.f32 v22, v30;
	v23 =	vmul.f32 v31, v31  }
0x84: {  	v29 =	vmul.f32 v29, v40;
	v31 =	vmul.f32 $1.024000000e+03, v25;
	v35 =	vnsel vm0, $0x0, v25  }
0x85: {  	v30 =	vld [tilespmem:s13+$0x6020];
	v12 =	vadd.f32 v25, v12;
	v41 =	vmul.f32 $1.024000000e+03, v22;
	v23 =	vmul.f32 v40, v23  }
0x86: {  	v27 =	vld [tilespmem:s13+$0x2020];
	v11 =	vadd.f32 v35, v11;
	v10 =	vadd.f32 v22, v10;
	v31 =	vtrunc.f32 v31  }
0x87: {  	v44 =	vmul.f32 $1.024000000e+03, v29;
	v20 =	vadd.f32 v29, v20;
	v31 =	vcvt.f32.s32 v31  }
0x88: {  	v42 =	vld [tilespmem:s13+$0x20];
	v35 =	vsub.f32 v46, v50;
	v25 =	vmul.f32 $1.024000000e+03, v23;
	v32 =	vtrunc.f32 v41  }
0x89: {  	v43 =	vld [tilespmem:s13+$0x4020];
	v21 =	vadd.f32 v23, v21;
	v28 =	vcvt.f32.s32 v32;
	vm1 =	vlt.s32 v31, $0x3FF  }
0x8a: {  	v37 =	vld [tilespmem:s13+$0x8020];
	v45 =	vtrunc.f32 v44;
	v35 =	vmul.f32 v35, v35;
	v31 =	vnsel vm1, $0x3FF, v31  }
0x8b: {  	v30 =	vsub.f32 v30, v27;
	vm1 =	vlt.s32 v28, $0x3FF;
	v26 =	vadd.s32 v3, v31  }
0x8c: {  	v23 =	vnsel vm2, $0x0, v23;
	v32 =	vcvt.f32.s32 v45;
	v28 =	vnsel vm1, $0x3FF, v28  }
0x8d: {  	v25 =	vtrunc.f32 v25;
	v30 =	vmul.f32 v30, v30;
	v28 =	vadd.s32 v3, v28  }
0x8e: {  	v25 =	vcvt.f32.s32 v25;
	vm4 =	vlt.s32 v32, $0x3FF;
	v31 =	vsub.f32 v43, v42  }
0x8f: {  	vm1 =	vlt.f32 v42, $1.000000010e-01;
	v32 =	vnsel vm4, $0x3FF, v32;
	v30 =	vmul.f32 v30, v37  }
0x90: {  	vm5 =	vlt.s32 v25, $0x3FF;
	v32 =	vadd.s32 v3, v32;
	v31 =	vmul.f32 v31, v31;
	[tilespmem:v26+s31+$0x0] =	vst.idx.add.f32.msk vm0, v4  }
0x91: {  	v25 =	vnsel vm5, $0x3FF, v25;
	v47 =	vmul.f32 $1.024000000e+03, v30;
	vm0 =	vlt.f32 v27, $1.000000010e-01;
	v27 =	vld [tilespmem:s11+$0x8000]  }
0x92: {  	vm5 =	vlt.f32 v24, $1.000000010e-01;
	v25 =	vadd.s32 v3, v25;
	v31 =	vmul.f32 v37, v31;
	[tilespmem:v28+s0+$0x0] =	vst.idx.add.f32.msk vm3, v4  }
0x93: {  	v16 =	vadd.f32 v30, v16;
	v37 =	vmul.f32 v51, v51;
	v49 =	vtrunc.f32 v47;
	v28 =	vld [tilespmem:s10+$0x10]  }
0x94: {  	v29 =	vnsel vm5, $0x0, v29;
	v26 =	vmul.f32 $1.024000000e+03, v31;
	v34 =	vcvt.f32.s32 v49;
	v52 =	vld [tilespmem:s10+$0x4010]  }
0x95: {  	v13 =	vadd.f32 v31, v13;
	v31 =	vnsel vm1, $0x0, v31;
	v39 =	vnsel vm0, $0x0, v30;
	v24 =	vld [tilespmem:s10+$0x6010]  }
0x96: {  	v19 =	vadd.f32 v31, v19;
	v31 =	vld [tilespmem:s10+$0x2010];
	v39 =	vadd.f32 v39, v14;
	v26 =	vtrunc.f32 v26  }
0x97: {  	v14 =	vnsel vm3, $0x0, v22;
	v53 =	vld [tilespmem:s10+$0x8010];
	vm4 =	vlt.s32 v34, $0x3FF;
	v26 =	vcvt.f32.s32 v26  }
0x98: {  	v18 =	vadd.f32 v29, v18;
	[tilespmem:v25+s31+$0x0] =	vst.idx.add.f32.msk vm2, v4;
	v55 =	vadd.f32 v14, v15;
	v34 =	vnsel vm4, $0x3FF, v34  }
0x99: {  	[tilespmem:v32+s0+$0x0] =	vst.idx.add.f32.msk vm5, v4;
	v22 =	vmul.f32 v27, v37;
	v27 =	vmul.f32 v35, v27;
	vm4 =	vlt.s32 v26, $0x3FF  }
0x9a: {  	v34 =	vadd.s32 v3, v34;
	v56 =	vld [tilespmem:s9+$0x20];
	v26 =	vnsel vm4, $0x3FF, v26;
	vm4 =	vlt.f32 v48, $1.000000010e-01  }
0x9b: {  	v29 =	vld [tilespmem:s9+$0x4020];
	v25 =	vsub.f32 v52, v28;
	v30 =	vmul.f32 $1.024000000e+03, v22;
	v54 =	vmul.f32 $1.024000000e+03, v27  }
0x9c: {  	v24 =	vsub.f32 v24, v31;
	v12 =	vadd.f32 v22, v12;
	vm2 =	vlt.f32 v28, $1.000000010e-01  }
0x9d: {  	v32 =	vld [tilespmem:s9+$0x6020];
	v26 =	vadd.s32 v3, v26;
	v25 =	vmul.f32 v25, v25;
	v30 =	vtrunc.f32 v30  }
0x9e: {  	v58 =	vnsel vm4, $0x0, v22;
	v15 =	vtrunc.f32 v54;
	v14 =	vcvt.f32.s32 v30;
	v30 =	vld [tilespmem:s9+$0x2020]  }
0x9f: {  	v24 =	vmul.f32 v24, v24;
	v11 =	vadd.f32 v58, v11;
	v15 =	vcvt.f32.s32 v15  }
0xa0: {  	s12 =	simm.s32 $0x100;
	v22 =	vsub.f32 v29, v56;
	v25 =	vmul.f32 v53, v25;
	vm3 =	vlt.s32 v14, $0x3FF  }
0xa1: {  	v47 =	vld [tilespmem:s12+$0x2000];
	v24 =	vmul.f32 v24, v53;
	vm5 =	vlt.s32 v15, $0x3FF;
	v14 =	vnsel vm3, $0x3FF, v14  }
0xa2: {  	v57 =	vld [tilespmem:s9+$0x8020];
	vm3 =	vlt.f32 v50, $1.000000010e-01;
	v15 =	vnsel vm5, $0x3FF, v15;
	v14 =	vadd.s32 v3, v14  }
0xa3: {  	v59 =	vmul.f32 $1.024000000e+03, v25;
	v60 =	vmul.f32 $1.024000000e+03, v24;
	[tilespmem:v26+s31+$0x0] =	vst.idx.add.f32.msk vm1, v4;
	v32 =	vsub.f32 v32, v30  }
0xa4: {  	v26 =	vadd.f32 v27, v10;
	v62 =	vadd.f32 v24, v20;
	v20 =	vld [tilespmem:s12+$0x6000];
	v15 =	vadd.s32 v3, v15  }
0xa5: {  	v21 =	vadd.f32 v25, v21;
	v10 =	vtrunc.f32 v60;
	v29 =	vmul.f32 v32, v32  }
0xa6: {  	v28 =	vld [tilespmem:s12+$0x4000];
	vm1 =	vlt.f32 v56, $1.000000010e-01;
	v61 =	vtrunc.f32 v59;
	v10 =	vcvt.f32.s32 v10  }
0xa7: {  	v25 =	vnsel vm2, $0x0, v25;
	[tilespmem:v14+s31+$0x0] =	vst.idx.add.f32.msk vm4, v4;
	v14 =	vmul.f32 v22, v22;
	v22 =	vmul.f32 v29, v57  }
0xa8: {  	[tilespmem:v34+s0+$0x0] =	vst.idx.add.f32.msk vm0, v4;
	v29 =	vadd.f32 v23, v17;
	v17 =	vcvt.f32.s32 v61;
	vm4 =	vlt.s32 v10, $0x3FF  }
0xa9: {  	vm0 =	vlt.f32 v31, $1.000000010e-01;
	v20 =	vsub.f32 v20, v47;
	[tilespmem:v15+s0+$0x0] =	vst.idx.add.f32.msk vm3, v4;
	v10 =	vnsel vm4, $0x3FF, v10  }
0xaa: {  	v14 =	vmul.f32 v57, v14;
	v15 =	vmul.f32 $1.024000000e+03, v22;
	v63 =	vld [tilespmem:s11+$0x10];
	vm5 =	vlt.s32 v17, $0x3FF  }
0xab: {  	vm4 =	vlt.f32 v30, $1.000000010e-01;
	v20 =	vmul.f32 v20, v20;
	v41 =	vld [tilespmem:s11+$0x4010];
	v17 =	vnsel vm5, $0x3FF, v17  }
0xac: {  	v45 =	vmul.f32 $1.024000000e+03, v14;
	v15 =	vtrunc.f32 v15;
	v46 =	vadd.s32 v3, v17;
	v17 =	vld [tilespmem:s12+$0x0]  }
0xad: {  	v42 =	vld [tilespmem:s12+$0x8000];
	v16 =	vadd.f32 v22, v16;
	v50 =	vadd.s32 v3, v10;
	v15 =	vcvt.f32.s32 v15  }
0xae: {  	v51 =	vld [tilespmem:s13+$0x30];
	v13 =	vadd.f32 v14, v13;
	v14 =	vnsel vm1, $0x0, v14;
	v33 =	vtrunc.f32 v45  }
0xaf: {  	v23 =	vld [tilespmem:s11+$0x6010];
	v14 =	vadd.f32 v14, v19;
	v40 =	vcvt.f32.s32 v33;
	vm5 =	vlt.s32 v15, $0x3FF  }
0xb0: {  	v19 =	vnsel vm3, $0x0, v27;
	v33 =	vld [tilespmem:s11+$0x2010];
	v49 =	vsub.f32 v41, v63;
	v30 =	vnsel vm5, $0x3FF, v15  }
0xb1: {  	v48 =	vld [tilespmem:s11+$0x8010];
	v15 =	vnsel vm4, $0x0, v22;
	vm5 =	vlt.s32 v40, $0x3FF;
	v22 =	vsub.f32 v28, v17  }
0xb2: {  	v15 =	vadd.f32 v15, v39;
	v28 =	vld [tilespmem:s13+$0x2030];
	v30 =	vadd.s32 v3, v30;
	v27 =	vnsel vm5, $0x3FF, v40  }
0xb3: {  	vm5 =	vlt.f32 v17, $1.000000010e-01;
	v17 =	vadd.f32 v19, v55;
	v19 =	vld [tilespmem:s13+$0x6030];
	v22 =	vmul.f32 v22, v22  }
0xb4: {  	vm3 =	vlt.f32 v63, $1.000000010e-01;
	v10 =	vmul.f32 v49, v49;
	[tilespmem:v46+s31+$0x0] =	vst.idx.add.f32.msk vm2, v4;
	v27 =	vadd.s32 v3, v27  }
0xb5: {  	vm2 =	vlt.f32 v47, $1.000000010e-01;
	[tilespmem:v50+s0+$0x0] =	vst.idx.add.f32.msk vm0, v4;
	v31 =	vmul.f32 v42, v22;
	v22 =	vsub.f32 v23, v33  }
0xb6: {  	v57 =	vld [tilespmem:s10+$0x6020];
	v23 =	vmul.f32 v20, v42;
	v20 =	vnsel vm0, $0x0, v24;
	v24 =	vmul.f32 v48, v10  }
0xb7: {  	v35 =	vld [tilespmem:s10+$0x2020];
	vm0 =	vlt.f32 v51, $1.000000010e-01;
	v18 =	vadd.f32 v20, v18;
	v52 =	vmul.f32 $1.024000000e+03, v31  }
0xb8: {  	v53 =	vld [tilespmem:s13+$0x8030];
	v22 =	vmul.f32 v22, v22;
	v20 =	vnsel vm5, $0x0, v31;
	v54 =	vsub.f32 v19, v28  }
0xb9: {  	[tilespmem:v27+s31+$0x0] =	vst.idx.add.f32.msk vm1, v4;
	v27 =	vmul.f32 $1.024000000e+03, v23;
	v10 =	vadd.f32 v20, v11;
	v11 =	vadd.f32 v31, v12  }
0xba: {  	v39 =	vld [tilespmem:s10+$0x20];
	v12 =	vadd.f32 v23, v26;
	v22 =	vmul.f32 v22, v48;
	v19 =	vtrunc.f32 v52  }
0xbb: {  	v20 =	vadd.f32 v25, v29;
	[tilespmem:v30+s0+$0x0] =	vst.idx.add.f32.msk vm4, v4;
	v30 =	vmul.f32 $1.024000000e+03, v24;
	v55 =	vmul.f32 v54, v54  }
0xbc: {  	v60 =	vsub.f32 v57, v35;
	v31 =	vcvt.f32.s32 v19;
	v19 =	vtrunc.f32 v27;
	v27 =	vld [tilespmem:s13+$0x4030]  }
0xbd: {  	v44 =	vld [tilespmem:s10+$0x4020];
	vm4 =	vlt.f32 v28, $1.000000010e-01;
	v26 =	vmul.f32 $1.024000000e+03, v22;
	v29 =	vcvt.f32.s32 v19  }
0xbe: {  	v63 =	vmul.f32 v60, v60;
	v19 =	vadd.f32 v22, v62;
	vm1 =	vlt.s32 v31, $0x3FF  }
0xbf: {  	v56 =	vtrunc.f32 v26;
	v31 =	vnsel vm1, $0x3FF, v31;
	vm1 =	vlt.s32 v29, $0x3FF  }
0xc0: {  	v38 =	vld [tilespmem:s10+$0x8020];
	v26 =	vmul.f32 v55, v53;
	v43 =	vadd.s32 v3, v31;
	v28 =	vnsel vm1, $0x3FF, v29  }
0xc1: {  	v25 =	vld [tilespmem:s9+$0x2030];
	v30 =	vtrunc.f32 v30;
	v27 =	vsub.f32 v27, v51;
	v58 =	vadd.s32 v3, v28  }
0xc2: {  	v32 =	vld [tilespmem:s9+$0x6030];
	v62 =	vsub.f32 v44, v39;
	v34 =	vcvt.f32.s32 v56;
	v28 =	vmul.f32 $1.024000000e+03, v26  }
0xc3: {  	v21 =	vadd.f32 v24, v21;
	v59 =	vcvt.f32.s32 v30;
	v29 =	vld [tilespmem:s9+$0x30];
	v27 =	vmul.f32 v27, v27  }
0xc4: {  	v42 =	vmul.f32 v62, v62;
	v31 =	vld [tilespmem:s9+$0x8030];
	vm6 =	vlt.s32 v34, $0x3FF;
	v28 =	vtrunc.f32 v28  }
0xc5: {  	v61 =	vcvt.f32.s32 v28;
	v30 =	vmul.f32 v53, v27;
	[tilespmem:v43+s31+$0x0] =	vst.idx.add.f32.msk vm5, v4;
	vm5 =	vlt.s32 v59, $0x3FF  }
0xc6: {  	vm1 =	vlt.f32 v39, $1.000000010e-01;
	v37 =	vnsel vm6, $0x3FF, v34;
	[tilespmem:v58+s0+$0x0] =	vst.idx.add.f32.msk vm2, v4;
	v27 =	vnsel vm5, $0x3FF, v59  }
0xc7: {  	vm5 =	vlt.s32 v61, $0x3FF;
	v34 =	vld [tilespmem:s12+$0x6010];
	v39 =	vadd.s32 v3, v27;
	v41 =	vmul.f32 $1.024000000e+03, v30  }
0xc8: {  	s13 =	simm.s32 $0x500;
	v28 =	vnsel vm4, $0x0, v26;
	v36 =	vld [tilespmem:s12+$0x10];
	v27 =	vmul.f32 v63, v38;
	v40 =	vnsel vm5, $0x3FF, v61  }
.LBB2_5:
0xc9: {  	s14 =	sshra.s32 s13, $0x2;
	p2 =	sne.s32 s13, $0x7F00;
	s13 =	sadd.s32 $0x100, s13;
	v43 =	vld [tilespmem:s12+$0x8010];
	v41 =	vtrunc.f32 v41;
	v9 =	vadd.f32 v30, v9;
	v30 =	vnsel vm0, $0x0, v30  }
0xca: {  	v44 =	vld [tilespmem:s12+$0x4010];
	v38 =	vmul.f32 v38, v42;
	v42 =	vmul.f32 $1.024000000e+03, v27;
	v8 =	vadd.f32 v30, v8  }
0xcb: {  	v7 =	vadd.f32 v26, v7;
	v6 =	vadd.f32 v28, v6;
	v41 =	vcvt.f32.s32 v41;
	v30 =	vld [tilespmem:s14+$0x6000]  }
0xcc: {  	[tilespmem:v39+s31+$0x0] =	vst.idx.add.f32.msk vm3, v4;
	v26 =	vmul.f32 $1.024000000e+03, v38;
	v28 =	vtrunc.f32 v42;
	v13 =	vadd.f32 v38, v13  }
0xcd: {  	v40 =	vadd.s32 v3, v40;
	vm5 =	vlt.s32 v41, $0x3FF;
	v39 =	vld [tilespmem:s14+$0x4000];
	v28 =	vcvt.f32.s32 v28  }
0xce: {  	vm6 =	vlt.f32 v35, $1.000000010e-01;
	v35 =	vnsel vm5, $0x3FF, v41;
	v42 =	vld [tilespmem:s14+$0x0];
	v26 =	vtrunc.f32 v26  }
0xcf: {  	v35 =	vadd.s32 v3, v35;
	v41 =	vld [tilespmem:s14+$0x2000];
	v26 =	vcvt.f32.s32 v26;
	vm5 =	vlt.s32 v28, $0x3FF  }
0xd0: {  	v45 =	vnsel vm6, $0x0, v27;
	v38 =	vnsel vm1, $0x0, v38;
	v28 =	vnsel vm5, $0x3FF, v28  }
0xd1: {  	v15 =	vadd.f32 v45, v15;
	v14 =	vadd.f32 v38, v14;
	v46 =	vld [tilespmem:s14+$0x8000];
	vm5 =	vlt.s32 v26, $0x3FF  }
0xd2: {  	v23 =	vnsel vm2, $0x0, v23;
	v16 =	vadd.f32 v27, v16;
	v38 =	vld [tilespmem:s12+$0x2010];
	v26 =	vnsel vm5, $0x3FF, v26  }
0xd3: {  	v27 =	vsub.f32 v39, v42;
	vm5 =	vlt.f32 v42, $1.000000010e-01;
	v26 =	vadd.s32 v3, v26  }
0xd4: {  	v39 =	vnsel vm3, $0x0, v24;
	v24 =	vadd.s32 v3, v28;
	v30 =	vsub.f32 v30, v41;
	[tilespmem:v35+s31+$0x0] =	vst.idx.add.f32.msk vm0, v4  }
0xd5: {  	v17 =	vadd.f32 v23, v17;
	v27 =	vmul.f32 v27, v27;
	[tilespmem:v40+s0+$0x0] =	vst.idx.add.f32.msk vm4, v4  }
0xd6: {  	v28 =	vsub.f32 v44, v36;
	vm0 =	vlt.f32 v33, $1.000000010e-01;
	v23 =	vmul.f32 v30, v30  }
0xd7: {  	v27 =	vmul.f32 v46, v27;
	v30 =	vsub.f32 v34, v38;
	v34 =	vadd.s32 v3, v37;
	v33 =	vmovc v38  }
0xd8: {  	v28 =	vmul.f32 v28, v28;
	v22 =	vnsel vm0, $0x0, v22;
	v23 =	vmul.f32 v23, v46;
	[tilespmem:v26+s31+$0x0] =	vst.idx.add.f32.msk vm1, v4  }
0xd9: {  	v18 =	vadd.f32 v22, v18;
	v26 =	vmul.f32 $1.024000000e+03, v27;
	v30 =	vmul.f32 v30, v30;
	[tilespmem:v24+s0+$0x0] =	vst.idx.add.f32.msk vm6, v4  }
0xda: {  	v22 =	vnsel vm5, $0x0, v27;
	v24 =	vmul.f32 v43, v28;
	v35 =	vmul.f32 $1.024000000e+03, v23;
	v28 =	vld [tilespmem:s10+$0x2030]  }
0xdb: {  	v10 =	vadd.f32 v22, v10;
	v22 =	vmul.f32 v30, v43;
	v30 =	vsub.f32 v32, v25;
	v32 =	vld [tilespmem:s10+$0x6030]  }
0xdc: {  	v11 =	vadd.f32 v27, v11;
	v26 =	vtrunc.f32 v26;
	v27 =	vmul.f32 $1.024000000e+03, v24;
	[tilespmem:v34+s0+$0x0] =	vst.idx.add.f32.msk vm0, v4  }
0xdd: {  	v20 =	vadd.f32 v39, v20;
	v12 =	vadd.f32 v23, v12;
	v26 =	vcvt.f32.s32 v26;
	v34 =	vld [tilespmem:s11+$0x6020]  }
0xde: {  	v21 =	vadd.f32 v24, v21;
	v35 =	vtrunc.f32 v35;
	v37 =	vmul.f32 $1.024000000e+03, v22;
	v39 =	vld [tilespmem:s9+$0x4030];
	s9 =	smov.u32 s10;
	s10 =	smov.u32 s11;
	s11 =	smov.u32 s12  }
0xdf: {  	v40 =	vcvt.f32.s32 v35;
	v19 =	vadd.f32 v22, v19;
	v30 =	vmul.f32 v30, v30;
	s12 =	smov.u32 s14;
	v42 =	vld [tilespmem:s10+$0x20]  }
0xe0: {  	vm0 =	vlt.f32 v29, $1.000000010e-01;
	vm1 =	vlt.s32 v26, $0x3FF;
	v37 =	vtrunc.f32 v37;
	v35 =	vld [tilespmem:s10+$0x2020]  }
0xe1: {  	v43 =	vnsel vm1, $0x3FF, v26;
	vm1 =	vlt.s32 v40, $0x3FF;
	v26 =	vmul.f32 v30, v31;
	v38 =	vld [tilespmem:s10+$0x8020]  }
0xe2: {  	vm2 =	vlt.f32 v41, $1.000000010e-01;
	vm4 =	vlt.f32 v25, $1.000000010e-01;
	v25 =	vmovc v28;
	v30 =	vadd.s32 v3, v43;
	v41 =	vld [tilespmem:s9+$0x30]  }
0xe3: {  	v28 =	vnsel vm1, $0x3FF, v40;
	v37 =	vcvt.f32.s32 v37;
	v40 =	vld [tilespmem:s9+$0x8030];
	v29 =	vsub.f32 v39, v29  }
0xe4: {  	v39 =	vadd.s32 v3, v28;
	v28 =	vmul.f32 $1.024000000e+03, v26;
	v43 =	vld [tilespmem:s10+$0x4020];
	vm1 =	vlt.f32 v42, $1.000000010e-01  }
0xe5: {  	v27 =	vtrunc.f32 v27;
	vm6 =	vlt.s32 v37, $0x3FF;
	v45 =	vmul.f32 v29, v29  }
0xe6: {  	vm3 =	vlt.f32 v36, $1.000000010e-01;
	v27 =	vcvt.f32.s32 v27;
	v28 =	vtrunc.f32 v28  }
.Ltmp3:
0xe7: {  	v37 =	vnsel vm6, $0x3FF, v37;
	v34 =	vsub.f32 v34, v35;
	[tilespmem:v30+s31+$0x0] =	vst.idx.add.f32.msk vm5, v4;
	v30 =	vmul.f32 v31, v45;
	(pc) =	sbr.rel @p2 .LBB2_5-.Ltmp3, $4  }
0xe8: {  	v44 =	vcvt.f32.s32 v28;
	v28 =	vnsel vm4, $0x0, v26;
	vm5 =	vlt.s32 v27, $0x3FF;
	v29 =	vmovc v41;
	v31 =	vmovc v40  }
0xe9: {  	v27 =	vnsel vm5, $0x3FF, v27;
	[tilespmem:v39+s0+$0x0] =	vst.idx.add.f32.msk vm2, v4;
	v40 =	vsub.f32 v43, v42;
	v43 =	vmul.f32 v34, v34  }
0xea: {  	vm5 =	vlt.s32 v44, $0x3FF;
	v39 =	vadd.s32 v3, v27;
	v41 =	vmul.f32 $1.024000000e+03, v30;
	v34 =	vld [tilespmem:s12+$0x6010]  }
0xeb: {  	v36 =	vld [tilespmem:s12+$0x10];
	v42 =	vmul.f32 v40, v40;
	v27 =	vmul.f32 v43, v38;
	v40 =	vnsel vm5, $0x3FF, v44  }
0xec: {  	v43 =	vld [tilespmem:s12+$0x4010]  }
0xed: {  	v44 =	vld [tilespmem:s12+$0x2010];
	_ =	sdelay $0x2  }
0xee: {  	v45 =	vld [tilespmem:s12+$0x8010]  }
0xef: {  	v43 =	vsub.f32 v43, v36  }
0xf0: {  	v34 =	vsub.f32 v34, v44  }
0xf1: {  	v43 =	vmul.f32 v43, v43  }
0xf2: {  	vm5 =	vlt.f32 v33, $1.000000010e-01;
	v61 =	vimm.s32 $0x0;
	v46 =	vmul.f32 v34, v34  }
0xf3: {  	v33 =	vsel vm5, $0xFFFFFFFF, v61;
	v34 =	vmul.f32 v45, v43  }
0xf4: {  	[tilespmem:$0x1FFC0] =	vst v33;
	v33 =	vmul.f32 v46, v45  }
0xf5: {  	v37 =	vadd.s32 v3, v37;
	v43 =	vmul.f32 $1.024000000e+03, v34  }
0xf6: {  	v45 =	vmul.f32 $1.024000000e+03, v33  }
0xf7: {  	v43 =	vtrunc.f32 v43  }
0xf8: {  	v45 =	vtrunc.f32 v45;
	v43 =	vcvt.f32.s32 v43  }
0xf9: {  	v48 =	vimm.s32 $0x0;
	[tilespmem:v39+s31+$0x0] =	vst.idx.add.f32.msk vm3, v4;
	vm7 =	vlt.f32 v36, $1.000000010e-01;
	v62 =	vcvt.f32.s32 v45  }
0xfa: {  	v50 =	vimm.s32 $0x0;
	v36 =	vsel vm7, $0xFFFFFFFF, v48;
	[tilespmem:v37+s0+$0x0] =	vst.idx.add.f32.msk vm5, v4;
	vm5 =	vlt.s32 v43, $0x3FF  }
0xfb: {  	v63 =	vld [tilespmem:s11+$0x20];
	[tilespmem:$0x1FFD0] =	vst v36;
	vm6 =	vlt.s32 v62, $0x3FF;
	v49 =	vnsel vm5, $0x3FF, v43;
	vm5 =	vlt.f32 v44, $1.000000010e-01  }
0xfc: {  	v37 =	vld [tilespmem:s11+$0x4020];
	v39 =	vnsel vm6, $0x3FF, v62;
	v36 =	vadd.s32 v3, v49;
	v43 =	vsel vm5, $0xFFFFFFFF, v50  }
0xfd: {  	v51 =	vadd.s32 v3, v39;
	[tilespmem:$0x1FFE0] =	vst v43  }
0xfe: {  	v43 =	vld [tilespmem:s11+$0x6020]  }
0xff: {  	v52 =	vld [tilespmem:s11+$0x2020]  }
0x100: {  	v39 =	vmul.f32 v38, v42;
	v47 =	vld [tilespmem:s11+$0x8020]  }
0x101: {  	v53 =	vmul.f32 $1.024000000e+03, v27;
	v37 =	vsub.f32 v37, v63;
	[tilespmem:v36+s31+$0x0] =	vst.idx.add.f32.msk vm7, v4  }
0x102: {  	v54 =	vmul.f32 $1.024000000e+03, v39;
	[tilespmem:v51+s0+$0x0] =	vst.idx.add.f32.msk vm5, v4  }
0x103: {  	v37 =	vmul.f32 v37, v37;
	v38 =	vtrunc.f32 v53;
	v44 =	vld [tilespmem:s12+$0x6020]  }
0x104: {  	v55 =	vcvt.f32.s32 v38;
	v56 =	vtrunc.f32 v54;
	v43 =	vsub.f32 v43, v52;
	v46 =	vld [tilespmem:s12+$0x20]  }
0x105: {  	v38 =	vcvt.f32.s32 v56;
	v48 =	vld [tilespmem:s12+$0x4020]  }
0x106: {  	vm5 =	vlt.s32 v55, $0x3FF;
	v37 =	vmul.f32 v47, v37;
	v49 =	vld [tilespmem:s12+$0x2020];
	v43 =	vmul.f32 v43, v43  }
0x107: {  	vm10 =	vlt.f32 v35, $1.000000010e-01;
	vm6 =	vlt.s32 v38, $0x3FF;
	v57 =	vnsel vm5, $0x3FF, v55  }
0x108: {  	v58 =	vnsel vm6, $0x3FF, v38;
	v59 =	vmul.f32 $1.024000000e+03, v37;
	v36 =	vmul.f32 v43, v47  }
0x109: {  	v32 =	vsub.f32 v32, v25;
	v50 =	vld [tilespmem:s12+$0x8020];
	v35 =	vadd.s32 v3, v57;
	v38 =	vadd.s32 v3, v58  }
0x10a: {  	v43 =	vtrunc.f32 v59;
	v48 =	vsub.f32 v48, v46;
	v47 =	vmul.f32 $1.024000000e+03, v36  }
0x10b: {  	v32 =	vmul.f32 v32, v32;
	v43 =	vcvt.f32.s32 v43;
	v44 =	vsub.f32 v44, v49  }
0x10c: {  	v60 =	vmul.f32 v48, v48;
	v47 =	vtrunc.f32 v47  }
0x10d: {  	vm11 =	vlt.f32 v63, $1.000000010e-01;
	v63 =	vld [tilespmem:s9+$0x4030];
	v62 =	vmul.f32 v44, v44;
	v47 =	vcvt.f32.s32 v47  }
0x10e: {  	vm12 =	vlt.f32 v52, $1.000000010e-01;
	[tilespmem:v38+s31+$0x0] =	vst.idx.add.f32.msk vm1, v4;
	vm5 =	vlt.s32 v43, $0x3FF;
	v38 =	vmul.f32 v50, v60  }
0x10f: {  	[tilespmem:v35+s0+$0x0] =	vst.idx.add.f32.msk vm10, v4;
	v61 =	vnsel vm5, $0x3FF, v43;
	v35 =	vmul.f32 v62, v50;
	vm5 =	vlt.s32 v47, $0x3FF  }
0x110: {  	v56 =	vadd.s32 v3, v61;
	v48 =	vld [tilespmem:s10+$0x2030];
	v59 =	vmul.f32 $1.024000000e+03, v38;
	v57 =	vnsel vm5, $0x3FF, v47  }
0x111: {  	v41 =	vtrunc.f32 v41;
	v58 =	vld [tilespmem:s10+$0x6030];
	v51 =	vmul.f32 $1.024000000e+03, v35;
	v42 =	vadd.s32 v3, v57  }
0x112: {  	v32 =	vmul.f32 v32, v31;
	v50 =	vld [tilespmem:s10+$0x30];
	v47 =	vtrunc.f32 v59  }
0x113: {  	v52 =	vld [tilespmem:s10+$0x8030];
	v60 =	vtrunc.f32 v51;
	v47 =	vcvt.f32.s32 v47  }
0x114: {  	v55 =	vimm.s32 $0x0;
	v44 =	vsub.f32 v63, v29;
	v61 =	vld [tilespmem:s10+$0x4030];
	v45 =	vcvt.f32.s32 v60  }
0x115: {  	vm9 =	vlt.f32 v46, $1.000000010e-01;
	vm7 =	vlt.f32 v49, $1.000000010e-01;
	[tilespmem:v56+s31+$0x0] =	vst.idx.add.f32.msk vm11, v4;
	vm5 =	vlt.s32 v47, $0x3FF  }
0x116: {  	v44 =	vmul.f32 v44, v44;
	vm6 =	vlt.s32 v45, $0x3FF;
	v62 =	vnsel vm5, $0x3FF, v47;
	[tilespmem:v42+s0+$0x0] =	vst.idx.add.f32.msk vm12, v4  }
0x117: {  	v47 =	vsel vm7, $0xFFFFFFFF, v55;
	v45 =	vnsel vm6, $0x3FF, v45;
	v42 =	vadd.s32 v3, v62;
	v53 =	vld [tilespmem:s11+$0x2030]  }
0x118: {  	v44 =	vmul.f32 v31, v44;
	v43 =	vsub.f32 v58, v48;
	v31 =	vadd.s32 v3, v45;
	v63 =	vld [tilespmem:s11+$0x6030];
	[tilespmem:$0x1FFF0] =	vst v47  }
0x119: {  	v41 =	vcvt.f32.s32 v41;
	v57 =	vsub.f32 v61, v50;
	v49 =	vld [tilespmem:s11+$0x30]  }
0x11a: {  	v40 =	vadd.s32 v3, v40;
	v56 =	vmul.f32 $1.024000000e+03, v32;
	v43 =	vmul.f32 v43, v43;
	v58 =	vld [tilespmem:s11+$0x4030]  }
0x11b: {  	v54 =	vmul.f32 $1.024000000e+03, v44;
	vm5 =	vlt.s32 v41, $0x3FF;
	v45 =	vmul.f32 v57, v57;
	v55 =	vld [tilespmem:s11+$0x8030]  }
0x11c: {  	v46 =	vnsel vm5, $0x3FF, v41;
	v41 =	vmul.f32 v43, v52;
	v47 =	vtrunc.f32 v56;
	[tilespmem:v42+s31+$0x0] =	vst.idx.add.f32.msk vm9, v4  }
0x11d: {  	v54 =	vtrunc.f32 v54;
	v47 =	vcvt.f32.s32 v47;
	v59 =	vsub.f32 v63, v53;
	[tilespmem:v31+s0+$0x0] =	vst.idx.add.f32.msk vm7, v4  }
0x11e: {  	vm8 =	vlt.f32 v50, $1.000000010e-01;
	v43 =	vmul.f32 v52, v45;
	v61 =	vmul.f32 $1.024000000e+03, v41;
	v52 =	vld [tilespmem:s12+$0x30]  }
0x11f: {  	v46 =	vadd.s32 v3, v46;
	v60 =	vsub.f32 v58, v49;
	v56 =	vld [tilespmem:s12+$0x4030];
	v31 =	vmul.f32 v59, v59  }
0x120: {  	v45 =	vcvt.f32.s32 v54;
	vm5 =	vlt.s32 v47, $0x3FF;
	v63 =	vtrunc.f32 v61;
	v57 =	vld [tilespmem:s12+$0x2030]  }
0x121: {  	vm7 =	vlt.f32 v29, $1.000000010e-01;
	v61 =	vld [tilespmem:s12+$0x6030];
	v29 =	vmul.f32 v31, v55;
	v31 =	vmul.f32 v60, v60  }
0x122: {  	v62 =	vmul.f32 $1.024000000e+03, v43;
	v47 =	vnsel vm5, $0x3FF, v47;
	vm5 =	vlt.s32 v45, $0x3FF  }
0x123: {  	v45 =	vnsel vm5, $0x3FF, v45;
	v42 =	vcvt.f32.s32 v63;
	v31 =	vmul.f32 v55, v31;
	v55 =	vld [tilespmem:s12+$0x8030]  }
0x124: {  	v47 =	vadd.s32 v3, v47;
	v45 =	vadd.s32 v3, v45;
	v56 =	vsub.f32 v56, v52  }
0x125: {  	vm5 =	vlt.s32 v42, $0x3FF;
	v60 =	vtrunc.f32 v62;
	v58 =	vmul.f32 $1.024000000e+03, v29  }
0x126: {  	v51 =	vcvt.f32.s32 v60;
	v54 =	vsub.f32 v61, v57;
	v56 =	vmul.f32 v56, v56  }
0x127: {  	v60 =	vnsel vm5, $0x3FF, v42;
	v58 =	vtrunc.f32 v58;
	v59 =	vmul.f32 $1.024000000e+03, v31  }
0x128: {  	vm5 =	vlt.f32 v25, $1.000000010e-01;
	v54 =	vmul.f32 v54, v54;
	v42 =	vmul.f32 v55, v56  }
0x129: {  	vm6 =	vlt.s32 v51, $0x3FF;
	v58 =	vcvt.f32.s32 v58;
	v59 =	vtrunc.f32 v59  }
0x12a: {  	v51 =	vnsel vm6, $0x3FF, v51;
	v25 =	vmul.f32 v54, v55;
	v62 =	vmul.f32 $1.024000000e+03, v42  }
0x12b: {  	vm15 =	vlt.f32 v49, $1.000000010e-01;
	v51 =	vadd.s32 v3, v51;
	v59 =	vcvt.f32.s32 v59  }
0x12c: {  	vm6 =	vlt.s32 v58, $0x3FF;
	v63 =	vmul.f32 $1.024000000e+03, v25;
	v54 =	vtrunc.f32 v62  }
0x12d: {  	v56 =	vnsel vm6, $0x3FF, v58;
	vm6 =	vlt.s32 v59, $0x3FF;
	v54 =	vcvt.f32.s32 v54  }
0x12e: {  	v55 =	vnsel vm6, $0x3FF, v59;
	vm6 =	vlt.f32 v48, $1.000000010e-01;
	v50 =	vtrunc.f32 v63  }
0x12f: {  	[tilespmem:v46+s31+$0x0] =	vst.idx.add.f32.msk vm0, v4;
	v61 =	vadd.s32 v3, v60;
	v62 =	vcvt.f32.s32 v50;
	vm13 =	vlt.s32 v54, $0x3FF  }
0x130: {  	vm14 =	vlt.f32 v53, $1.000000010e-01;
	[tilespmem:v40+s0+$0x0] =	vst.idx.add.f32.msk vm4, v4;
	v63 =	vnsel vm13, $0x3FF, v54;
	v54 =	vadd.s32 v3, v55  }
0x131: {  	[tilespmem:v45+s31+$0x0] =	vst.idx.add.f32.msk vm7, v4;
	vm4 =	vlt.f32 v52, $1.000000010e-01;
	v55 =	vadd.s32 v3, v56;
	vm13 =	vlt.s32 v62, $0x3FF  }
0x132: {  	[tilespmem:v47+s0+$0x0] =	vst.idx.add.f32.msk vm5, v4;
	v46 =	vnsel vm13, $0x3FF, v62;
	v40 =	vadd.s32 v3, v63;
	vm13 =	vlt.f32 v57, $1.000000010e-01  }
0x133: {  	[tilespmem:v51+s31+$0x0] =	vst.idx.add.f32.msk vm8, v4;
	v46 =	vadd.s32 v3, v46  }
0x134: {  	[tilespmem:v61+s0+$0x0] =	vst.idx.add.f32.msk vm6, v4  }
0x135: {  	[tilespmem:v54+s31+$0x0] =	vst.idx.add.f32.msk vm15, v4  }
0x136: {  	[tilespmem:v55+s0+$0x0] =	vst.idx.add.f32.msk vm14, v4  }
0x137: {  	[tilespmem:v40+s31+$0x0] =	vst.idx.add.f32.msk vm4, v4  }
0x138: {  	[tilespmem:v46+s0+$0x0] =	vst.idx.add.f32.msk vm13, v4  }
0x139: {  	_ =	swait.ge [sflag:s4], $0x2000  }
0x13a: {  	[sflag:s4] =	ssyncset.done $0x0  }
0x13b: {  	[sflag:s4] =	ssyncadd.s32 $0xFFFFE000  }
0x13c: {  	_ =	swait.ge [sflag:s4], $0x2000  }
0x13d: {  	[sflag:s4] =	ssyncset.done $0x0  }
0x13e: {  	[sflag:s4] =	ssyncadd.s32 $0xFFFFE000  }
0x13f: {  	_ =	swait.ge [sflag:s4], $0x2000  }
0x140: {  	[sflag:s4] =	ssyncset.done $0x0  }
0x141: {  	[sflag:s4] =	ssyncadd.s32 $0xFFFFE000  }
0x142: {  	_ =	swait.ge [sflag:s4], $0x2000  }
0x143: {  	[sflag:s4] =	ssyncset.done $0x0  }
0x144: {  	p2 =	seq.s32 s22, $0x7;
	[sflag:s4] =	ssyncadd.s32 $0xFFFFE000  }
0x145: {  	s9 =	sshrl.u32 @!p2 s18, $0x3;
	_ =	swait.ge [sflag:s4], $0x2000  }
0x146: {  	s9 =	sadd.s32 @!p2 $0x800, s9;
	[sflag:s4] =	ssyncset.done $0x0  }
0x147: {  	s10 =	sadd.s32 @!p2 s2, s9;
	s11 =	simm.s32 @!p2 $0x0;
	[sflag:s4] =	ssyncadd.s32 $0xFFFFE000  }
0x148: {  	[tilespmem:s11], [sflag:$0x1] =	stream.linear.gather @!p2 [hbm4b:s10+s11], $0x2000, $0x38;
	[tilespmem:$0x1E280] =	vst v63  }
0x149: {  	s12 =	simm.s32 @!p2 $0x2000;
	s10 =	sadd.s32 @!p2 s3, s9  }
0x14a: {  	[tilespmem:s12], [sflag:$0x1] =	stream.linear.gather @!p2 [hbm4b:s10+s11], $0x2000, $0x38;
	[tilespmem:$0x1E280] =	vst v63  }
0x14b: {  	s10 =	sadd.s32 @!p2 s5, s9;
	s12 =	simm.s32 @!p2 $0x4000  }
0x14c: {  	[tilespmem:s12], [sflag:$0x1] =	stream.linear.gather @!p2 [hbm4b:s10+s11], $0x2000, $0x38;
	[tilespmem:$0x1E280] =	vst v63  }
0x14d: {  	s10 =	sadd.s32 @!p2 s6, s9;
	s12 =	simm.s32 @!p2 $0x6000  }
0x14e: {  	[tilespmem:s12], [sflag:$0x1] =	stream.linear.gather @!p2 [hbm4b:s10+s11], $0x2000, $0x38;
	[tilespmem:$0x1E280] =	vst v63  }
0x14f: {  	s14 =	simm.s32 $0x0;
	s9 =	sadd.s32 @!p2 s7, s9;
	s10 =	simm.s32 @!p2 $0x8000  }
0x150: {  	[tilespmem:s10], [sflag:$0x1] =	stream.linear.gather @!p2 [hbm4b:s9+s11], $0x2000, $0x38;
	[tilespmem:$0x1E280] =	vst v63  }
0x151: {  	v56 =	vld [tilespmem:s14+$0x10000]  }
0x152: {  	v57 =	vld [tilespmem:s14+$0xE000]  }
0x153: {  	v46 =	vld [tilespmem:s14+$0xA000]  }
0x154: {  	v47 =	vld [tilespmem:s14+$0xC000];
	_ =	sdelay $0x3  }
0x155: {  	v9 =	vadd.f32 v30, v9;
	v7 =	vadd.f32 v26, v7;
	v59 =	vld [tilespmem:s14+$0x12000]  }
0x156: {  	v23 =	vnsel vm2, $0x0, v23;
	v45 =	vsub.f32 v57, v46;
	v40 =	vsub.f32 v56, v47  }
0x157: {  	v24 =	vnsel vm3, $0x0, v24;
	v6 =	vadd.f32 v28, v6;
	v16 =	vadd.f32 v27, v16;
	v62 =	vld [tilespmem:$0x1FFC0]  }
0x158: {  	v17 =	vadd.f32 v23, v17;
	v45 =	vmul.f32 v45, v45;
	v40 =	vmul.f32 v40, v40  }
0x159: {  	v20 =	vadd.f32 v24, v20;
	v7 =	vadd.f32 v32, v7;
	v60 =	vnsel vm1, $0x0, v39  }
0x15a: {  	v58 =	vnsel vm0, $0x0, v30;
	v30 =	vmul.f32 v59, v45;
	v26 =	vmul.f32 v40, v59;
	v59 =	vld [tilespmem:$0x1FFD0]  }
0x15b: {  	v13 =	vadd.f32 v39, v13;
	v14 =	vadd.f32 v60, v14;
	v60 =	vld [tilespmem:$0x1FFE0]  }
0x15c: {  	v21 =	vadd.f32 v34, v21;
	vm0 =	vnez.u8 v62;
	v28 =	vmul.f32 $1.024000000e+03, v30  }
0x15d: {  	v13 =	vadd.f32 v37, v13;
	v22 =	vnsel vm0, $0x0, v22;
	v57 =	vmul.f32 $1.024000000e+03, v26  }
0x15e: {  	v8 =	vadd.f32 v58, v8;
	v18 =	vadd.f32 v22, v18;
	s9 =	simm.s32 $0x40;
	v23 =	vtrunc.f32 v28  }
0x15f: {  	v58 =	vld [tilespmem:s9+$0x10000];
	v22 =	vcvt.f32.s32 v23;
	v23 =	vtrunc.f32 v57;
	vm0 =	vnez.u8 v59  }
0x160: {  	v24 =	vld [tilespmem:s9+$0xC000];
	v23 =	vcvt.f32.s32 v23;
	v34 =	vnsel vm0, $0x0, v34;
	vm0 =	vnez.u8 v60  }
0x161: {  	v61 =	vnsel vm10, $0x0, v27;
	v39 =	vnsel vm0, $0x0, v33;
	vm0 =	vlt.s32 v22, $0x3FF  }
0x162: {  	v27 =	vld [tilespmem:s9+$0xE000];
	vm1 =	vlt.f32 v46, $1.000000010e-01;
	v22 =	vnsel vm0, $0x3FF, v22;
	vm0 =	vlt.s32 v23, $0x3FF  }
0x163: {  	v28 =	vld [tilespmem:s9+$0xA000];
	v23 =	vnsel vm0, $0x3FF, v23;
	vm0 =	vlt.f32 v47, $1.000000010e-01;
	v22 =	vadd.s32 v3, v22  }
0x164: {  	v9 =	vadd.f32 v44, v9;
	v15 =	vadd.f32 v61, v15;
	v61 =	vld [tilespmem:s9+$0x12000];
	v23 =	vadd.s32 v3, v23  }
0x165: {  	v7 =	vadd.f32 v41, v7;
	v40 =	vsub.f32 v58, v24  }
0x166: {  	v9 =	vadd.f32 v43, v9;
	v52 =	vnsel vm5, $0x0, v32;
	v63 =	vnsel vm7, $0x0, v44  }
0x167: {  	v6 =	vadd.f32 v52, v6;
	v8 =	vadd.f32 v63, v8;
	v63 =	vmul.f32 v40, v40  }
0x168: {  	v9 =	vadd.f32 v31, v9;
	v44 =	vnsel vm8, $0x0, v43;
	v27 =	vsub.f32 v27, v28;
	[tilespmem:v22+s31+$0x0] =	vst.idx.add.f32.msk vm1, v4  }
0x169: {  	v53 =	vnsel vm15, $0x0, v31;
	v8 =	vadd.f32 v44, v8;
	[tilespmem:v23+s0+$0x0] =	vst.idx.add.f32.msk vm0, v4;
	v23 =	vmul.f32 v63, v61  }
0x16a: {  	v54 =	vnsel vm11, $0x0, v37;
	v55 =	vnsel vm12, $0x0, v36;
	v27 =	vmul.f32 v27, v27  }
0x16b: {  	v14 =	vadd.f32 v54, v14;
	v47 =	vadd.f32 v36, v16;
	v48 =	vld [tilespmem:s14+$0xA010];
	v16 =	vmul.f32 $1.024000000e+03, v23  }
0x16c: {  	v8 =	vadd.f32 v53, v8;
	v62 =	vnsel vm6, $0x0, v41;
	v22 =	vmul.f32 v61, v27;
	v49 =	vld [tilespmem:s14+$0xE010]  }
0x16d: {  	v6 =	vadd.f32 v62, v6;
	v51 =	vtrunc.f32 v16;
	v16 =	vadd.f32 v38, v13;
	v13 =	vld [tilespmem:$0x1FFF0]  }
0x16e: {  	v46 =	vadd.f32 v55, v15;
	v56 =	vnsel vm14, $0x0, v29;
	v15 =	vmul.f32 $1.024000000e+03, v22;
	v50 =	vld [tilespmem:s14+$0x10010]  }
0x16f: {  	v29 =	vadd.f32 v29, v7;
	v58 =	vadd.f32 v56, v6;
	v6 =	vnsel vm4, $0x0, v42;
	v52 =	vld [tilespmem:s14+$0xC010]  }
0x170: {  	v7 =	vadd.f32 v42, v9;
	v9 =	vadd.f32 v6, v8;
	v15 =	vtrunc.f32 v15  }
0x171: {  	v20 =	vadd.f32 v34, v20;
	vm3 =	vlt.f32 v28, $1.000000010e-01;
	v15 =	vcvt.f32.s32 v15  }
0x172: {  	v27 =	vnsel vm9, $0x0, v38;
	v37 =	vcvt.f32.s32 v51;
	vm2 =	vnez.u8 v13  }
0x173: {  	v28 =	vld [tilespmem:s14+$0x12010];
	v34 =	vsub.f32 v49, v48;
	v13 =	vnsel vm2, $0x0, v35;
	vm2 =	vlt.s32 v15, $0x3FF  }
0x174: {  	v54 =	vsub.f32 v50, v52;
	v15 =	vnsel vm2, $0x3FF, v15;
	vm2 =	vlt.s32 v37, $0x3FF  }
0x175: {  	s10 =	simm.s32 $0xC0;
	v37 =	vnsel vm2, $0x3FF, v37;
	vm2 =	vlt.f32 v24, $1.000000010e-01;
	v24 =	vadd.s32 v3, v15  }
0x176: {  	s18 =	simm.s32 $0x80;
	v44 =	vld [tilespmem:s10+$0x10000];
	v55 =	vmul.f32 v34, v34;
	v15 =	vadd.f32 v27, v14;
	v27 =	vadd.s32 v3, v37  }
0x177: {  	v6 =	vadd.f32 v25, v29;
	v29 =	vnsel vm1, $0x0, v30;
	v11 =	vadd.f32 v30, v11;
	v30 =	vld [tilespmem:s18+$0xE000]  }
0x178: {  	v49 =	vld [tilespmem:s10+$0xC000];
	v31 =	vmul.f32 v54, v54;
	v57 =	vmul.f32 v28, v55  }
0x179: {  	v19 =	vadd.f32 v33, v19;
	v14 =	vadd.f32 v13, v46;
	v46 =	vld [tilespmem:s10+$0xE000]  }
0x17a: {  	v12 =	vadd.f32 v26, v12;
	[tilespmem:v24+s31+$0x0] =	vst.idx.add.f32.msk vm3, v4;
	v24 =	vmul.f32 v31, v28;
	v28 =	vmul.f32 $1.024000000e+03, v57  }
0x17b: {  	v10 =	vadd.f32 v29, v10;
	v26 =	vnsel vm0, $0x0, v26;
	v60 =	vnsel vm3, $0x0, v22;
	[tilespmem:v27+s0+$0x0] =	vst.idx.add.f32.msk vm2, v4  }
0x17c: {  	v11 =	vadd.f32 v22, v11;
	v27 =	vnsel vm13, $0x0, v25;
	v25 =	vld [tilespmem:s9+$0x10010];
	v28 =	vtrunc.f32 v28  }
0x17d: {  	v31 =	vmul.f32 $1.024000000e+03, v24;
	v8 =	vadd.f32 v27, v58;
	v22 =	vld [tilespmem:s9+$0xC010];
	v27 =	vcvt.f32.s32 v28  }
0x17e: {  	v18 =	vadd.f32 v39, v18;
	v17 =	vadd.f32 v26, v17;
	v28 =	vld [tilespmem:s18+$0x10000]  }
0x17f: {  	v10 =	vadd.f32 v60, v10;
	v29 =	vtrunc.f32 v31;
	v31 =	vld [tilespmem:s18+$0xA000];
	vm0 =	vlt.s32 v27, $0x3FF  }
0x180: {  	vm1 =	vlt.f32 v48, $1.000000010e-01;
	v13 =	vadd.f32 v35, v47;
	v26 =	vnsel vm0, $0x3FF, v27;
	v27 =	vld [tilespmem:s18+$0xC000]  }
0x181: {  	v47 =	vld [tilespmem:s10+$0xA000];
	v35 =	vsub.f32 v44, v49;
	v29 =	vcvt.f32.s32 v29;
	v26 =	vadd.s32 v3, v26  }
0x182: {  	v62 =	vld [tilespmem:s18+$0x12000];
	v12 =	vadd.f32 v23, v12;
	v21 =	vadd.f32 v57, v21;
	v23 =	vnsel vm2, $0x0, v23  }
0x183: {  	v17 =	vadd.f32 v23, v17;
	v35 =	vmul.f32 v35, v35;
	v59 =	vld [tilespmem:s9+$0xA010];
	vm0 =	vlt.s32 v29, $0x3FF  }
0x184: {  	vm3 =	vlt.f32 v52, $1.000000010e-01;
	v63 =	vld [tilespmem:s9+$0x12010];
	v29 =	vnsel vm0, $0x3FF, v29;
	v30 =	vsub.f32 v30, v31  }
0x185: {  	v61 =	vld [tilespmem:s9+$0xE010];
	v25 =	vsub.f32 v25, v22;
	v29 =	vadd.s32 v3, v29;
	v28 =	vsub.f32 v28, v27  }
0x186: {  	v50 =	vsub.f32 v46, v47;
	[tilespmem:v26+s31+$0x0] =	vst.idx.add.f32.msk vm1, v4;
	v26 =	vmul.f32 v30, v30  }
0x187: {  	v19 =	vadd.f32 v24, v19;
	v25 =	vmul.f32 v25, v25;
	v23 =	vmul.f32 v28, v28  }
0x188: {  	v24 =	vnsel vm3, $0x0, v24;
	v37 =	vmul.f32 v50, v50;
	v26 =	vmul.f32 v62, v26  }
0x189: {  	v18 =	vadd.f32 v24, v18;
	v25 =	vmul.f32 v25, v63;
	v23 =	vmul.f32 v23, v62  }
0x18a: {  	vm0 =	vlt.f32 v31, $1.000000010e-01;
	v28 =	vsub.f32 v61, v59;
	[tilespmem:v29+s0+$0x0] =	vst.idx.add.f32.msk vm3, v4;
	v31 =	vmul.f32 $1.024000000e+03, v26  }
0x18b: {  	vm2 =	vlt.f32 v59, $1.000000010e-01;
	v36 =	vmul.f32 $1.024000000e+03, v25;
	v29 =	vld [tilespmem:s14+$0x10020];
	v38 =	vmul.f32 $1.024000000e+03, v23  }
0x18c: {  	v30 =	vnsel vm1, $0x0, v57;
	v28 =	vmul.f32 v28, v28;
	v24 =	vld [tilespmem:s14+$0xC020];
	v31 =	vtrunc.f32 v31  }
0x18d: {  	v20 =	vadd.f32 v30, v20;
	v40 =	vld [tilespmem:s14+$0xA020];
	v31 =	vcvt.f32.s32 v31;
	v32 =	vtrunc.f32 v38  }
0x18e: {  	v19 =	vadd.f32 v25, v19;
	vm3 =	vlt.f32 v27, $1.000000010e-01;
	v41 =	vld [tilespmem:s14+$0xE020];
	v30 =	vcvt.f32.s32 v32  }
0x18f: {  	v39 =	vnsel vm0, $0x0, v26;
	v28 =	vmul.f32 v63, v28;
	vm1 =	vlt.s32 v31, $0x3FF  }
0x190: {  	v11 =	vadd.f32 v26, v11;
	v31 =	vnsel vm1, $0x3FF, v31;
	vm1 =	vlt.s32 v30, $0x3FF  }
0x191: {  	v26 =	vmul.f32 $1.024000000e+03, v28;
	v27 =	vadd.s32 v3, v31;
	v30 =	vnsel vm1, $0x3FF, v30  }
0x192: {  	v42 =	vld [tilespmem:s14+$0x12020];
	v43 =	vtrunc.f32 v36;
	v10 =	vadd.f32 v39, v10;
	v30 =	vadd.s32 v3, v30  }
0x193: {  	v29 =	vsub.f32 v29, v24;
	v26 =	vtrunc.f32 v26;
	v31 =	vsub.f32 v41, v40  }
0x194: {  	v12 =	vadd.f32 v23, v12;
	v32 =	vcvt.f32.s32 v43;
	v26 =	vcvt.f32.s32 v26  }
0x195: {  	v23 =	vnsel vm3, $0x0, v23;
	v29 =	vmul.f32 v29, v29;
	v31 =	vmul.f32 v31, v31  }
0x196: {  	vm4 =	vlt.s32 v32, $0x3FF;
	vm1 =	vlt.f32 v40, $1.000000010e-01;
	vm5 =	vlt.s32 v26, $0x3FF;
	[tilespmem:v27+s31+$0x0] =	vst.idx.add.f32.msk vm0, v4  }
0x197: {  	v32 =	vnsel vm4, $0x3FF, v32;
	v26 =	vnsel vm5, $0x3FF, v26;
	v31 =	vmul.f32 v42, v31;
	[tilespmem:v30+s0+$0x0] =	vst.idx.add.f32.msk vm3, v4  }
0x198: {  	v29 =	vmul.f32 v29, v42;
	vm5 =	vlt.f32 v22, $1.000000010e-01;
	v26 =	vadd.s32 v3, v26;
	v30 =	vld [tilespmem:s18+$0xA010]  }
0x199: {  	v27 =	vmul.f32 $1.024000000e+03, v31;
	v16 =	vadd.f32 v31, v16;
	v31 =	vnsel vm1, $0x0, v31;
	v22 =	vld [tilespmem:s18+$0x10010]  }
0x19a: {  	v32 =	vadd.s32 v3, v32;
	v45 =	vmul.f32 $1.024000000e+03, v29;
	v15 =	vadd.f32 v31, v15;
	v31 =	vld [tilespmem:s18+$0xC010]  }
0x19b: {  	v23 =	vadd.f32 v23, v17;
	vm0 =	vlt.f32 v24, $1.000000010e-01;
	v24 =	vtrunc.f32 v27;
	v27 =	vld [tilespmem:s10+$0x12000]  }
0x19c: {  	v21 =	vadd.f32 v28, v21;
	v28 =	vnsel vm2, $0x0, v28;
	v48 =	vtrunc.f32 v45;
	v51 =	vld [tilespmem:s18+$0xE010]  }
0x19d: {  	v20 =	vadd.f32 v28, v20;
	v25 =	vnsel vm5, $0x0, v25;
	v34 =	vcvt.f32.s32 v48;
	v53 =	vld [tilespmem:s18+$0x12010]  }
0x19e: {  	v13 =	vadd.f32 v29, v13;
	v58 =	vadd.f32 v25, v18;
	v52 =	vnsel vm0, $0x0, v29;
	[tilespmem:v26+s31+$0x0] =	vst.idx.add.f32.msk vm2, v4  }
0x19f: {  	v14 =	vadd.f32 v52, v14;
	vm4 =	vlt.s32 v34, $0x3FF;
	v24 =	vcvt.f32.s32 v24;
	[tilespmem:v32+s0+$0x0] =	vst.idx.add.f32.msk vm5, v4  }
0x1a0: {  	v34 =	vnsel vm4, $0x3FF, v34;
	v32 =	vld [tilespmem:s9+$0x10020];
	v22 =	vsub.f32 v22, v31;
	v37 =	vmul.f32 v27, v37  }
0x1a1: {  	v54 =	vadd.s32 v3, v34;
	v56 =	vld [tilespmem:s9+$0xC020];
	vm4 =	vlt.s32 v24, $0x3FF;
	v27 =	vmul.f32 v35, v27  }
0x1a2: {  	v24 =	vnsel vm4, $0x3FF, v24;
	v22 =	vmul.f32 v22, v22;
	v29 =	vmul.f32 $1.024000000e+03, v37  }
0x1a3: {  	vm4 =	vlt.f32 v47, $1.000000010e-01;
	v26 =	vsub.f32 v51, v30;
	v55 =	vmul.f32 $1.024000000e+03, v27  }
0x1a4: {  	vm2 =	vlt.f32 v30, $1.000000010e-01;
	v39 =	vmul.f32 v22, v53;
	v29 =	vtrunc.f32 v29  }
0x1a5: {  	v57 =	vld [tilespmem:s9+$0xA020];
	v24 =	vadd.s32 v3, v24;
	v26 =	vmul.f32 v26, v26;
	v17 =	vcvt.f32.s32 v29  }
0x1a6: {  	v18 =	vld [tilespmem:s9+$0xE020];
	v32 =	vsub.f32 v32, v56;
	v29 =	vtrunc.f32 v55;
	v59 =	vmul.f32 $1.024000000e+03, v39  }
0x1a7: {  	v60 =	vadd.f32 v27, v12;
	v26 =	vmul.f32 v53, v26;
	v29 =	vcvt.f32.s32 v29  }
0x1a8: {  	s11 =	simm.s32 $0x100;
	v22 =	vld [tilespmem:s9+$0x12020];
	v28 =	vadd.f32 v39, v19;
	vm3 =	vlt.s32 v17, $0x3FF;
	v12 =	vtrunc.f32 v59  }
0x1a9: {  	v63 =	vld [tilespmem:s11+$0xA000];
	v17 =	vnsel vm3, $0x3FF, v17;
	vm5 =	vlt.s32 v29, $0x3FF;
	vm3 =	vlt.f32 v49, $1.000000010e-01  }
0x1aa: {  	v45 =	vld [tilespmem:s11+$0xC000];
	v17 =	vadd.s32 v3, v17;
	v25 =	vnsel vm5, $0x3FF, v29;
	v29 =	vnsel vm4, $0x0, v37  }
0x1ab: {  	v19 =	vld [tilespmem:s11+$0x10000];
	v37 =	vadd.f32 v37, v11;
	v11 =	vsub.f32 v18, v57;
	v18 =	vmul.f32 v32, v32  }
0x1ac: {  	[tilespmem:v24+s31+$0x0] =	vst.idx.add.f32.msk vm1, v4;
	v25 =	vadd.s32 v3, v25;
	v10 =	vadd.f32 v29, v10;
	v29 =	vmul.f32 $1.024000000e+03, v26  }
0x1ad: {  	v48 =	vld [tilespmem:s11+$0x12000];
	v21 =	vadd.f32 v26, v21;
	v11 =	vmul.f32 v11, v11;
	v18 =	vmul.f32 v18, v22  }
0x1ae: {  	vm1 =	vlt.f32 v57, $1.000000010e-01;
	[tilespmem:v54+s0+$0x0] =	vst.idx.add.f32.msk vm0, v4;
	v12 =	vcvt.f32.s32 v12;
	v24 =	vtrunc.f32 v29  }
0x1af: {  	vm0 =	vlt.f32 v31, $1.000000010e-01;
	v50 =	vld [tilespmem:s14+$0x10030];
	v11 =	vmul.f32 v22, v11;
	v22 =	vmul.f32 $1.024000000e+03, v18  }
0x1b0: {  	v19 =	vsub.f32 v19, v45;
	[tilespmem:v17+s31+$0x0] =	vst.idx.add.f32.msk vm4, v4;
	v17 =	vcvt.f32.s32 v24;
	vm4 =	vlt.s32 v12, $0x3FF  }
0x1b1: {  	[tilespmem:v25+s0+$0x0] =	vst.idx.add.f32.msk vm3, v4;
	v25 =	vmul.f32 $1.024000000e+03, v11;
	v22 =	vtrunc.f32 v22;
	v12 =	vnsel vm4, $0x3FF, v12  }
0x1b2: {  	v29 =	vld [tilespmem:s11+$0xE000];
	vm4 =	vlt.f32 v56, $1.000000010e-01;
	vm5 =	vlt.s32 v17, $0x3FF;
	v30 =	vcvt.f32.s32 v22  }
0x1b3: {  	v24 =	vld [tilespmem:s10+$0x10010];
	v22 =	vadd.f32 v11, v16;
	v11 =	vnsel vm1, $0x0, v11;
	v31 =	vadd.s32 v3, v12  }
0x1b4: {  	v61 =	vld [tilespmem:s10+$0xA010];
	v12 =	vnsel vm0, $0x0, v39;
	v17 =	vnsel vm5, $0x3FF, v17;
	v16 =	vadd.f32 v11, v15  }
0x1b5: {  	v47 =	vld [tilespmem:s10+$0xE010];
	v11 =	vnsel vm3, $0x0, v27;
	v62 =	vadd.s32 v3, v17;
	v17 =	vtrunc.f32 v25  }
0x1b6: {  	v27 =	vld [tilespmem:s14+$0xC030];
	vm5 =	vlt.s32 v30, $0x3FF;
	v15 =	vadd.f32 v11, v23;
	v11 =	vmul.f32 v19, v19  }
0x1b7: {  	v25 =	vld [tilespmem:s10+$0xC010];
	v46 =	vcvt.f32.s32 v17;
	v30 =	vnsel vm5, $0x3FF, v30;
	v17 =	vnsel vm4, $0x0, v18  }
0x1b8: {  	v18 =	vadd.f32 v18, v13;
	v13 =	vsub.f32 v29, v63;
	v29 =	vnsel vm2, $0x0, v26  }
0x1b9: {  	v51 =	vld [tilespmem:s14+$0xA030];
	v17 =	vadd.f32 v17, v14;
	v30 =	vadd.s32 v3, v30;
	vm5 =	vlt.s32 v46, $0x3FF  }
0x1ba: {  	v49 =	vld [tilespmem:s10+$0x12010];
	v20 =	vadd.f32 v29, v20;
	v13 =	vmul.f32 v13, v13;
	v14 =	vnsel vm5, $0x3FF, v46  }
0x1bb: {  	v19 =	vsub.f32 v47, v61;
	v54 =	vsub.f32 v50, v27;
	v14 =	vadd.s32 v3, v14  }
0x1bc: {  	vm3 =	vlt.f32 v45, $1.000000010e-01;
	v13 =	vmul.f32 v48, v13;
	v23 =	vsub.f32 v24, v25;
	[tilespmem:v62+s31+$0x0] =	vst.idx.add.f32.msk vm2, v4  }
0x1bd: {  	vm5 =	vlt.f32 v63, $1.000000010e-01;
	v24 =	vmul.f32 v11, v48;
	v11 =	vmul.f32 v19, v19;
	[tilespmem:v31+s0+$0x0] =	vst.idx.add.f32.msk vm0, v4  }
0x1be: {  	v19 =	vadd.f32 v12, v58;
	v52 =	vmul.f32 $1.024000000e+03, v13;
	v23 =	vmul.f32 v23, v23;
	v59 =	vld [tilespmem:s18+$0x10020]  }
0x1bf: {  	vm0 =	vlt.f32 v51, $1.000000010e-01;
	v12 =	vnsel vm5, $0x0, v13;
	v26 =	vmul.f32 v49, v11;
	v32 =	vld [tilespmem:s18+$0xC020]  }
0x1c0: {  	v53 =	vld [tilespmem:s14+$0x12030];
	v11 =	vadd.f32 v12, v10;
	v23 =	vmul.f32 v23, v49;
	v10 =	vtrunc.f32 v52  }
0x1c1: {  	v12 =	vadd.f32 v13, v37;
	[tilespmem:v14+s31+$0x0] =	vst.idx.add.f32.msk vm1, v4;
	v14 =	vmul.f32 $1.024000000e+03, v24;
	v31 =	vcvt.f32.s32 v10  }
0x1c2: {  	v10 =	vadd.f32 v24, v60;
	[tilespmem:v30+s0+$0x0] =	vst.idx.add.f32.msk vm4, v4;
	v30 =	vmul.f32 $1.024000000e+03, v26;
	v29 =	vmul.f32 $1.024000000e+03, v23  }
0x1c3: {  	v55 =	vld [tilespmem:s14+$0xE030];
	v13 =	vtrunc.f32 v14;
	v14 =	vadd.f32 v26, v21;
	vm1 =	vlt.s32 v31, $0x3FF  }
0x1c4: {  	v57 =	vld [tilespmem:s18+$0xA020];
	v62 =	vsub.f32 v59, v32;
	v56 =	vcvt.f32.s32 v13;
	v13 =	vadd.f32 v23, v28  }
0x1c5: {  	v60 =	vld [tilespmem:s18+$0xE020];
	v28 =	vmul.f32 v54, v54;
	v58 =	vtrunc.f32 v29;
	v29 =	vnsel vm1, $0x3FF, v31  }
0x1c6: {  	vm1 =	vlt.f32 v27, $1.000000010e-01;
	v30 =	vtrunc.f32 v30;
	vm2 =	vlt.s32 v56, $0x3FF  }
0x1c7: {  	v36 =	vld [tilespmem:s18+$0x12020];
	v31 =	vadd.s32 v3, v29;
	v34 =	vmul.f32 v28, v53;
	v27 =	vnsel vm2, $0x3FF, v56  }
0x1c8: {  	v21 =	vld [tilespmem:s9+$0xC030];
	v33 =	vcvt.f32.s32 v58;
	v28 =	vsub.f32 v55, v51;
	v37 =	vadd.s32 v3, v27  }
0x1c9: {  	vm4 =	vlt.f32 v61, $1.000000010e-01;
	v29 =	vld [tilespmem:s9+$0x10030];
	v30 =	vcvt.f32.s32 v30;
	v27 =	vmul.f32 $1.024000000e+03, v34  }
0x1ca: {  	v43 =	vmul.f32 v62, v62;
	v63 =	vsub.f32 v60, v57;
	v42 =	vmul.f32 v28, v28;
	v28 =	vld [tilespmem:s9+$0xA030]  }
0x1cb: {  	vm2 =	vlt.f32 v57, $1.000000010e-01;
	vm6 =	vlt.s32 v33, $0x3FF;
	v61 =	vtrunc.f32 v27;
	v27 =	vld [tilespmem:s9+$0x12030]  }
0x1cc: {  	v40 =	vmul.f32 v53, v42;
	[tilespmem:v31+s31+$0x0] =	vst.idx.add.f32.msk vm5, v4;
	vm5 =	vlt.s32 v30, $0x3FF;
	v31 =	vcvt.f32.s32 v61  }
0x1cd: {  	v35 =	vmul.f32 v43, v36;
	v33 =	vnsel vm6, $0x3FF, v33;
	v30 =	vnsel vm5, $0x3FF, v30;
	[tilespmem:v37+s0+$0x0] =	vst.idx.add.f32.msk vm3, v4  }
0x1ce: {  	v39 =	vadd.s32 v3, v30;
	v41 =	vmul.f32 $1.024000000e+03, v40;
	vm5 =	vlt.s32 v31, $0x3FF;
	v37 =	vld [tilespmem:s11+$0x10010]  }
0x1cf: {  	s12 =	simm.s32 $0x500;
	v38 =	vnsel vm1, $0x0, v34;
	v42 =	vmul.f32 v63, v63;
	v30 =	vld [tilespmem:s11+$0xA010];
	v31 =	vnsel vm5, $0x3FF, v31  }
.LBB2_7:
0x1d0: {  	s13 =	sshra.s32 s12, $0x2;
	p2 =	sne.s32 s12, $0x7F00;
	s12 =	sadd.s32 $0x100, s12;
	v43 =	vld [tilespmem:s11+$0x12010];
	v41 =	vtrunc.f32 v41;
	v7 =	vadd.f32 v40, v7;
	v40 =	vnsel vm0, $0x0, v40  }
0x1d1: {  	v44 =	vld [tilespmem:s11+$0xE010];
	v36 =	vmul.f32 v36, v42;
	v42 =	vmul.f32 $1.024000000e+03, v35;
	v9 =	vadd.f32 v40, v9  }
0x1d2: {  	v6 =	vadd.f32 v34, v6;
	v8 =	vadd.f32 v38, v8;
	v41 =	vcvt.f32.s32 v41;
	v40 =	vld [tilespmem:s13+$0x10000]  }
0x1d3: {  	[tilespmem:v39+s31+$0x0] =	vst.idx.add.f32.msk vm4, v4;
	v34 =	vmul.f32 $1.024000000e+03, v36;
	v38 =	vtrunc.f32 v42;
	v22 =	vadd.f32 v36, v22  }
0x1d4: {  	v31 =	vadd.s32 v3, v31;
	vm5 =	vlt.s32 v41, $0x3FF;
	v39 =	vld [tilespmem:s13+$0xE000];
	v38 =	vcvt.f32.s32 v38  }
0x1d5: {  	vm6 =	vlt.f32 v32, $1.000000010e-01;
	v42 =	vld [tilespmem:s13+$0xA000];
	v32 =	vtrunc.f32 v34;
	v34 =	vnsel vm5, $0x3FF, v41  }
0x1d6: {  	v41 =	vld [tilespmem:s13+$0xC000];
	v32 =	vcvt.f32.s32 v32;
	vm5 =	vlt.s32 v38, $0x3FF;
	v34 =	vadd.s32 v3, v34  }
0x1d7: {  	v45 =	vnsel vm6, $0x0, v35;
	v36 =	vnsel vm2, $0x0, v36;
	v38 =	vnsel vm5, $0x3FF, v38  }
0x1d8: {  	v17 =	vadd.f32 v45, v17;
	v16 =	vadd.f32 v36, v16;
	v46 =	vld [tilespmem:s13+$0x12000];
	vm5 =	vlt.s32 v32, $0x3FF  }
0x1d9: {  	v24 =	vnsel vm3, $0x0, v24;
	v18 =	vadd.f32 v35, v18;
	v36 =	vld [tilespmem:s11+$0xC010];
	v32 =	vnsel vm5, $0x3FF, v32  }
0x1da: {  	v35 =	vsub.f32 v39, v42;
	vm5 =	vlt.f32 v42, $1.000000010e-01;
	v32 =	vadd.s32 v3, v32  }
0x1db: {  	v39 =	vsub.f32 v40, v41;
	v40 =	vnsel vm4, $0x0, v26;
	v26 =	vadd.s32 v3, v38;
	[tilespmem:v34+s31+$0x0] =	vst.idx.add.f32.msk vm0, v4  }
0x1dc: {  	v15 =	vadd.f32 v24, v15;
	v34 =	vmul.f32 v35, v35;
	[tilespmem:v31+s0+$0x0] =	vst.idx.add.f32.msk vm1, v4  }
0x1dd: {  	vm0 =	vlt.f32 v25, $1.000000010e-01;
	v31 =	vsub.f32 v44, v30;
	v24 =	vmul.f32 v39, v39  }
0x1de: {  	v33 =	vadd.s32 v3, v33;
	v34 =	vmul.f32 v46, v34;
	v35 =	vsub.f32 v37, v36;
	v25 =	vmovc v36  }
0x1df: {  	v23 =	vnsel vm0, $0x0, v23;
	v31 =	vmul.f32 v31, v31;
	v24 =	vmul.f32 v24, v46;
	[tilespmem:v32+s31+$0x0] =	vst.idx.add.f32.msk vm2, v4  }
0x1e0: {  	v19 =	vadd.f32 v23, v19;
	v32 =	vmul.f32 $1.024000000e+03, v34;
	v35 =	vmul.f32 v35, v35;
	[tilespmem:v26+s0+$0x0] =	vst.idx.add.f32.msk vm6, v4  }
0x1e1: {  	v23 =	vnsel vm5, $0x0, v34;
	v26 =	vmul.f32 v43, v31;
	v36 =	vmul.f32 $1.024000000e+03, v24;
	v31 =	vld [tilespmem:s18+$0xC030]  }
0x1e2: {  	v11 =	vadd.f32 v23, v11;
	v23 =	vmul.f32 v35, v43;
	v35 =	vsub.f32 v29, v21;
	v29 =	vld [tilespmem:s18+$0x10030]  }
0x1e3: {  	v12 =	vadd.f32 v34, v12;
	v32 =	vtrunc.f32 v32;
	v37 =	vmul.f32 $1.024000000e+03, v26;
	[tilespmem:v33+s0+$0x0] =	vst.idx.add.f32.msk vm0, v4  }
0x1e4: {  	v20 =	vadd.f32 v40, v20;
	v10 =	vadd.f32 v24, v10;
	v33 =	vcvt.f32.s32 v32;
	v38 =	vld [tilespmem:s10+$0x10020]  }
0x1e5: {  	v14 =	vadd.f32 v26, v14;
	v32 =	vtrunc.f32 v36;
	v34 =	vmul.f32 $1.024000000e+03, v23;
	v39 =	vld [tilespmem:s9+$0xE030];
	s9 =	smov.u32 s18;
	s18 =	smov.u32 s10;
	s10 =	smov.u32 s11  }
0x1e6: {  	v40 =	vcvt.f32.s32 v32;
	v13 =	vadd.f32 v23, v13;
	v35 =	vmul.f32 v35, v35;
	s11 =	smov.u32 s13;
	v42 =	vld [tilespmem:s18+$0xA020]  }
0x1e7: {  	vm0 =	vlt.f32 v28, $1.000000010e-01;
	vm1 =	vlt.s32 v33, $0x3FF;
	v43 =	vtrunc.f32 v34;
	v32 =	vld [tilespmem:s18+$0xC020]  }
0x1e8: {  	v33 =	vnsel vm1, $0x3FF, v33;
	vm2 =	vlt.s32 v40, $0x3FF;
	v34 =	vmul.f32 v35, v27;
	v36 =	vld [tilespmem:s18+$0x12020]  }
0x1e9: {  	vm3 =	vlt.f32 v41, $1.000000010e-01;
	vm1 =	vlt.f32 v21, $1.000000010e-01;
	v21 =	vmovc v31;
	v33 =	vadd.s32 v3, v33;
	v35 =	vld [tilespmem:s9+$0xA030]  }
0x1ea: {  	v31 =	vnsel vm2, $0x3FF, v40;
	v40 =	vcvt.f32.s32 v43;
	v41 =	vld [tilespmem:s9+$0x12030];
	v28 =	vsub.f32 v39, v28  }
0x1eb: {  	v31 =	vadd.s32 v3, v31;
	v43 =	vmul.f32 $1.024000000e+03, v34;
	v39 =	vld [tilespmem:s18+$0xE020];
	vm2 =	vlt.f32 v42, $1.000000010e-01  }
0x1ec: {  	v37 =	vtrunc.f32 v37;
	vm6 =	vlt.s32 v40, $0x3FF;
	v45 =	vmul.f32 v28, v28  }
0x1ed: {  	vm4 =	vlt.f32 v30, $1.000000010e-01;
	v30 =	vcvt.f32.s32 v37;
	v37 =	vtrunc.f32 v43  }
.Ltmp4:
0x1ee: {  	v43 =	vsub.f32 v38, v32;
	[tilespmem:v33+s31+$0x0] =	vst.idx.add.f32.msk vm5, v4;
	v33 =	vnsel vm6, $0x3FF, v40;
	v40 =	vmul.f32 v27, v45;
	(pc) =	sbr.rel @p2 .LBB2_7-.Ltmp4, $4  }
0x1ef: {  	v44 =	vcvt.f32.s32 v37;
	v38 =	vnsel vm1, $0x0, v34;
	vm5 =	vlt.s32 v30, $0x3FF;
	v28 =	vmovc v35;
	v27 =	vmovc v41  }
0x1f0: {  	v35 =	vmul.f32 v43, v43;
	v30 =	vnsel vm5, $0x3FF, v30;
	[tilespmem:v31+s0+$0x0] =	vst.idx.add.f32.msk vm3, v4;
	v31 =	vsub.f32 v39, v42  }
0x1f1: {  	vm5 =	vlt.s32 v44, $0x3FF;
	v39 =	vadd.s32 v3, v30;
	v41 =	vmul.f32 $1.024000000e+03, v40;
	v37 =	vld [tilespmem:s11+$0x10010]  }
0x1f2: {  	v35 =	vmul.f32 v35, v36;
	v30 =	vld [tilespmem:s11+$0xA010];
	v42 =	vmul.f32 v31, v31;
	v31 =	vnsel vm5, $0x3FF, v44  }
0x1f3: {  	v43 =	vld [tilespmem:s11+$0xE010]  }
0x1f4: {  	v44 =	vld [tilespmem:s11+$0xC010];
	_ =	sdelay $0x2  }
0x1f5: {  	v45 =	vld [tilespmem:s11+$0x12010]  }
0x1f6: {  	v41 =	vtrunc.f32 v41;
	vm8 =	vlt.f32 v25, $1.000000010e-01;
	v43 =	vsub.f32 v43, v30  }
0x1f7: {  	v34 =	vadd.f32 v34, v6;
	v33 =	vadd.s32 v3, v33;
	v37 =	vsub.f32 v37, v44  }
0x1f8: {  	v25 =	vadd.f32 v38, v8;
	v36 =	vmul.f32 v36, v42;
	v63 =	vmul.f32 v43, v43  }
0x1f9: {  	v42 =	vadd.f32 v40, v7;
	v7 =	vnsel vm0, $0x0, v40;
	v37 =	vmul.f32 v37, v37  }
0x1fa: {  	vm7 =	vlt.f32 v32, $1.000000010e-01;
	v43 =	vadd.f32 v7, v9;
	v7 =	vmul.f32 v45, v63  }
0x1fb: {  	v29 =	vsub.f32 v29, v21;
	v9 =	vmul.f32 $1.024000000e+03, v35;
	v6 =	vmul.f32 v37, v45  }
0x1fc: {  	v24 =	vnsel vm3, $0x0, v24;
	v26 =	vnsel vm4, $0x0, v26;
	v45 =	vmul.f32 $1.024000000e+03, v7  }
0x1fd: {  	v46 =	vtrunc.f32 v9;
	v9 =	vadd.f32 v36, v22;
	v22 =	vmul.f32 $1.024000000e+03, v6  }
0x1fe: {  	vm3 =	vlt.f32 v28, $1.000000010e-01;
	v41 =	vcvt.f32.s32 v41;
	v37 =	vtrunc.f32 v45  }
0x1ff: {  	[tilespmem:v39+s31+$0x0] =	vst.idx.add.f32.msk vm4, v4;
	vm4 =	vlt.f32 v21, $1.000000010e-01;
	v22 =	vtrunc.f32 v22;
	v47 =	vcvt.f32.s32 v37  }
0x200: {  	v48 =	vld [tilespmem:s9+$0xE030];
	v31 =	vadd.s32 v3, v31;
	vm5 =	vlt.s32 v41, $0x3FF;
	v22 =	vcvt.f32.s32 v22  }
0x201: {  	v29 =	vmul.f32 v29, v29;
	[tilespmem:v33+s0+$0x0] =	vst.idx.add.f32.msk vm8, v4;
	v37 =	vnsel vm5, $0x3FF, v41;
	vm12 =	vlt.s32 v47, $0x3FF  }
0x202: {  	v33 =	vld [tilespmem:s10+$0x10020];
	vm5 =	vlt.f32 v30, $1.000000010e-01;
	vm6 =	vlt.s32 v22, $0x3FF;
	v32 =	vnsel vm12, $0x3FF, v47  }
0x203: {  	v49 =	vld [tilespmem:s10+$0xA020];
	v22 =	vnsel vm6, $0x3FF, v22;
	vm6 =	vlt.f32 v44, $1.000000010e-01;
	v32 =	vadd.s32 v3, v32  }
0x204: {  	v51 =	vnsel vm7, $0x0, v35;
	v18 =	vadd.f32 v35, v18;
	v50 =	vld [tilespmem:s10+$0xE020];
	v22 =	vadd.s32 v3, v22  }
0x205: {  	v15 =	vadd.f32 v24, v15;
	v8 =	vmul.f32 $1.024000000e+03, v36;
	v29 =	vmul.f32 v29, v27;
	v52 =	vld [tilespmem:s10+$0xC020]  }
0x206: {  	v23 =	vnsel vm8, $0x0, v23;
	v26 =	vadd.f32 v26, v20;
	v17 =	vadd.f32 v51, v17  }
0x207: {  	v19 =	vadd.f32 v23, v19;
	v8 =	vtrunc.f32 v8;
	v55 =	vmul.f32 $1.024000000e+03, v29;
	v53 =	vld [tilespmem:s10+$0x12020]  }
0x208: {  	v54 =	vsub.f32 v48, v28;
	v34 =	vadd.f32 v29, v34;
	v29 =	vnsel vm4, $0x0, v29;
	[tilespmem:v32+s31+$0x0] =	vst.idx.add.f32.msk vm5, v4  }
0x209: {  	v8 =	vcvt.f32.s32 v8;
	v25 =	vadd.f32 v29, v25;
	v58 =	vtrunc.f32 v55;
	[tilespmem:v22+s0+$0x0] =	vst.idx.add.f32.msk vm6, v4  }
0x20a: {  	v36 =	vnsel vm2, $0x0, v36;
	v56 =	vsub.f32 v50, v49;
	v33 =	vsub.f32 v33, v52;
	v57 =	vld [tilespmem:s11+$0x10020]  }
0x20b: {  	v23 =	vcvt.f32.s32 v58;
	v16 =	vadd.f32 v36, v16;
	v36 =	vmul.f32 v54, v54;
	v60 =	vld [tilespmem:s11+$0xA020]  }
0x20c: {  	vm13 =	vlt.s32 v8, $0x3FF;
	v59 =	vmul.f32 v56, v56;
	v33 =	vmul.f32 v33, v33;
	v62 =	vld [tilespmem:s11+$0xE020]  }
0x20d: {  	v8 =	vnsel vm13, $0x3FF, v8;
	v38 =	vcvt.f32.s32 v46;
	v61 =	vmul.f32 v27, v36;
	v45 =	vld [tilespmem:s11+$0xC020]  }
0x20e: {  	v8 =	vadd.s32 v3, v8;
	v63 =	vmul.f32 v53, v59;
	v28 =	vmul.f32 v33, v53  }
0x20f: {  	vm14 =	vlt.s32 v23, $0x3FF;
	vm9 =	vlt.s32 v38, $0x3FF;
	v20 =	vmul.f32 $1.024000000e+03, v61  }
0x210: {  	v38 =	vnsel vm9, $0x3FF, v38;
	v46 =	vmul.f32 $1.024000000e+03, v63;
	v21 =	vmul.f32 $1.024000000e+03, v28;
	v47 =	vld [tilespmem:s11+$0x12020]  }
0x211: {  	v20 =	vtrunc.f32 v20;
	v22 =	vadd.s32 v3, v38;
	v36 =	vsub.f32 v62, v60  }
0x212: {  	v33 =	vtrunc.f32 v46;
	v21 =	vtrunc.f32 v21;
	v38 =	vsub.f32 v57, v45  }
0x213: {  	vm15 =	vlt.f32 v49, $1.000000010e-01;
	v33 =	vcvt.f32.s32 v33;
	v48 =	vmul.f32 v36, v36  }
0x214: {  	vm8 =	vlt.f32 v52, $1.000000010e-01;
	[tilespmem:v8+s31+$0x0] =	vst.idx.add.f32.msk vm2, v4;
	v21 =	vcvt.f32.s32 v21;
	v8 =	vmul.f32 v38, v38  }
0x215: {  	v20 =	vcvt.f32.s32 v20;
	vm11 =	vlt.s32 v33, $0x3FF;
	v30 =	vmul.f32 v47, v48  }
0x216: {  	vm12 =	vlt.s32 v21, $0x3FF;
	[tilespmem:v22+s0+$0x0] =	vst.idx.add.f32.msk vm7, v4;
	v22 =	vnsel vm11, $0x3FF, v33;
	v8 =	vmul.f32 v8, v47  }
0x217: {  	v21 =	vnsel vm12, $0x3FF, v21;
	v49 =	vld [tilespmem:s18+$0xC030];
	v22 =	vadd.s32 v3, v22;
	v51 =	vmul.f32 $1.024000000e+03, v30  }
0x218: {  	v23 =	vnsel vm14, $0x3FF, v23;
	v21 =	vadd.s32 v3, v21;
	v50 =	vld [tilespmem:s18+$0x10030];
	v53 =	vmul.f32 $1.024000000e+03, v8  }
0x219: {  	v27 =	vnsel vm3, $0x0, v61;
	vm13 =	vlt.s32 v20, $0x3FF;
	v55 =	vld [tilespmem:s18+$0x12030];
	v36 =	vtrunc.f32 v51  }
0x21a: {  	v54 =	vnsel vm13, $0x3FF, v20;
	v56 =	vld [tilespmem:s18+$0xA030];
	v20 =	vtrunc.f32 v53;
	v36 =	vcvt.f32.s32 v36  }
0x21b: {  	v52 =	vadd.f32 v61, v42;
	v27 =	vadd.f32 v27, v43;
	v57 =	vld [tilespmem:s18+$0xE030];
	v20 =	vcvt.f32.s32 v20  }
0x21c: {  	[tilespmem:v22+s31+$0x0] =	vst.idx.add.f32.msk vm15, v4;
	v22 =	vnsel vm15, $0x0, v63;
	vm15 =	vlt.f32 v60, $1.000000010e-01;
	vm14 =	vlt.s32 v36, $0x3FF  }
0x21d: {  	[tilespmem:v21+s0+$0x0] =	vst.idx.add.f32.msk vm8, v4;
	v21 =	vsub.f32 v50, v49;
	vm11 =	vlt.s32 v20, $0x3FF;
	v36 =	vnsel vm14, $0x3FF, v36  }
0x21e: {  	vm2 =	vlt.f32 v45, $1.000000010e-01;
	v29 =	vld [tilespmem:s10+$0xC030];
	v20 =	vnsel vm11, $0x3FF, v20;
	v58 =	vadd.s32 v3, v36  }
0x21f: {  	v9 =	vadd.f32 v63, v9;
	v62 =	vld [tilespmem:s10+$0xA030];
	v59 =	vmul.f32 v21, v21;
	v60 =	vadd.s32 v3, v20  }
0x220: {  	v23 =	vadd.s32 v3, v23;
	v16 =	vadd.f32 v22, v16;
	v63 =	vld [tilespmem:s10+$0x12030];
	v21 =	vadd.f32 v7, v14  }
0x221: {  	v14 =	vld [tilespmem:s10+$0x10030];
	v22 =	vmul.f32 v59, v55;
	v20 =	vadd.f32 v6, v13;
	v6 =	vnsel vm6, $0x0, v6  }
0x222: {  	v61 =	vnsel vm8, $0x0, v28;
	v28 =	vadd.f32 v28, v18;
	v18 =	vadd.f32 v6, v19;
	v19 =	vld [tilespmem:s10+$0xE030]  }
0x223: {  	v24 =	vadd.f32 v61, v17;
	v17 =	vmul.f32 $1.024000000e+03, v22;
	v13 =	vsub.f32 v57, v56;
	[tilespmem:v58+s31+$0x0] =	vst.idx.add.f32.msk vm15, v4  }
0x224: {  	v37 =	vadd.s32 v3, v37;
	v45 =	vadd.s32 v3, v54;
	v7 =	vnsel vm5, $0x0, v7;
	[tilespmem:v60+s0+$0x0] =	vst.idx.add.f32.msk vm2, v4  }
0x225: {  	vm5 =	vlt.f32 v49, $1.000000010e-01;
	v17 =	vtrunc.f32 v17;
	v13 =	vmul.f32 v13, v13;
	v46 =	vld [tilespmem:s11+$0xC030]  }
0x226: {  	v33 =	vnsel vm5, $0x0, v22;
	v22 =	vadd.f32 v22, v34;
	v6 =	vcvt.f32.s32 v17;
	v47 =	vld [tilespmem:s11+$0xA030]  }
0x227: {  	v17 =	vadd.f32 v7, v26;
	v7 =	vmul.f32 v55, v13;
	v13 =	vsub.f32 v14, v29;
	v14 =	vld [tilespmem:s11+$0xE030]  }
0x228: {  	vm7 =	vlt.f32 v62, $1.000000010e-01;
	vm11 =	vlt.f32 v29, $1.000000010e-01;
	vm12 =	vlt.s32 v6, $0x3FF;
	v40 =	vld [tilespmem:s11+$0x10030]  }
0x229: {  	vm6 =	vlt.f32 v56, $1.000000010e-01;
	v25 =	vadd.f32 v33, v25;
	v6 =	vnsel vm12, $0x3FF, v6  }
0x22a: {  	v48 =	vmul.f32 $1.024000000e+03, v7;
	v38 =	vadd.f32 v7, v52;
	v19 =	vsub.f32 v19, v62  }
0x22b: {  	v7 =	vnsel vm6, $0x0, v7;
	v13 =	vmul.f32 v13, v13;
	v6 =	vadd.s32 v3, v6;
	v51 =	vld [tilespmem:s11+$0x12030]  }
0x22c: {  	v35 =	vtrunc.f32 v48;
	v19 =	vmul.f32 v19, v19;
	v14 =	vsub.f32 v14, v47  }
0x22d: {  	v50 =	vmul.f32 v13, v63;
	v49 =	vcvt.f32.s32 v35;
	v52 =	vsub.f32 v40, v46  }
0x22e: {  	v7 =	vadd.f32 v7, v27;
	v53 =	vmul.f32 v63, v19;
	v14 =	vmul.f32 v14, v14  }
0x22f: {  	v13 =	vadd.f32 v30, v9;
	v9 =	vmul.f32 $1.024000000e+03, v50;
	v19 =	vmul.f32 v52, v52  }
0x230: {  	vm13 =	vlt.s32 v49, $0x3FF;
	v54 =	vmul.f32 $1.024000000e+03, v53;
	v55 =	vmul.f32 v51, v14  }
0x231: {  	v9 =	vtrunc.f32 v9;
	v27 =	vnsel vm13, $0x3FF, v49;
	v56 =	vmul.f32 v19, v51  }
0x232: {  	vm13 =	vlt.f32 v47, $1.000000010e-01;
	v57 =	vtrunc.f32 v54;
	v58 =	vmul.f32 $1.024000000e+03, v55  }
0x233: {  	v19 =	vnsel vm15, $0x0, v30;
	v30 =	vcvt.f32.s32 v57;
	v35 =	vmul.f32 $1.024000000e+03, v56  }
0x234: {  	v9 =	vcvt.f32.s32 v9;
	v14 =	vadd.s32 v3, v27;
	v33 =	vtrunc.f32 v58  }
0x235: {  	vm15 =	vlt.s32 v30, $0x3FF;
	v35 =	vtrunc.f32 v35;
	v33 =	vcvt.f32.s32 v33  }
0x236: {  	[tilespmem:v37+s31+$0x0] =	vst.idx.add.f32.msk vm0, v4;
	vm14 =	vlt.s32 v9, $0x3FF;
	v30 =	vnsel vm15, $0x3FF, v30;
	v59 =	vcvt.f32.s32 v35  }
0x237: {  	[tilespmem:v31+s0+$0x0] =	vst.idx.add.f32.msk vm1, v4;
	v9 =	vnsel vm14, $0x3FF, v9;
	v30 =	vadd.s32 v3, v30;
	vm12 =	vlt.s32 v33, $0x3FF  }
0x238: {  	[tilespmem:v45+s31+$0x0] =	vst.idx.add.f32.msk vm3, v4;
	v9 =	vadd.s32 v3, v9;
	vm14 =	vlt.s32 v59, $0x3FF;
	v60 =	vnsel vm12, $0x3FF, v33  }
0x239: {  	s22 =	sadd.s32 $0x1, s22;
	[tilespmem:v23+s0+$0x0] =	vst.idx.add.f32.msk vm4, v4;
	vm15 =	vlt.f32 v46, $1.000000010e-01;
	v23 =	vnsel vm14, $0x3FF, v59;
	v26 =	vadd.s32 v3, v60  }
0x23a: {  	p2 =	sne.s32 s22, $0x8;
	v61 =	vnsel vm2, $0x0, v8;
	v62 =	vadd.f32 v53, v38;
	[tilespmem:v14+s31+$0x0] =	vst.idx.add.f32.msk vm6, v4;
	v23 =	vadd.s32 v3, v23  }
.Ltmp5:
0x23b: {  	v19 =	vadd.f32 v19, v16;
	v16 =	vadd.f32 v8, v28;
	[tilespmem:v6+s0+$0x0] =	vst.idx.add.f32.msk vm5, v4;
	v6 =	vnsel vm7, $0x0, v53;
	(pc) =	sbr.rel @p2 .LBB2_4-.Ltmp5, $4  }
0x23c: {  	v8 =	vnsel vm11, $0x0, v50;
	v14 =	vadd.f32 v61, v24;
	v6 =	vadd.f32 v6, v7;
	[tilespmem:v30+s31+$0x0] =	vst.idx.add.f32.msk vm7, v4  }
0x23d: {  	v7 =	vadd.f32 v50, v22;
	v22 =	vadd.f32 v8, v25;
	v8 =	vnsel vm13, $0x0, v55;
	[tilespmem:v9+s0+$0x0] =	vst.idx.add.f32.msk vm11, v4  }
0x23e: {  	v63 =	vnsel vm15, $0x0, v56;
	v8 =	vadd.f32 v8, v6;
	v9 =	vadd.f32 v55, v62;
	[tilespmem:v26+s31+$0x0] =	vst.idx.add.f32.msk vm13, v4  }
0x23f: {  	v7 =	vadd.f32 v56, v7;
	v6 =	vadd.f32 v63, v22;
	[tilespmem:v23+s0+$0x0] =	vst.idx.add.f32.msk vm15, v4  }
0x240: {  	v12 =	vadd.f32 v21, v12  }
0x241: {  	v11 =	vadd.f32 v17, v11  }
0x242: {  	v10 =	vadd.f32 v20, v10;
	v12 =	vadd.f32 v13, v12  }
0x243: {  	v11 =	vadd.f32 v19, v11;
	v13 =	vadd.f32 v18, v15  }
0x244: {  	v10 =	vadd.f32 v16, v10;
	v9 =	vadd.f32 v9, v12  }
0x245: {  	v8 =	vadd.f32 v8, v11;
	v11 =	vadd.f32 v14, v13  }
0x246: {  	v7 =	vadd.f32 v7, v10;
	(xrf2) =	vadd.scan.msk.f32 $0xffff, v9  }
0x247: {  	v6 =	vadd.f32 v6, v11;
	(xrf2) =	vadd.scan.msk.f32 $0xffff, v8  }
0x248: {  	(xrf2) =	vadd.scan.msk.f32 $0xffff, v7  }
0x249: {  	(xrf2) =	vadd.scan.msk.f32 $0xffff, v6;
	_ =	sdelay $0x6  }
0x24a: {  	v6, _, _ =	vpop (xrf2)  }
0x24b: {  	v7, _, _ =	vpop (xrf2);
	v6 =	vbroadcast v6, $0xF  }
0x24c: {  	v8, _, _ =	vpop (xrf2);
	v7 =	vbroadcast v7, $0xF  }
0x24d: {  	[tilespmem:$0x1C800] =	vst v6;
	v6 =	vbroadcast v8, $0xF;
	v8, _, _ =	vpop (xrf2)  }
0x24e: {  	[tilespmem:$0x1C810] =	vst v7;
	v7 =	vbroadcast v8, $0xF  }
0x24f: {  	[tilespmem:$0x1C820] =	vst v6  }
0x250: {  	s1 =	simm.s32 $0x0;
	[tilespmem:$0x1C830] =	vst v7  }
0x251: {  	v6 =	vld [tilespmem:s1+$0x18000]  }
0x252: {  	v7 =	vld [tilespmem:s1+$0x14000]  }
0x253: {  	v8 =	vld [tilespmem:s1+$0x18400]  }
0x254: {  	v9 =	vld [tilespmem:s1+$0x14400]  }
0x255: {  	v10 =	vld [tilespmem:s1+$0x18800]  }
0x256: {  	v11 =	vld [tilespmem:s1+$0x14800];
	v6 =	vadd.f32 $0.0e+00, v6  }
0x257: {  	v12 =	vld [tilespmem:s1+$0x18C00];
	v7 =	vadd.f32 $0.0e+00, v7  }
0x258: {  	v6 =	vadd.f32 v8, v6;
	v8 =	vld [tilespmem:s1+$0x14C00]  }
0x259: {  	v13 =	vld [tilespmem:s1+$0x19000];
	v7 =	vadd.f32 v9, v7  }
0x25a: {  	v9 =	vld [tilespmem:s1+$0x15000];
	v6 =	vadd.f32 v10, v6  }
0x25b: {  	v10 =	vld [tilespmem:s1+$0x19400];
	v7 =	vadd.f32 v11, v7  }
0x25c: {  	v11 =	vld [tilespmem:s1+$0x15400];
	v6 =	vadd.f32 v12, v6  }
0x25d: {  	v12 =	vld [tilespmem:s1+$0x19800];
	v7 =	vadd.f32 v8, v7  }
0x25e: {  	v8 =	vld [tilespmem:s1+$0x15800];
	v6 =	vadd.f32 v13, v6  }
0x25f: {  	v13 =	vld [tilespmem:s1+$0x19C00];
	v7 =	vadd.f32 v9, v7  }
0x260: {  	v9 =	vld [tilespmem:s1+$0x15C00];
	v6 =	vadd.f32 v10, v6  }
0x261: {  	v10 =	vld [tilespmem:s1+$0x1A000];
	v7 =	vadd.f32 v11, v7  }
0x262: {  	v11 =	vld [tilespmem:s1+$0x16000];
	v6 =	vadd.f32 v12, v6  }
0x263: {  	v12 =	vld [tilespmem:s1+$0x1A400];
	v7 =	vadd.f32 v8, v7  }
0x264: {  	v8 =	vld [tilespmem:s1+$0x16400];
	v6 =	vadd.f32 v13, v6  }
0x265: {  	v13 =	vld [tilespmem:s1+$0x1A800];
	v7 =	vadd.f32 v9, v7  }
0x266: {  	v9 =	vld [tilespmem:s1+$0x16800];
	v6 =	vadd.f32 v10, v6  }
0x267: {  	v10 =	vld [tilespmem:s1+$0x1AC00];
	v7 =	vadd.f32 v11, v7  }
0x268: {  	v11 =	vld [tilespmem:s1+$0x16C00];
	v6 =	vadd.f32 v12, v6  }
0x269: {  	v12 =	vld [tilespmem:s1+$0x1B000];
	v7 =	vadd.f32 v8, v7  }
0x26a: {  	v6 =	vadd.f32 v13, v6;
	v13 =	vld [tilespmem:s1+$0x17000]  }
0x26b: {  	v14 =	vld [tilespmem:s1+$0x1B400];
	v8 =	vadd.f32 v9, v7  }
0x26c: {  	v9 =	vld [tilespmem:s1+$0x17400];
	v6 =	vadd.f32 v10, v6  }
0x26d: {  	v7 =	vld [tilespmem:s1+$0x1B800];
	v10 =	vadd.f32 v11, v8  }
0x26e: {  	v8 =	vld [tilespmem:s1+$0x17800];
	v12 =	vadd.f32 v12, v6  }
0x26f: {  	v6 =	vld [tilespmem:s1+$0x1BC00];
	v11 =	vadd.f32 v13, v10  }
0x270: {  	s9 =	simm.s32 $0x10;
	s10 =	simm.s32 $0x80;
	v10 =	vld [tilespmem:s1+$0x17C00];
	v12 =	vadd.f32 v14, v12  }
.LBB2_10:
0x271: {  	p2 =	sne.s32 s10, $0xFC0;
	v13 =	vld [tilespmem:s9+$0x18000];
	v9 =	vadd.f32 v9, v11  }
0x272: {  	v11 =	vld [tilespmem:s9+$0x14000];
	v7 =	vadd.f32 v7, v12  }
0x273: {  	v12 =	vld [tilespmem:s9+$0x18400];
	v8 =	vadd.f32 v8, v9  }
0x274: {  	v9 =	vld [tilespmem:s9+$0x14400];
	v6 =	vadd.f32 v6, v7  }
0x275: {  	v7 =	vld [tilespmem:s9+$0x18800];
	v8 =	vadd.f32 v10, v8  }
0x276: {  	v10 =	vadd.f32 $0.0e+00, v13;
	v13 =	vld [tilespmem:s9+$0x14800];
	[tilespmem:s1+$0x1C400] =	vst v6  }
0x277: {  	v6 =	vadd.f32 $0.0e+00, v11;
	v11 =	vld [tilespmem:s9+$0x18C00];
	[tilespmem:s1+$0x1C000] =	vst v8;
	s1 =	smov.u32 s9  }
0x278: {  	v8 =	vadd.f32 v12, v10;
	v10 =	vld [tilespmem:s1+$0x14C00]  }
0x279: {  	v6 =	vadd.f32 v9, v6;
	v9 =	vld [tilespmem:s1+$0x19000]  }
0x27a: {  	v7 =	vadd.f32 v7, v8;
	v8 =	vld [tilespmem:s1+$0x15000]  }
0x27b: {  	v6 =	vadd.f32 v13, v6;
	v12 =	vld [tilespmem:s1+$0x19400]  }
0x27c: {  	v7 =	vadd.f32 v11, v7;
	v11 =	vld [tilespmem:s1+$0x15400]  }
0x27d: {  	v6 =	vadd.f32 v10, v6;
	v10 =	vld [tilespmem:s1+$0x19800]  }
0x27e: {  	v7 =	vadd.f32 v9, v7;
	v9 =	vld [tilespmem:s1+$0x15800]  }
0x27f: {  	v6 =	vadd.f32 v8, v6;
	v8 =	vld [tilespmem:s1+$0x19C00]  }
0x280: {  	v7 =	vadd.f32 v12, v7;
	v12 =	vld [tilespmem:s1+$0x15C00]  }
0x281: {  	v6 =	vadd.f32 v11, v6;
	v11 =	vld [tilespmem:s1+$0x1A000]  }
0x282: {  	v7 =	vadd.f32 v10, v7;
	v10 =	vld [tilespmem:s1+$0x16000]  }
0x283: {  	v6 =	vadd.f32 v9, v6;
	v9 =	vld [tilespmem:s1+$0x1A400]  }
0x284: {  	v7 =	vadd.f32 v8, v7;
	v8 =	vld [tilespmem:s1+$0x16400]  }
0x285: {  	v6 =	vadd.f32 v12, v6;
	v12 =	vld [tilespmem:s1+$0x1A800]  }
0x286: {  	v7 =	vadd.f32 v11, v7;
	v11 =	vld [tilespmem:s1+$0x16800]  }
0x287: {  	v6 =	vadd.f32 v10, v6;
	v10 =	vld [tilespmem:s1+$0x1AC00]  }
0x288: {  	v7 =	vadd.f32 v9, v7;
	v13 =	vld [tilespmem:s1+$0x16C00]  }
0x289: {  	v6 =	vadd.f32 v8, v6;
	v8 =	vld [tilespmem:s1+$0x1B000]  }
0x28a: {  	v7 =	vadd.f32 v12, v7;
	v12 =	vld [tilespmem:s1+$0x17000]  }
0x28b: {  	v6 =	vadd.f32 v11, v6;
	v14 =	vld [tilespmem:s1+$0x1B400]  }
.Ltmp6:
0x28c: {  	v10 =	vadd.f32 v10, v7;
	v9 =	vld [tilespmem:s1+$0x17400];
	(pc) =	sbr.rel @p2 .LBB2_10-.Ltmp6, $4  }
0x28d: {  	v6 =	vadd.f32 v13, v6;
	v7 =	vld [tilespmem:s1+$0x1B800]  }
0x28e: {  	v10 =	vadd.f32 v8, v10;
	v8 =	vld [tilespmem:s1+$0x17800]  }
0x28f: {  	v11 =	vadd.f32 v12, v6;
	v6 =	vld [tilespmem:s1+$0x1BC00]  }
0x290: {  	s9 =	sshra.s32 s10, $0x2;
	s10 =	sadd.s32 $0x40, s10;
	v12 =	vadd.f32 v14, v10;
	v10 =	vld [tilespmem:s1+$0x17C00]  }
0x291: {  	v13 =	vld [tilespmem:s9+$0x18000]  }
0x292: {  	v14 =	vld [tilespmem:s9+$0x14000]  }
0x293: {  	v15 =	vld [tilespmem:s9+$0x18400]  }
0x294: {  	v16 =	vld [tilespmem:s9+$0x14400]  }
0x295: {  	v17 =	vld [tilespmem:s9+$0x18800]  }
0x296: {  	v18 =	vld [tilespmem:s9+$0x14800];
	v13 =	vadd.f32 $0.0e+00, v13  }
0x297: {  	v19 =	vld [tilespmem:s9+$0x18C00];
	v14 =	vadd.f32 $0.0e+00, v14  }
0x298: {  	v36 =	vld [tilespmem:s9+$0x14C00];
	v13 =	vadd.f32 v15, v13  }
0x299: {  	v37 =	vld [tilespmem:s9+$0x19000];
	v14 =	vadd.f32 v16, v14  }
0x29a: {  	v38 =	vld [tilespmem:s9+$0x15000];
	v13 =	vadd.f32 v17, v13  }
0x29b: {  	v39 =	vld [tilespmem:s9+$0x19400];
	v14 =	vadd.f32 v18, v14  }
0x29c: {  	v40 =	vld [tilespmem:s9+$0x15400];
	v13 =	vadd.f32 v19, v13  }
0x29d: {  	v41 =	vld [tilespmem:s9+$0x19800];
	v14 =	vadd.f32 v36, v14  }
0x29e: {  	v42 =	vld [tilespmem:s9+$0x15800];
	v13 =	vadd.f32 v37, v13  }
0x29f: {  	v43 =	vld [tilespmem:s9+$0x19C00];
	v14 =	vadd.f32 v38, v14  }
0x2a0: {  	v44 =	vld [tilespmem:s9+$0x15C00];
	v13 =	vadd.f32 v39, v13  }
0x2a1: {  	v45 =	vld [tilespmem:s9+$0x1A000];
	v14 =	vadd.f32 v40, v14  }
0x2a2: {  	v46 =	vld [tilespmem:s9+$0x16000];
	v13 =	vadd.f32 v41, v13  }
0x2a3: {  	v47 =	vld [tilespmem:s9+$0x1A400];
	v14 =	vadd.f32 v42, v14  }
0x2a4: {  	v48 =	vld [tilespmem:s9+$0x16400];
	v13 =	vadd.f32 v43, v13  }
0x2a5: {  	v49 =	vld [tilespmem:s9+$0x1A800];
	v14 =	vadd.f32 v44, v14  }
0x2a6: {  	v50 =	vld [tilespmem:s9+$0x16800];
	v13 =	vadd.f32 v45, v13  }
0x2a7: {  	v51 =	vld [tilespmem:s9+$0x1AC00];
	v14 =	vadd.f32 v46, v14  }
0x2a8: {  	v52 =	vld [tilespmem:s9+$0x16C00];
	v13 =	vadd.f32 v47, v13  }
0x2a9: {  	v53 =	vld [tilespmem:s9+$0x1B000];
	v14 =	vadd.f32 v48, v14  }
0x2aa: {  	v54 =	vld [tilespmem:s9+$0x17000];
	v13 =	vadd.f32 v49, v13  }
0x2ab: {  	v55 =	vld [tilespmem:s9+$0x1B400];
	v14 =	vadd.f32 v50, v14  }
0x2ac: {  	v56 =	vld [tilespmem:s9+$0x17400];
	v13 =	vadd.f32 v51, v13  }
0x2ad: {  	v57 =	vld [tilespmem:s9+$0x1B800];
	v14 =	vadd.f32 v52, v14  }
0x2ae: {  	v58 =	vld [tilespmem:s9+$0x17800];
	v13 =	vadd.f32 v53, v13  }
0x2af: {  	v9 =	vadd.f32 v9, v11;
	v60 =	vld [tilespmem:s9+$0x1BC00];
	v59 =	vadd.f32 v54, v14  }
0x2b0: {  	v62 =	vld [tilespmem:s9+$0x17C00];
	v7 =	vadd.f32 v7, v12;
	v61 =	vadd.f32 v55, v13  }
0x2b1: {  	v8 =	vadd.f32 v8, v9;
	v63 =	vadd.f32 v56, v59  }
0x2b2: {  	v6 =	vadd.f32 v6, v7;
	v7 =	vadd.f32 v57, v61  }
0x2b3: {  	v8 =	vadd.f32 v10, v8;
	v9 =	vadd.f32 v58, v63  }
0x2b4: {  	[tilespmem:s1+$0x1C400] =	vst v6;
	v6 =	vadd.f32 v60, v7  }
0x2b5: {  	[tilespmem:s1+$0x1C000] =	vst v8;
	v7 =	vadd.f32 v62, v9  }
0x2b6: {  	[tilespmem:s9+$0x1C400] =	vst v6  }
0x2b7: {  	[tilespmem:s9+$0x1C000] =	vst v7  }
0x2b8: {  	s14 =	simm.s32 $0x1C000;
	s1 =	rddreg [dreg:$0x8]  }
0x2b9: {  	[spmem:s1] =	stream.strided.scatter [tilespmem:s14], [sflag:$0x3], $0x880, s21, s20, $0x38;
	[tilespmem:$0x1E280] =	vst v63  }
0x2ba: {  	_ =	swait.ge [sflag:s23], $0x880  }
0x2bb: {  	[sflag:s23] =	ssyncset.done $0x0  }
0x2bc: {  	[sflag:s23] =	ssyncadd.s32 $0xFFFFF780  }
0x2bd: {  	s18 =	simm.s32 $0x1C880;
	[bflag:$0x0] =	sbarrier.arrive $0xFFFF  }
0x2be: {  	[tilespmem:s18], [sflag:$0x3] =	stream.strided.gather [spmem:s15], $0x880, s21, s20, $0x38;
	[tilespmem:$0x1E280] =	vst v63  }
0x2bf: {  	_ =	swait.ge [sflag:s23], $0x880  }
0x2c0: {  	[sflag:s23] =	ssyncset.done $0x0  }
.Ltmp7:
0x2c1: {  	s22 =	simm.s32 $0x1D100;
	[sflag:s23] =	ssyncadd.s32 $0xFFFFF780;
	(pc) =	sbr.rel @p0 .LBB2_17-.Ltmp7, $4  }
0x2c2: {  	[tilespmem:s22], [sflag:$0x3] =	stream.strided.gather [spmem:s16], $0x880, s21, s20, $0x38;
	[tilespmem:$0x1E280] =	vst v63  }
0x2c3: {  	_ =	swait.ge [sflag:s23], $0x880  }
0x2c4: {  	[sflag:s23] =	ssyncset.done $0x0  }
0x2c5: {  	[sflag:s23] =	ssyncadd.s32 $0xFFFFF780  }
0x2c6: {  	v6 =	vld [tilespmem:$0x1D080]  }
0x2c7: {  	v7 =	vld [tilespmem:$0x1D900]  }
0x2c8: {  	v8 =	vld [tilespmem:$0x1D090]  }
0x2c9: {  	v9 =	vld [tilespmem:$0x1D910];
	s9 =	simm.s32 $0x0  }
0x2ca: {  	v11 =	vld [tilespmem:s9+$0x1C880]  }
0x2cb: {  	v12 =	vimm.f32 $0.0e+00;
	s1 =	simm.s32 $0x40;
	v10 =	vld [tilespmem:s9+$0x1D100]  }
.LBB2_13:
0x2cc: {  	p2 =	sne.s32 s1, $0xFC0  }
.Ltmp8:
0x2cd: {  	_ = 	snop;
	(pc) =	sbr.rel @p2 .LBB2_13-.Ltmp8, $4  }
0x2ce: {  	_ = 	snop  }
0x2cf: {  	s9 =	sshra.s32 s1, $0x2;
	v12 =	vadd.f32 v11, v12  }
0x2d0: {  	v11 =	vld [tilespmem:s9+$0x1C880]  }
0x2d1: {  	s1 =	sadd.s32 $0x40, s1;
	v12 =	vadd.f32 v10, v12;
	v10 =	vld [tilespmem:s9+$0x1D100]  }
0x2d2: {  	_ =	sdelay $0x1  }
0x2d3: {  	s9 =	simm.s32 $0x1D4F0  }
0x2d4: {  	s1 =	simm.s32 $0x1CC70;
	v13 =	vld [tilespmem:s9+$0x0];
	v11 =	vadd.f32 v11, v12  }
0x2d5: {  	s11 =	simm.s32 $0x3F0;
	v12 =	vld [tilespmem:s1+$0x0]  }
0x2d6: {  	s1 =	scvt.s32.f32 s11;
	v10 =	vadd.f32 v10, v11;
	_ =	sdelay $0x1  }
0x2d7: {  	(xrf2) =	vadd.scan.msk.f32 $0xffff, v10;
	v10 =	vadd.f32 s1, v5  }
0x2d8: {  	v11 =	vmul.u32 $0xFFFFFFFF, v1  }
0x2d9: {  	v17 =	vadd.f32 v13, v12;
	v10 =	vadd.f32 $5.000000000e-01, v10  }
0x2da: {  	v13 =	vadd.s32 $0xF, v11  }
0x2db: {  	v11 =	vperm.xlane v17, v13;
	v19 =	vmul.f32 $9.765625000e-04, v10  }
0x2dc: {  	(xrf2) =	vadd.scan.msk.f32 $0xffff, v17  }
0x2dd: {  	s13 =	simm.s32 $0x1D4E0;
	(xrf2) =	vadd.scan.msk.f32 $0xffff, v11;
	v10 =	vmul.f32 v17, v19  }
0x2de: {  	s12 =	simm.s32 $0x1CC60;
	v14 =	vld [tilespmem:s13+$0x0]  }
0x2df: {  	v12 =	vld [tilespmem:s12+$0x0];
	v11 =	vperm.xlane v10, v13  }
0x2e0: {  	s14 =	simm.s32 $0x3E0;
	(xrf2) =	vadd.scan.msk.f32 $0xffff, v10  }
0x2e1: {  	s1 =	scvt.s32.f32 s14;
	v10, _, _ =	vpop (xrf2);
	(xrf2) =	vadd.scan.msk.f32 $0xffff, v11;
	_ =	sdelay $0x1  }
0x2e2: {  	v16 =	vadd.f32 s1, v5  }
0x2e3: {  	v15 =	vadd.f32 v14, v12;
	v11 =	vbroadcast v10, $0xF;
	_ =	sdelay $0x1  }
0x2e4: {  	v21 =	vperm.xlane v15, v13;
	v10 =	vsub.f32 $2.621440000e+05, v11;
	v20, _, _ =	vpop (xrf2)  }
0x2e5: {  	v14 =	vadd.f32 $5.000000000e-01, v16;
	v16, _, _ =	vpop (xrf2)  }
0x2e6: {  	s18 =	simm.s32 $0x3D0;
	(xrf2) =	vadd.scan.msk.f32 $0xffff, v15;
	v12 =	vmul.f32 $3.000000000e+00, v10;
	v22 =	vperm.xlane v16, v13  }
0x2e7: {  	v18 =	vimm.f32 $0.0e+00;
	s1 =	scvt.s32.f32 s18  }
0x2e8: {  	(xrf2) =	vadd.scan.msk.f32 $0xffff, v21;
	v23 =	vmax.f32 v12, $1.000000000e+00;
	v21, _, _ =	vpop (xrf2);
	v22 =	vadd.f32 v22, v18  }
0x2e9: {  	s22 =	simm.s32 $0x1CC50;
	v26 =	vadd.f32 s1, v5;
	v16 =	vmul.f32 $9.765625000e-04, v14;
	v14 =	vmin.f32 v23, $2.621440000e+05;
	v27, _, _ =	vpop (xrf2)  }
0x2ea: {  	s10 =	simm.s32 $0x1D4D0;
	v24 =	vld [tilespmem:s22+$0x0];
	v28 =	vsub.f32 v22, v14;
	v29 =	vadd.f32 $-5.000000000e+02, v22;
	v27 =	vperm.xlane v27, v13  }
0x2eb: {  	v30 =	vadd.f32 $5.000000000e-01, v26;
	v23 =	vld [tilespmem:s10+$0x0];
	v25 =	vmul.f32 v15, v16  }
0x2ec: {  	v26 =	vadd.f32 v27, v18;
	v27 =	vmul.f32 v28, v19;
	v19 =	vmul.f32 v29, v19  }
0x2ed: {  	v20 =	vbroadcast v20, $0xF;
	(xrf2) =	vadd.scan.msk.f32 $0xffff, v25  }
0x2ee: {  	v28 =	vperm.xlane v25, v13  }
0x2ef: {  	v20 =	vadd.f32 v20, v18;
	v29 =	vsub.f32 v22, v17  }
0x2f0: {  	v17 =	vadd.f32 v23, v24;
	v24 =	vsub.f32 v26, v19;
	v19, _, _ =	vpop (xrf2);
	(xrf2) =	vadd.scan.msk.f32 $0xffff, v28  }
0x2f1: {  	v21 =	vbroadcast v21, $0xF;
	vm0 =	vge.f32 v22, $5.000000000e+02;
	vm2 =	vge.f32 v22, v14  }
0x2f2: {  	v23 =	vsub.f32 v26, v27;
	vm1 =	vlt.f32 v29, v14;
	vm3 =	vlt.f32 v29, $5.000000000e+02  }
0x2f3: {  	v26 =	vperm.xlane v17, v13;
	vm1 =	vmand vm2, vm1;
	vm0 =	vmand vm0, vm3;
	(xrf2) =	vadd.scan.msk.f32 $0xffff, v17  }
0x2f4: {  	v22 =	vmovc v13;
	v27 =	vnsel vm1, $0x0, v23;
	v29 =	vnsel vm0, $0x0, v24;
	v23 =	vimm.f32 $0.0e+00  }
0x2f5: {  	s9 =	simm.s32 $0x1CC40;
	s1 =	simm.s32 $0x3C0;
	s10 =	simm.s32 $0x1D4C0;
	v24 =	vimm.f32 $0.0e+00;
	v25 =	vbroadcast v19, $0xF;
	v19 =	vmul.f32 $9.765625000e-04, v30;
	v28, _, _ =	vpop (xrf2)  }
.LBB2_15:
0x2f6: {  	v30 =	vld [tilespmem:s9+$0x0];
	s11 =	scvt.s32.f32 s1;
	p2 =	sne.s32 s1, $0x0;
	s1 =	sadd.s32 $0xFFFFFFF0, s1;
	(xrf2) =	vadd.scan.msk.f32 $0xffff, v26;
	v26 =	vperm.xlane v28, v22;
	v18 =	vadd.f32 v21, v18  }
0x2f7: {  	v23 =	vadd.f32 v27, v23;
	v24 =	vadd.f32 v29, v24;
	v28 =	vld [tilespmem:s10+$0x0];
	v31 =	vmul.f32 v17, v19;
	v21, _, _ =	vpop (xrf2)  }
0x2f8: {  	v27 =	vadd.f32 s11, v5;
	v29 =	vadd.f32 v26, v20;
	v21 =	vbroadcast v21, $0xF  }
0x2f9: {  	v20 =	vadd.f32 v25, v20;
	v26 =	vperm.xlane v31, v13;
	(xrf2) =	vadd.scan.msk.f32 $0xffff, v31  }
0x2fa: {  	v27 =	vadd.f32 $5.000000000e-01, v27;
	v25 =	vsub.f32 v29, v15;
	v15, _, _ =	vpop (xrf2)  }
0x2fb: {  	v32 =	vsub.f32 v29, v14;
	v33 =	vadd.f32 $-5.000000000e+02, v29;
	v31 =	vperm.xlane v15, v22;
	v15 =	vmovc v17;
	v22 =	vmovc v13  }
0x2fc: {  	vm0 =	vge.f32 v29, $5.000000000e+02;
	v17 =	vadd.f32 v28, v30;
	(xrf2) =	vadd.scan.msk.f32 $0xffff, v26  }
.Ltmp9:
0x2fd: {  	v28, _, _ =	vpop (xrf2);
	v30 =	vadd.f32 v31, v18;
	v31 =	vmul.f32 v32, v16;
	v32 =	vmul.f32 v33, v16;
	(pc) =	sbr.rel @p2 .LBB2_15-.Ltmp9, $4  }
0x2fe: {  	vm1 =	vlt.f32 v25, v14;
	vm2 =	vlt.f32 v25, $5.000000000e+02;
	v16 =	vmovc v19;
	v26 =	vperm.xlane v17, v13  }
0x2ff: {  	vm3 =	vge.f32 v29, v14;
	(xrf2) =	vadd.scan.msk.f32 $0xffff, v17;
	v29 =	vsub.f32 v30, v31;
	v30 =	vsub.f32 v30, v32  }
0x300: {  	vm1 =	vmand vm3, vm1;
	vm0 =	vmand vm0, vm2;
	v25 =	vbroadcast v28, $0xF;
	v28, _, _ =	vpop (xrf2)  }
0x301: {  	s9 =	sadd.s32 $0xFFFFFFF0, s9;
	s10 =	sadd.s32 $0xFFFFFFF0, s10;
	v19 =	vmul.f32 $9.765625000e-04, v27;
	v27 =	vnsel vm1, $0x0, v29;
	v29 =	vnsel vm0, $0x0, v30  }
0x302: {  	_ = 	snop  }
0x303: {  	(xrf2) =	vadd.scan.msk.f32 $0xffff, v26;
	v37 =	vmul.f32 v17, v19;
	_ =	sdelay $0x1  }
0x304: {  	v30 =	vperm.xlane v37, v13  }
0x305: {  	(xrf2) =	vadd.scan.msk.f32 $0xffff, v37  }
0x306: {  	(xrf2) =	vadd.scan.msk.f32 $0xffff, v30;
	_ =	sdelay $0x1  }
0x307: {  	v28 =	vperm.xlane v28, v22  }
0x308: {  	v38, _, _ =	vpop (xrf2)  }
0x309: {  	v18 =	vadd.f32 v21, v18;
	v42 =	vadd.f32 v28, v20;
	v39, _, _ =	vpop (xrf2)  }
0x30a: {  	v40 =	vadd.f32 v27, v23;
	v41 =	vadd.f32 v29, v24;
	v43, _, _ =	vpop (xrf2)  }
0x30b: {  	v44 =	vadd.f32 v25, v20;
	v26 =	vbroadcast v38, $0xF;
	v27 =	vsub.f32 v42, v14;
	v46, _, _ =	vpop (xrf2)  }
0x30c: {  	v28 =	vadd.f32 $-5.000000000e+02, v42;
	v15 =	vsub.f32 v42, v15;
	v25 =	vperm.xlane v46, v13  }
0x30d: {  	vm0 =	vge.f32 v42, $5.000000000e+02;
	vm3 =	vge.f32 v42, v14;
	v45 =	vperm.xlane v39, v22  }
0x30e: {  	v27 =	vmul.f32 v27, v16;
	v47 =	vmul.f32 v28, v16;
	v48, _, _ =	vpop (xrf2);
	v20 =	vadd.f32 v25, v44  }
0x30f: {  	vm1 =	vlt.f32 v15, v14;
	vm2 =	vlt.f32 v15, $5.000000000e+02;
	v22 =	vadd.f32 v45, v18;
	v49, _, _ =	vpop (xrf2)  }
0x310: {  	v18 =	vadd.f32 v26, v18;
	v51 =	vsub.f32 v20, v14;
	v50 =	vperm.xlane v49, v13  }
0x311: {  	vm1 =	vmand vm3, vm1;
	vm0 =	vmand vm0, vm2;
	v52 =	vsub.f32 v22, v27  }
0x312: {  	v53 =	vsub.f32 v20, v17;
	v15 =	vmul.f32 v51, v19;
	v13 =	vadd.f32 v50, v18  }
0x313: {  	v16 =	vsub.f32 v22, v47;
	v54 =	vnsel vm1, $0x0, v52;
	v55 =	vadd.f32 $-5.000000000e+02, v20  }
0x314: {  	vm11 =	vge.f32 v20, v14;
	vm10 =	vlt.f32 v53, v14;
	v15 =	vsub.f32 v13, v15  }
0x315: {  	v56 =	vmul.f32 v55, v19;
	v18 =	vadd.f32 v54, v40;
	vm1 =	vmand vm11, vm10  }
0x316: {  	v16 =	vnsel vm0, $0x0, v16;
	vm12 =	vge.f32 v20, $5.000000000e+02;
	v15 =	vnsel vm1, $0x0, v15  }
0x317: {  	vm13 =	vlt.f32 v53, $5.000000000e+02;
	v13 =	vsub.f32 v13, v56;
	v15 =	vadd.f32 v15, v18  }
0x318: {  	v16 =	vadd.f32 v16, v41;
	vm0 =	vmand vm12, vm13  }
0x319: {  	(erf) = vrcp.f32 v14;
	v13 =	vnsel vm0, $0x0, v13;
	(xrf2) =	vadd.scan.msk.f32 $0xffff, v15  }
0x31a: {  	v57 =	vmax.f32 v10, $1.000000000e+00;
	v13 =	vadd.f32 v13, v16  }
0x31b: {  	v58 =	vmax.f32 v11, $1.000000000e+00;
	(erf) = vrcp.f32 v57  }
0x31c: {  	(erf) = vrcp.f32 v58;
	(xrf2) =	vadd.scan.msk.f32 $0xffff, v13;
	_ =	sdelay $0x5  }
0x31d: {  	v59 =	vpop (erf)  }
0x31e: {  	v6 =	vadd.f32 v7, v6;
	v7 =	vadd.f32 v9, v8;
	v60, _, _ =	vpop (xrf2)  }
0x31f: {  	v61 =	vpop (erf);
	v8 =	vbroadcast v60, $0xF  }
0x320: {  	v6 =	vsub.f32 v6, v7;
	v14 =	vpop (erf)  }
0x321: {  	v7 =	vmul.f32 v14, v7;
	v62, _, _ =	vpop (xrf2);
	v8 =	vmul.f32 v8, v59  }
0x322: {  	vm14 =	vlt.f32 v11, v12;
	v6 =	vmul.f32 v61, v6;
	v13 =	vbroadcast v62, $0xF  }
0x323: {  	v7 =	vsel vm14, v7, v8  }
0x324: {  	v63 =	vmul.f32 v13, v2;
	v6 =	vadd.f32 v7, v6  }
0x325: {  	vm15 =	vgt.f32 v10, $0.0e+00  }
0x326: {  	s1 =	simm.s32 $0x0;
	v6 =	vsel vm15, v6, v63  }
.Ltmp10:
0x327: {  	s9 =	rddreg [dreg:$0x9];
	s10 =	simm.s32 $0x1D980;
	[tilespmem:$0x1D980] =	vst v6;
	(pc) =	sbr.rel @p1 .LBB2_22-.Ltmp10, $4  }
0x328: {  	[hbm4b:s9+s1] =	stream.linear.scatter [tilespmem:s10], [sflag:$0x3], $0x80, $0x38;
	[tilespmem:$0x1E280] =	vst v63  }
0x329: {  	_ =	swait.ge [sflag:s23], $0x80  }
0x32a: {  	[sflag:s23] =	ssyncset.done $0x0  }
0x32b: {  	[sflag:s23] =	ssyncadd.s32 $0xFFFFFF80  }
.LBB2_17:
0x32c: {  	v6 =	vld [tilespmem:$0x1D0A0]  }
0x32d: {  	v7 =	vld [tilespmem:$0x1D920]  }
0x32e: {  	v8 =	vld [tilespmem:$0x1D0B0]  }
0x32f: {  	v9 =	vld [tilespmem:$0x1D930];
	s9 =	simm.s32 $0x0  }
0x330: {  	v11 =	vld [tilespmem:s9+$0x1CC80]  }
0x331: {  	v12 =	vimm.f32 $0.0e+00;
	s1 =	simm.s32 $0x40;
	v10 =	vld [tilespmem:s9+$0x1D500]  }
.LBB2_18:
0x332: {  	p2 =	sne.s32 s1, $0xFC0  }
.Ltmp11:
0x333: {  	_ = 	snop;
	(pc) =	sbr.rel @p2 .LBB2_18-.Ltmp11, $4  }
0x334: {  	_ = 	snop  }
0x335: {  	s9 =	sshra.s32 s1, $0x2;
	v12 =	vadd.f32 v11, v12  }
0x336: {  	v11 =	vld [tilespmem:s9+$0x1CC80]  }
0x337: {  	s1 =	sadd.s32 $0x40, s1;
	v12 =	vadd.f32 v10, v12;
	v10 =	vld [tilespmem:s9+$0x1D500]  }
0x338: {  	_ =	sdelay $0x1  }
0x339: {  	s9 =	simm.s32 $0x1D8F0  }
0x33a: {  	s1 =	simm.s32 $0x1D070;
	v13 =	vld [tilespmem:s9+$0x0];
	v11 =	vadd.f32 v11, v12  }
0x33b: {  	s11 =	simm.s32 $0x3F0;
	v12 =	vld [tilespmem:s1+$0x0]  }
0x33c: {  	s1 =	scvt.s32.f32 s11;
	v10 =	vadd.f32 v10, v11;
	_ =	sdelay $0x1  }
0x33d: {  	(xrf2) =	vadd.scan.msk.f32 $0xffff, v10;
	v10 =	vadd.f32 s1, v5  }
0x33e: {  	v11 =	vmul.u32 $0xFFFFFFFF, v1  }
0x33f: {  	v17 =	vadd.f32 v13, v12;
	v10 =	vadd.f32 $5.000000000e-01, v10  }
0x340: {  	v13 =	vadd.s32 $0xF, v11  }
0x341: {  	v11 =	vperm.xlane v17, v13;
	v19 =	vmul.f32 $9.765625000e-04, v10  }
0x342: {  	(xrf2) =	vadd.scan.msk.f32 $0xffff, v17  }
0x343: {  	s13 =	simm.s32 $0x1D8E0;
	(xrf2) =	vadd.scan.msk.f32 $0xffff, v11;
	v10 =	vmul.f32 v17, v19  }
0x344: {  	s12 =	simm.s32 $0x1D060;
	v14 =	vld [tilespmem:s13+$0x0]  }
0x345: {  	v12 =	vld [tilespmem:s12+$0x0];
	v11 =	vperm.xlane v10, v13  }
0x346: {  	s14 =	simm.s32 $0x3E0;
	(xrf2) =	vadd.scan.msk.f32 $0xffff, v10  }
0x347: {  	s1 =	scvt.s32.f32 s14;
	v10, _, _ =	vpop (xrf2);
	(xrf2) =	vadd.scan.msk.f32 $0xffff, v11;
	_ =	sdelay $0x1  }
0x348: {  	v16 =	vadd.f32 s1, v5  }
0x349: {  	v15 =	vadd.f32 v14, v12;
	v11 =	vbroadcast v10, $0xF;
	_ =	sdelay $0x1  }
0x34a: {  	v21 =	vperm.xlane v15, v13;
	v10 =	vsub.f32 $2.621440000e+05, v11;
	v20, _, _ =	vpop (xrf2)  }
0x34b: {  	v14 =	vadd.f32 $5.000000000e-01, v16;
	v16, _, _ =	vpop (xrf2)  }
0x34c: {  	s18 =	simm.s32 $0x3D0;
	(xrf2) =	vadd.scan.msk.f32 $0xffff, v15;
	v12 =	vmul.f32 $3.000000000e+00, v10;
	v22 =	vperm.xlane v16, v13  }
0x34d: {  	v18 =	vimm.f32 $0.0e+00;
	s1 =	scvt.s32.f32 s18  }
0x34e: {  	(xrf2) =	vadd.scan.msk.f32 $0xffff, v21;
	v23 =	vmax.f32 v12, $1.000000000e+00;
	v21, _, _ =	vpop (xrf2);
	v22 =	vadd.f32 v22, v18  }
0x34f: {  	s22 =	simm.s32 $0x1D050;
	v26 =	vadd.f32 s1, v5;
	v16 =	vmul.f32 $9.765625000e-04, v14;
	v14 =	vmin.f32 v23, $2.621440000e+05;
	v27, _, _ =	vpop (xrf2)  }
0x350: {  	s10 =	simm.s32 $0x1D8D0;
	v24 =	vld [tilespmem:s22+$0x0];
	v28 =	vsub.f32 v22, v14;
	v29 =	vadd.f32 $-5.000000000e+02, v22;
	v27 =	vperm.xlane v27, v13  }
0x351: {  	v30 =	vadd.f32 $5.000000000e-01, v26;
	v23 =	vld [tilespmem:s10+$0x0];
	v25 =	vmul.f32 v15, v16  }
0x352: {  	v26 =	vadd.f32 v27, v18;
	v27 =	vmul.f32 v28, v19;
	v19 =	vmul.f32 v29, v19  }
0x353: {  	v20 =	vbroadcast v20, $0xF;
	(xrf2) =	vadd.scan.msk.f32 $0xffff, v25  }
0x354: {  	v28 =	vperm.xlane v25, v13  }
0x355: {  	v20 =	vadd.f32 v20, v18;
	v29 =	vsub.f32 v22, v17  }
0x356: {  	v17 =	vadd.f32 v23, v24;
	v24 =	vsub.f32 v26, v19;
	v19, _, _ =	vpop (xrf2);
	(xrf2) =	vadd.scan.msk.f32 $0xffff, v28  }
0x357: {  	v21 =	vbroadcast v21, $0xF;
	vm0 =	vge.f32 v22, $5.000000000e+02;
	vm2 =	vge.f32 v22, v14  }
0x358: {  	v23 =	vsub.f32 v26, v27;
	vm1 =	vlt.f32 v29, v14;
	vm3 =	vlt.f32 v29, $5.000000000e+02  }
0x359: {  	v26 =	vperm.xlane v17, v13;
	vm1 =	vmand vm2, vm1;
	vm0 =	vmand vm0, vm3;
	(xrf2) =	vadd.scan.msk.f32 $0xffff, v17  }
0x35a: {  	v22 =	vmovc v13;
	v27 =	vnsel vm1, $0x0, v23;
	v29 =	vnsel vm0, $0x0, v24;
	v23 =	vimm.f32 $0.0e+00  }
0x35b: {  	s9 =	simm.s32 $0x1D040;
	s1 =	simm.s32 $0x3C0;
	s10 =	simm.s32 $0x1D8C0;
	v24 =	vimm.f32 $0.0e+00;
	v25 =	vbroadcast v19, $0xF;
	v19 =	vmul.f32 $9.765625000e-04, v30;
	v28, _, _ =	vpop (xrf2)  }
.LBB2_20:
0x35c: {  	v30 =	vld [tilespmem:s9+$0x0];
	s11 =	scvt.s32.f32 s1;
	p2 =	sne.s32 s1, $0x0;
	s1 =	sadd.s32 $0xFFFFFFF0, s1;
	(xrf2) =	vadd.scan.msk.f32 $0xffff, v26;
	v26 =	vperm.xlane v28, v22;
	v18 =	vadd.f32 v21, v18  }
0x35d: {  	v23 =	vadd.f32 v27, v23;
	v24 =	vadd.f32 v29, v24;
	v28 =	vld [tilespmem:s10+$0x0];
	v31 =	vmul.f32 v17, v19;
	v21, _, _ =	vpop (xrf2)  }
0x35e: {  	v27 =	vadd.f32 s11, v5;
	v29 =	vadd.f32 v26, v20;
	v21 =	vbroadcast v21, $0xF  }
0x35f: {  	v20 =	vadd.f32 v25, v20;
	v26 =	vperm.xlane v31, v13;
	(xrf2) =	vadd.scan.msk.f32 $0xffff, v31  }
0x360: {  	v27 =	vadd.f32 $5.000000000e-01, v27;
	v25 =	vsub.f32 v29, v15;
	v15, _, _ =	vpop (xrf2)  }
0x361: {  	v32 =	vsub.f32 v29, v14;
	v33 =	vadd.f32 $-5.000000000e+02, v29;
	v31 =	vperm.xlane v15, v22;
	v15 =	vmovc v17;
	v22 =	vmovc v13  }
0x362: {  	vm0 =	vge.f32 v29, $5.000000000e+02;
	v17 =	vadd.f32 v28, v30;
	(xrf2) =	vadd.scan.msk.f32 $0xffff, v26  }
.Ltmp12:
0x363: {  	v28, _, _ =	vpop (xrf2);
	v30 =	vadd.f32 v31, v18;
	v31 =	vmul.f32 v32, v16;
	v32 =	vmul.f32 v33, v16;
	(pc) =	sbr.rel @p2 .LBB2_20-.Ltmp12, $4  }
0x364: {  	vm1 =	vlt.f32 v25, v14;
	vm2 =	vlt.f32 v25, $5.000000000e+02;
	v16 =	vmovc v19;
	v26 =	vperm.xlane v17, v13  }
0x365: {  	vm3 =	vge.f32 v29, v14;
	(xrf2) =	vadd.scan.msk.f32 $0xffff, v17;
	v29 =	vsub.f32 v30, v31;
	v30 =	vsub.f32 v30, v32  }
0x366: {  	vm1 =	vmand vm3, vm1;
	vm0 =	vmand vm0, vm2;
	v25 =	vbroadcast v28, $0xF;
	v28, _, _ =	vpop (xrf2)  }
0x367: {  	s9 =	sadd.s32 $0xFFFFFFF0, s9;
	s10 =	sadd.s32 $0xFFFFFFF0, s10;
	v19 =	vmul.f32 $9.765625000e-04, v27;
	v27 =	vnsel vm1, $0x0, v29;
	v29 =	vnsel vm0, $0x0, v30  }
0x368: {  	_ = 	snop  }
0x369: {  	(xrf2) =	vadd.scan.msk.f32 $0xffff, v26;
	v37 =	vmul.f32 v17, v19;
	_ =	sdelay $0x1  }
0x36a: {  	v30 =	vperm.xlane v37, v13  }
0x36b: {  	(xrf2) =	vadd.scan.msk.f32 $0xffff, v37  }
0x36c: {  	(xrf2) =	vadd.scan.msk.f32 $0xffff, v30;
	_ =	sdelay $0x1  }
0x36d: {  	v28 =	vperm.xlane v28, v22  }
0x36e: {  	v38, _, _ =	vpop (xrf2)  }
0x36f: {  	v18 =	vadd.f32 v21, v18;
	v42 =	vadd.f32 v28, v20;
	v39, _, _ =	vpop (xrf2)  }
0x370: {  	v40 =	vadd.f32 v27, v23;
	v41 =	vadd.f32 v29, v24;
	v43, _, _ =	vpop (xrf2)  }
0x371: {  	v44 =	vadd.f32 v25, v20;
	v26 =	vbroadcast v38, $0xF;
	v27 =	vsub.f32 v42, v14;
	v46, _, _ =	vpop (xrf2)  }
0x372: {  	v28 =	vadd.f32 $-5.000000000e+02, v42;
	v15 =	vsub.f32 v42, v15;
	v25 =	vperm.xlane v46, v13  }
0x373: {  	vm0 =	vge.f32 v42, $5.000000000e+02;
	vm3 =	vge.f32 v42, v14;
	v45 =	vperm.xlane v39, v22  }
0x374: {  	v27 =	vmul.f32 v27, v16;
	v47 =	vmul.f32 v28, v16;
	v48, _, _ =	vpop (xrf2);
	v20 =	vadd.f32 v25, v44  }
0x375: {  	vm1 =	vlt.f32 v15, v14;
	vm2 =	vlt.f32 v15, $5.000000000e+02;
	v22 =	vadd.f32 v45, v18;
	v49, _, _ =	vpop (xrf2)  }
0x376: {  	v18 =	vadd.f32 v26, v18;
	v51 =	vsub.f32 v20, v14;
	v50 =	vperm.xlane v49, v13  }
0x377: {  	vm1 =	vmand vm3, vm1;
	vm0 =	vmand vm0, vm2;
	v52 =	vsub.f32 v22, v27  }
0x378: {  	v53 =	vsub.f32 v20, v17;
	v15 =	vmul.f32 v51, v19;
	v13 =	vadd.f32 v50, v18  }
0x379: {  	v16 =	vsub.f32 v22, v47;
	v54 =	vnsel vm1, $0x0, v52;
	v55 =	vadd.f32 $-5.000000000e+02, v20  }
0x37a: {  	vm11 =	vge.f32 v20, v14;
	vm10 =	vlt.f32 v53, v14;
	v15 =	vsub.f32 v13, v15  }
0x37b: {  	v56 =	vmul.f32 v55, v19;
	v18 =	vadd.f32 v54, v40;
	vm1 =	vmand vm11, vm10  }
0x37c: {  	v16 =	vnsel vm0, $0x0, v16;
	vm12 =	vge.f32 v20, $5.000000000e+02;
	v15 =	vnsel vm1, $0x0, v15  }
0x37d: {  	vm13 =	vlt.f32 v53, $5.000000000e+02;
	v13 =	vsub.f32 v13, v56;
	v15 =	vadd.f32 v15, v18  }
0x37e: {  	v16 =	vadd.f32 v16, v41;
	vm0 =	vmand vm12, vm13  }
0x37f: {  	(erf) = vrcp.f32 v14;
	v13 =	vnsel vm0, $0x0, v13;
	(xrf2) =	vadd.scan.msk.f32 $0xffff, v15  }
0x380: {  	v57 =	vmax.f32 v10, $1.000000000e+00;
	v13 =	vadd.f32 v13, v16  }
0x381: {  	v58 =	vmax.f32 v11, $1.000000000e+00;
	(erf) = vrcp.f32 v57  }
0x382: {  	(erf) = vrcp.f32 v58;
	(xrf2) =	vadd.scan.msk.f32 $0xffff, v13;
	_ =	sdelay $0x5  }
0x383: {  	v59 =	vpop (erf)  }
0x384: {  	v6 =	vadd.f32 v7, v6;
	v7 =	vadd.f32 v9, v8;
	v60, _, _ =	vpop (xrf2)  }
0x385: {  	v61 =	vpop (erf);
	v8 =	vbroadcast v60, $0xF  }
0x386: {  	v6 =	vsub.f32 v6, v7;
	v14 =	vpop (erf)  }
0x387: {  	v7 =	vmul.f32 v14, v7;
	v62, _, _ =	vpop (xrf2);
	v8 =	vmul.f32 v8, v59  }
0x388: {  	vm14 =	vlt.f32 v11, v12;
	v6 =	vmul.f32 v61, v6;
	v13 =	vbroadcast v62, $0xF  }
0x389: {  	v7 =	vsel vm14, v7, v8  }
0x38a: {  	v63 =	vmul.f32 v13, v2;
	v6 =	vadd.f32 v7, v6  }
0x38b: {  	vm15 =	vgt.f32 v10, $0.0e+00  }
0x38c: {  	s1 =	simm.s32 $0x0;
	v6 =	vsel vm15, v6, v63  }
.Ltmp13:
0x38d: {  	s9 =	rddreg [dreg:$0xa];
	s10 =	simm.s32 $0x1D980;
	[tilespmem:$0x1D980] =	vst v6;
	(pc) =	sbr.rel .LBB2_22-.Ltmp13, $4  }
0x38e: {  	[hbm4b:s9+s1] =	stream.linear.scatter [tilespmem:s10], [sflag:$0x3], $0x80, $0x38;
	[tilespmem:$0x1E280] =	vst v63  }
0x38f: {  	_ =	swait.ge [sflag:s23], $0x80  }
0x390: {  	[sflag:s23] =	ssyncset.done $0x0  }
0x391: {  	[sflag:s23] =	ssyncadd.s32 $0xFFFFFF80  }
.LBB2_23:
0x392: {  	_ =	sfence.sel $0x180000  }
0x393: {  	[bflag:$0x0] =	sbarrier.arrive $0xFFFF  }
0x394: {  	_ =	strace $0x90000047  }
0x395: {  	s0 =	stileid.u32;
	[bflag:$0x2] =	sbarrier.arrive $0xFFFF  }
0x396: {  	p0 =	sne.s32 s0, $0x0;
	s0 =	rddreg [dreg:$0x2]  }
0x397: {  	s0 =	sadd.s32 @!p0 $0x100000, s0  }
0x398: {  	[sflag:s0] =	ssyncadd.tile.s32 @!p0 $0x1;
	_ =	shalt  }
.Lfunc_end2:
_tile_overlayer_lowered:
.L_overlay_start_2:
0x399: {  	(tag) =	ssettag $0x2  }
0x39a: {  	s0 =	rddreg [dreg:$0x0];
	s2 =	stileid.u32  }
0x39b: {  	s1 =	rddreg [dreg:$0x1];
	p0 =	sne.s32 s2, $0x0  }
0x39c: {  	s3 =	rddreg [dreg:$0x2];
	[bflag:$0x3] =	sbarrier.arrive $0xFFFF;
	s2 =	simm.s32 @!p0 $0x1C03  }
0x39d: {  	[timem:s3], [sflag:s2] =	dma.local @!p0 [hbm:s0], s1  }
0x39e: {  	s0 =	simm.s32 @!p0 $0x3  }
0x39f: {  	_ =	swait.ge @!p0 [sflag:s0], s1  }
0x3a0: {  	s1 =	ssub.s32 @!p0 $0x0, s1;
	[sflag:s0] =	ssyncset.done @!p0 $0x0  }
0x3a1: {  	[sflag:s0] =	ssyncadd.s32 @!p0 s1  }
0x3a2: {  	[bflag:$0x3] =	sbarrier.arrive $0xFFFF  }
0x3a3: {  	_ =	shalt  }

</sc_bundles>
